<compile_context>
chip_gen: v7x
topology: tpu7x:2x2x1
jax: 0.10.2.dev20260603
libtpu: 0.0.44.dev20260713+nightly
codegen_flags: <defaults>
</compile_context>

<pallas_src>
import functools

import jax
import jax.numpy as jnp
from jax import lax
from jax.experimental import pallas as pl
from jax.experimental.pallas import tpu as pltpu
from jax.experimental.pallas import tpu_sc as plsc

N_NODES = 10000
N_EDGES = 320000
D = 128

NC = 2
NS = 16
NW = NC * NS
EPW = N_EDGES // NW
CH = 128
EPWP = 10240
NCH = EPWP // CH
NCHH = NCH // 2
NPAD = 10240
DSL = NPAD // NS
NR = 10240
RSL = NR // NS

_MESH = plsc.VectorSubcoreMesh(core_axis_name="c", subcore_axis_name="s")



def _deg_body(dst_hbm, out_hbm, idx_v, ones_v, zero_v, deg_sh, sem):
    del sem
    cid = lax.axis_index("c")
    sid = lax.axis_index("s")
    wid = sid * NC + cid
    pltpu.sync_copy(dst_hbm.at[wid], idx_v)
    for i in range(CH // 16):
        ones_v[pl.ds(i * 16, 16)] = jnp.full((16,), 1.0, jnp.float32)
    for i in range(DSL // 16):
        zero_v[pl.ds(i * 16, 16)] = jnp.zeros((16,), jnp.float32)
    pltpu.sync_copy(zero_v, deg_sh.at[pl.ds(sid * DSL, DSL)])
    plsc.subcore_barrier()

    @pl.loop(0, NCH)
    def _chunk(j):
        pltpu.sync_copy(ones_v, deg_sh.at[idx_v.at[j]], add=True)

    plsc.subcore_barrier()
    pltpu.sync_copy(deg_sh.at[pl.ds(sid * DSL, DSL)],
                    out_hbm.at[cid, pl.ds(sid * DSL, DSL)])


@functools.partial(
    pl.kernel,
    out_type=jax.ShapeDtypeStruct((NC, NPAD), jnp.float32),
    mesh=_MESH,
    scratch_types=[
        pltpu.VMEM((NCH, CH), jnp.int32),
        pltpu.VMEM((CH,), jnp.float32),
        pltpu.VMEM((DSL,), jnp.float32),
        pltpu.VMEM_SHARED((NPAD,), jnp.float32),
        pltpu.SemaphoreType.DMA,
    ],
)
def _deg_kernel(dst_hbm, out_hbm, idx_v, ones_v, zero_v, deg_sh, sem):
    _deg_body(dst_hbm, out_hbm, idx_v, ones_v, zero_v, deg_sh, sem)


def _scatter_body(g_hbm, src_hbm, dst_hbm, out_hbm,
                  sidx_v, didx_v, rows_v, acc_sh, gsem0, gsem1,
                  ssem0, ssem1):
    cid = lax.axis_index("c")
    sid = lax.axis_index("s")
    wid = sid * NC + cid

    @pl.loop(0, CH)
    def _zrow(i):
        for k in range(D // 16):
            rows_v[0, i, pl.ds(k * 16, 16)] = jnp.zeros((16,), jnp.float32)

    for r in range(RSL // CH):
        pltpu.sync_copy(rows_v.at[0],
                        acc_sh.at[pl.ds(sid * RSL + r * CH, CH)])
    plsc.subcore_barrier()

    def gather(j, buf, sem):
        pltpu.async_copy(g_hbm.at[sidx_v.at[j]], rows_v.at[buf], sem)

    def gwait(j, buf, sem):
        pltpu.make_async_copy(g_hbm.at[sidx_v.at[j]], rows_v.at[buf],
                              sem).wait()

    def scat(j, buf, sem):
        pltpu.async_copy(rows_v.at[buf], acc_sh.at[didx_v.at[j]], sem,
                         add=True)

    def swait(j, buf, sem):
        pltpu.make_async_copy(rows_v.at[buf], acc_sh.at[didx_v.at[j]],
                              sem).wait()

    for hp in range(2):
        pltpu.sync_copy(src_hbm.at[wid, hp], sidx_v)
        pltpu.sync_copy(dst_hbm.at[wid, hp], didx_v)
        gather(0, 0, gsem0)
        gather(1, 1, gsem1)

        @pl.loop(0, (NCHH - 2) // 2)
        def _pair(p):
            j = 2 * p
            gwait(j, 0, gsem0)
            scat(j, 0, ssem0)
            swait(j, 0, ssem0)
            gather(j + 2, 0, gsem0)
            gwait(j + 1, 1, gsem1)
            scat(j + 1, 1, ssem1)
            swait(j + 1, 1, ssem1)
            gather(j + 3, 1, gsem1)

        gwait(NCHH - 2, 0, gsem0)
        scat(NCHH - 2, 0, ssem0)
        swait(NCHH - 2, 0, ssem0)
        gwait(NCHH - 1, 1, gsem1)
        scat(NCHH - 1, 1, ssem1)
        swait(NCHH - 1, 1, ssem1)

    plsc.subcore_barrier()
    pltpu.sync_copy(acc_sh.at[pl.ds(sid * RSL, RSL)],
                    out_hbm.at[cid, pl.ds(sid * RSL, RSL)])


@functools.partial(
    pl.kernel,
    out_type=jax.ShapeDtypeStruct((NC, NR, D), jnp.float32),
    mesh=_MESH,
    scratch_types=[
        pltpu.VMEM((NCHH, CH), jnp.int32),
        pltpu.VMEM((NCHH, CH), jnp.int32),
        pltpu.VMEM((2, CH, D), jnp.float32),
        pltpu.VMEM_SHARED((NR, D), jnp.float32),
        pltpu.SemaphoreType.DMA,
        pltpu.SemaphoreType.DMA,
        pltpu.SemaphoreType.DMA,
        pltpu.SemaphoreType.DMA,
    ],
)
def _scatter_kernel(g_hbm, src_hbm, dst_hbm, out_hbm,
                    sidx_v, didx_v, rows_v, acc_sh, gsem0, gsem1,
                    ssem0, ssem1):
    _scatter_body(g_hbm, src_hbm, dst_hbm, out_hbm,
                  sidx_v, didx_v, rows_v, acc_sh, gsem0, gsem1,
                  ssem0, ssem1)



RB = 2000
NRB = N_NODES // RB


def _dis(degp_ref):
    return lax.rsqrt(degp_ref[0] + degp_ref[1] + 1.0)


def _pre_body(x_ref, w_ref, degp_ref, o_ref):
    h = jnp.dot(x_ref[...], w_ref[...], preferred_element_type=jnp.float32)
    o_ref[...] = h * _dis(degp_ref)


def _pre_kernel(x, w, degp):
    return pl.pallas_call(
        _pre_body,
        grid=(NRB,),
        in_specs=[
            pl.BlockSpec((RB, D), lambda i: (i, 0)),
            pl.BlockSpec((D, D), lambda i: (0, 0)),
            pl.BlockSpec((NC, RB, 1), lambda i: (0, i, 0)),
        ],
        out_specs=pl.BlockSpec((RB, D), lambda i: (i, 0)),
        out_shape=jax.ShapeDtypeStruct((N_NODES, D), jnp.float32),
    )(x, w, degp)


def _mid_body(t_ref, g_ref, degp_ref, b_ref, w_ref, o_ref):
    dis = _dis(degp_ref)
    tsum = t_ref[0] + t_ref[1] + g_ref[...]
    h = jnp.maximum(tsum * dis + b_ref[...], 0.0)
    o_ref[...] = jnp.dot(h, w_ref[...],
                         preferred_element_type=jnp.float32) * dis


def _mid_kernel(t, g, degp, b, w):
    return pl.pallas_call(
        _mid_body,
        grid=(NRB,),
        in_specs=[
            pl.BlockSpec((NC, RB, D), lambda i: (0, i, 0)),
            pl.BlockSpec((RB, D), lambda i: (i, 0)),
            pl.BlockSpec((NC, RB, 1), lambda i: (0, i, 0)),
            pl.BlockSpec((1, D), lambda i: (0, 0)),
            pl.BlockSpec((D, D), lambda i: (0, 0)),
        ],
        out_specs=pl.BlockSpec((RB, D), lambda i: (i, 0)),
        out_shape=jax.ShapeDtypeStruct((N_NODES, D), jnp.float32),
    )(t, g, degp, b, w)


def _fin_body(t_ref, g_ref, degp_ref, b_ref, o_ref):
    tsum = t_ref[0] + t_ref[1] + g_ref[...]
    o_ref[...] = tsum * _dis(degp_ref) + b_ref[...]


def _fin_kernel(t, g, degp, b):
    return pl.pallas_call(
        _fin_body,
        grid=(NRB,),
        in_specs=[
            pl.BlockSpec((NC, RB, D), lambda i: (0, i, 0)),
            pl.BlockSpec((RB, D), lambda i: (i, 0)),
            pl.BlockSpec((NC, RB, 1), lambda i: (0, i, 0)),
            pl.BlockSpec((1, D), lambda i: (0, 0)),
        ],
        out_specs=pl.BlockSpec((RB, D), lambda i: (i, 0)),
        out_shape=jax.ShapeDtypeStruct((N_NODES, D), jnp.float32),
    )(t, g, degp, b)



def kernel(x, edge_index, W1, b1, W2, b2):
    ei = edge_index.astype(jnp.int32)
    npad = EPWP - EPW
    pad_src = jnp.broadcast_to((jnp.arange(npad, dtype=jnp.int32) * 41)
                               % N_NODES, (NW, npad))
    pad_dst = jnp.broadcast_to(N_NODES + jnp.arange(npad, dtype=jnp.int32)
                               % (NR - N_NODES), (NW, npad))
    src4 = jnp.concatenate([ei[0].reshape(NW, EPW), pad_src],
                           axis=1).reshape(NW, 2, NCHH, CH)
    dst4 = jnp.concatenate([ei[1].reshape(NW, EPW), pad_dst],
                           axis=1).reshape(NW, 2, NCHH, CH)
    dst3 = dst4.reshape(NW, NCH, CH)
    b1r = b1.reshape(1, D)
    b2r = b2.reshape(1, D)

    degp = _deg_kernel(dst3).reshape(NC, NPAD, 1)

    g1 = _pre_kernel(x, W1, degp)
    t1 = _scatter_kernel(g1, src4, dst4)
    g2 = _mid_kernel(t1, g1, degp, b1r, W2)
    t2 = _scatter_kernel(g2, src4, dst4)
    out = _fin_kernel(t2, g2, degp, b2r)
    return out

# --- scband reference (transcript-rebuilt; emitter-appended) ---
"""Pipeline reference for scband-gnnencoder-20358144983223 (READ-ONLY COPY).

The authoritative reference and input builder live on the scoring server;
editing this copy changes nothing except your own understanding.
"""

import jax, jax.numpy as jnp
import numpy as np

N_NODES = 10000
N_EDGES = 320000
D_IN = 128
D_HID = 128
D_OUT = 128


def setup_inputs(seed: int = 0) -> dict:
    key = jax.random.key(seed)
    k1, k2, k3, k4 = jax.random.split(key, 4)
    x = jax.random.normal(k1, (N_NODES, D_IN), dtype=jnp.float32)
    edge_index = jax.random.randint(k2, (2, N_EDGES), 0, N_NODES, dtype=jnp.int64)
    # Glorot-initialized GCN layer weights (PyG GCNConv uses glorot for weight, zeros for bias)
    lim1 = float(np.sqrt(6.0 / (D_IN + D_HID)))
    W1 = jax.random.uniform(k3, (D_IN, D_HID), dtype=jnp.float32, minval=-lim1, maxval=lim1)
    b1 = jnp.zeros((D_HID,), dtype=jnp.float32)
    lim2 = float(np.sqrt(6.0 / (D_HID + D_OUT)))
    W2 = jax.random.uniform(k4, (D_HID, D_OUT), dtype=jnp.float32, minval=-lim2, maxval=lim2)
    b2 = jnp.zeros((D_OUT,), dtype=jnp.float32)
    return {"x": x, "edge_index": edge_index, "W1": W1, "b1": b1, "W2": W2, "b2": b2}


def _gcn_conv(x, edge_index, W, b, num_nodes):
    # PyG GCNConv: add self-loops, symmetric normalization, linear transform, scatter-add aggregate
    src = edge_index[0]
    dst = edge_index[1]
    loop = jnp.arange(num_nodes, dtype=src.dtype)
    src = jnp.concatenate([src, loop])
    dst = jnp.concatenate([dst, loop])
    deg = jnp.zeros((num_nodes,), dtype=x.dtype).at[dst].add(1.0)
    deg_inv_sqrt = jnp.where(deg > 0, jax.lax.rsqrt(deg), 0.0)
    norm = deg_inv_sqrt[src] * deg_inv_sqrt[dst]
    h = x @ W
    msg = jnp.take(h, src, axis=0) * norm[:, None]
    out = jnp.zeros((num_nodes, W.shape[1]), dtype=x.dtype).at[dst].add(msg)
    return out + b


def reference(x, edge_index, W1, b1, W2, b2):
    h = _gcn_conv(x, edge_index, W1, b1, N_NODES)
    h = jax.nn.relu(h)
    out = _gcn_conv(h, edge_index, W2, b2, N_NODES)
    return out

if __name__ == "__main__":
    import jax
    _d = setup_inputs()
    print(jax.jit(kernel)(*tuple(_d.values())))

</pallas_src>

<mosaic_0001>
#map = affine_map<(d0, d1) -> (0, 0, 0)>
#map1 = affine_map<(d0, d1) -> (0, 0)>
module attributes {stable_mosaic.version = 14 : i64} {
  func.func @_deg_kernel(%arg0: i32, %arg1: i32, %arg2: memref<32x80x128xi32, #tpu.memory_space<hbm>>, %arg3: memref<2x10240xf32, #tpu.memory_space<hbm>>, %arg4: memref<80x128xi32, #tpu.memory_space<vmem>>, %arg5: memref<128xf32, #tpu.memory_space<vmem>>, %arg6: memref<640xf32, #tpu.memory_space<vmem>>, %arg7: memref<10240xf32, #tpu.memory_space<vmem_shared>>, %arg8: memref<!tpu.dma_semaphore, #tpu.memory_space<semaphore_mem>>) attributes {dimension_semantics = [#tpu.dimension_semantics<core_parallel>, #tpu.dimension_semantics<subcore_parallel>], iteration_bounds = array<i64: 2, 16>, scalar_prefetch = 0 : i64, scratch_operands = 5 : i64, tpu.core_type = #tpu.core_type<sc_vector_subcore>, window_params = [{transform_indices = #map}, {transform_indices = #map1}]} {
    %mul3A = arith.constant 2 : i32
    %mul3A_0 = arith.muli %arg1, %mul3A : i32
    %add3A = arith.addi %mul3A_0, %arg0 : i32
    "tpu.region"() ({
      %run_scoped3A = tpu.sem_alloc : memref<!tpu.dma_semaphore, #tpu.memory_space<semaphore_mem>>
      %dma_start3A = arith.constant 0 : i32
      %dma_start3A_298 = arith.constant 0 : i32
      %dma_start3A_299 = tpu.memref_slice %arg2[%add3A, %dma_start3A, %dma_start3A_298] : memref<32x80x128xi32, #tpu.memory_space<hbm>> -> memref<1x80x128xi32, #tpu.memory_space<hbm>>
      %dma_start3A_300 = tpu.memref_squeeze %dma_start3A_299 : memref<1x80x128xi32, #tpu.memory_space<hbm>> -> memref<80x128xi32, #tpu.memory_space<hbm>>
      %dma_start3A_301 = arith.constant 0 : i32
      %dma_start3A_302 = arith.constant 0 : i32
      %dma_start3A_303 = tpu.memref_slice %arg2[%add3A, %dma_start3A_301, %dma_start3A_302] : memref<32x80x128xi32, #tpu.memory_space<hbm>> -> memref<1x80x128xi32, #tpu.memory_space<hbm>>
      %dma_start3A_304 = tpu.memref_squeeze %dma_start3A_303 : memref<1x80x128xi32, #tpu.memory_space<hbm>> -> memref<80x128xi32, #tpu.memory_space<hbm>>
      tpu.enqueue_dma source(%dma_start3A_304 : memref<80x128xi32, #tpu.memory_space<hbm>>) target(%arg4 : memref<80x128xi32, #tpu.memory_space<vmem>>) target_semaphore(%run_scoped3A : memref<!tpu.dma_semaphore, #tpu.memory_space<semaphore_mem>>)
      %dma_wait3A = arith.constant 0 : i32
      %dma_wait3A_305 = arith.constant 0 : i32
      %dma_wait3A_306 = tpu.memref_slice %arg2[%add3A, %dma_wait3A, %dma_wait3A_305] : memref<32x80x128xi32, #tpu.memory_space<hbm>> -> memref<1x80x128xi32, #tpu.memory_space<hbm>>
      %dma_wait3A_307 = tpu.memref_squeeze %dma_wait3A_306 : memref<1x80x128xi32, #tpu.memory_space<hbm>> -> memref<80x128xi32, #tpu.memory_space<hbm>>
      %dma_wait3A_308 = arith.constant 0 : i32
      %dma_wait3A_309 = arith.constant 0 : i32
      %dma_wait3A_310 = tpu.memref_slice %arg2[%add3A, %dma_wait3A_308, %dma_wait3A_309] : memref<32x80x128xi32, #tpu.memory_space<hbm>> -> memref<1x80x128xi32, #tpu.memory_space<hbm>>
      %dma_wait3A_311 = tpu.memref_squeeze %dma_wait3A_310 : memref<1x80x128xi32, #tpu.memory_space<hbm>> -> memref<80x128xi32, #tpu.memory_space<hbm>>
      tpu.wait_dma2 semaphore(%run_scoped3A : memref<!tpu.dma_semaphore, #tpu.memory_space<semaphore_mem>>) src(%dma_wait3A_311 : memref<80x128xi32, #tpu.memory_space<hbm>>) dst(%arg4 : memref<80x128xi32, #tpu.memory_space<vmem>>)
      tpu.yield
    }) : () -> ()
    %broadcast_in_dim3A = arith.constant 1.000000e+00 : f32
    %broadcast_in_dim3A_1 = vector.broadcast %broadcast_in_dim3A : f32 to vector<16xf32>
    %swap3A = arith.constant 0 : index
    %swap3A_2 = tpu.vector_load %arg5[%swap3A] {strides = array<i32>} : memref<128xf32, #tpu.memory_space<vmem>>, vector<16xf32>,
    %swap3A_3 = vector.shape_cast %swap3A_2 : vector<16xf32> to vector<16xf32>
    %swap3A_4 = vector.shape_cast %broadcast_in_dim3A_1 : vector<16xf32> to vector<16xf32>
    tpu.vector_store %arg5[%swap3A], %swap3A_4 {strides = array<i32>} : memref<128xf32, #tpu.memory_space<vmem>>, vector<16xf32>,
    %broadcast_in_dim3A_5 = arith.constant 1.000000e+00 : f32
    %broadcast_in_dim3A_6 = vector.broadcast %broadcast_in_dim3A_5 : f32 to vector<16xf32>
    %swap3A_7 = arith.constant 16 : index
    %swap3A_8 = tpu.vector_load %arg5[%swap3A_7] {strides = array<i32>} : memref<128xf32, #tpu.memory_space<vmem>>, vector<16xf32>,
    %swap3A_9 = vector.shape_cast %swap3A_8 : vector<16xf32> to vector<16xf32>
    %swap3A_10 = vector.shape_cast %broadcast_in_dim3A_6 : vector<16xf32> to vector<16xf32>
    tpu.vector_store %arg5[%swap3A_7], %swap3A_10 {strides = array<i32>} : memref<128xf32, #tpu.memory_space<vmem>>, vector<16xf32>,
    %broadcast_in_dim3A_11 = arith.constant 1.000000e+00 : f32
    %broadcast_in_dim3A_12 = vector.broadcast %broadcast_in_dim3A_11 : f32 to vector<16xf32>
    %swap3A_13 = arith.constant 32 : index
    %swap3A_14 = tpu.vector_load %arg5[%swap3A_13] {strides = array<i32>} : memref<128xf32, #tpu.memory_space<vmem>>, vector<16xf32>,
    %swap3A_15 = vector.shape_cast %swap3A_14 : vector<16xf32> to vector<16xf32>
    %swap3A_16 = vector.shape_cast %broadcast_in_dim3A_12 : vector<16xf32> to vector<16xf32>
    tpu.vector_store %arg5[%swap3A_13], %swap3A_16 {strides = array<i32>} : memref<128xf32, #tpu.memory_space<vmem>>, vector<16xf32>,
    %broadcast_in_dim3A_17 = arith.constant 1.000000e+00 : f32
    %broadcast_in_dim3A_18 = vector.broadcast %broadcast_in_dim3A_17 : f32 to vector<16xf32>
    %swap3A_19 = arith.constant 48 : index
    %swap3A_20 = tpu.vector_load %arg5[%swap3A_19] {strides = array<i32>} : memref<128xf32, #tpu.memory_space<vmem>>, vector<16xf32>,
    %swap3A_21 = vector.shape_cast %swap3A_20 : vector<16xf32> to vector<16xf32>
    %swap3A_22 = vector.shape_cast %broadcast_in_dim3A_18 : vector<16xf32> to vector<16xf32>
    tpu.vector_store %arg5[%swap3A_19], %swap3A_22 {strides = array<i32>} : memref<128xf32, #tpu.memory_space<vmem>>, vector<16xf32>,
    %broadcast_in_dim3A_23 = arith.constant 1.000000e+00 : f32
    %broadcast_in_dim3A_24 = vector.broadcast %broadcast_in_dim3A_23 : f32 to vector<16xf32>
    %swap3A_25 = arith.constant 64 : index
    %swap3A_26 = tpu.vector_load %arg5[%swap3A_25] {strides = array<i32>} : memref<128xf32, #tpu.memory_space<vmem>>, vector<16xf32>,
    %swap3A_27 = vector.shape_cast %swap3A_26 : vector<16xf32> to vector<16xf32>
    %swap3A_28 = vector.shape_cast %broadcast_in_dim3A_24 : vector<16xf32> to vector<16xf32>
    tpu.vector_store %arg5[%swap3A_25], %swap3A_28 {strides = array<i32>} : memref<128xf32, #tpu.memory_space<vmem>>, vector<16xf32>,
    %broadcast_in_dim3A_29 = arith.constant 1.000000e+00 : f32
    %broadcast_in_dim3A_30 = vector.broadcast %broadcast_in_dim3A_29 : f32 to vector<16xf32>
    %swap3A_31 = arith.constant 80 : index
    %swap3A_32 = tpu.vector_load %arg5[%swap3A_31] {strides = array<i32>} : memref<128xf32, #tpu.memory_space<vmem>>, vector<16xf32>,
    %swap3A_33 = vector.shape_cast %swap3A_32 : vector<16xf32> to vector<16xf32>
    %swap3A_34 = vector.shape_cast %broadcast_in_dim3A_30 : vector<16xf32> to vector<16xf32>
    tpu.vector_store %arg5[%swap3A_31], %swap3A_34 {strides = array<i32>} : memref<128xf32, #tpu.memory_space<vmem>>, vector<16xf32>,
    %broadcast_in_dim3A_35 = arith.constant 1.000000e+00 : f32
    %broadcast_in_dim3A_36 = vector.broadcast %broadcast_in_dim3A_35 : f32 to vector<16xf32>
    %swap3A_37 = arith.constant 96 : index
    %swap3A_38 = tpu.vector_load %arg5[%swap3A_37] {strides = array<i32>} : memref<128xf32, #tpu.memory_space<vmem>>, vector<16xf32>,
    %swap3A_39 = vector.shape_cast %swap3A_38 : vector<16xf32> to vector<16xf32>
    %swap3A_40 = vector.shape_cast %broadcast_in_dim3A_36 : vector<16xf32> to vector<16xf32>
    tpu.vector_store %arg5[%swap3A_37], %swap3A_40 {strides = array<i32>} : memref<128xf32, #tpu.memory_space<vmem>>, vector<16xf32>,
    %broadcast_in_dim3A_41 = arith.constant 1.000000e+00 : f32
    %broadcast_in_dim3A_42 = vector.broadcast %broadcast_in_dim3A_41 : f32 to vector<16xf32>
    %swap3A_43 = arith.constant 112 : index
    %swap3A_44 = tpu.vector_load %arg5[%swap3A_43] {strides = array<i32>} : memref<128xf32, #tpu.memory_space<vmem>>, vector<16xf32>,
    %swap3A_45 = vector.shape_cast %swap3A_44 : vector<16xf32> to vector<16xf32>
    %swap3A_46 = vector.shape_cast %broadcast_in_dim3A_42 : vector<16xf32> to vector<16xf32>
    tpu.vector_store %arg5[%swap3A_43], %swap3A_46 {strides = array<i32>} : memref<128xf32, #tpu.memory_space<vmem>>, vector<16xf32>,
    %broadcast_in_dim3A_47 = arith.constant 0.000000e+00 : f32
    %broadcast_in_dim3A_48 = vector.broadcast %broadcast_in_dim3A_47 : f32 to vector<16xf32>
    %swap3A_49 = arith.constant 0 : index
    %swap3A_50 = tpu.vector_load %arg6[%swap3A_49] {strides = array<i32>} : memref<640xf32, #tpu.memory_space<vmem>>, vector<16xf32>,
    %swap3A_51 = vector.shape_cast %swap3A_50 : vector<16xf32> to vector<16xf32>
    %swap3A_52 = vector.shape_cast %broadcast_in_dim3A_48 : vector<16xf32> to vector<16xf32>
    tpu.vector_store %arg6[%swap3A_49], %swap3A_52 {strides = array<i32>} : memref<640xf32, #tpu.memory_space<vmem>>, vector<16xf32>,
    %broadcast_in_dim3A_53 = arith.constant 0.000000e+00 : f32
    %broadcast_in_dim3A_54 = vector.broadcast %broadcast_in_dim3A_53 : f32 to vector<16xf32>
    %swap3A_55 = arith.constant 16 : index
    %swap3A_56 = tpu.vector_load %arg6[%swap3A_55] {strides = array<i32>} : memref<640xf32, #tpu.memory_space<vmem>>, vector<16xf32>,
    %swap3A_57 = vector.shape_cast %swap3A_56 : vector<16xf32> to vector<16xf32>
    %swap3A_58 = vector.shape_cast %broadcast_in_dim3A_54 : vector<16xf32> to vector<16xf32>
    tpu.vector_store %arg6[%swap3A_55], %swap3A_58 {strides = array<i32>} : memref<640xf32, #tpu.memory_space<vmem>>, vector<16xf32>,
    %broadcast_in_dim3A_59 = arith.constant 0.000000e+00 : f32
    %broadcast_in_dim3A_60 = vector.broadcast %broadcast_in_dim3A_59 : f32 to vector<16xf32>
    %swap3A_61 = arith.constant 32 : index
    %swap3A_62 = tpu.vector_load %arg6[%swap3A_61] {strides = array<i32>} : memref<640xf32, #tpu.memory_space<vmem>>, vector<16xf32>,
    %swap3A_63 = vector.shape_cast %swap3A_62 : vector<16xf32> to vector<16xf32>
    %swap3A_64 = vector.shape_cast %broadcast_in_dim3A_60 : vector<16xf32> to vector<16xf32>
    tpu.vector_store %arg6[%swap3A_61], %swap3A_64 {strides = array<i32>} : memref<640xf32, #tpu.memory_space<vmem>>, vector<16xf32>,
    %broadcast_in_dim3A_65 = arith.constant 0.000000e+00 : f32
    %broadcast_in_dim3A_66 = vector.broadcast %broadcast_in_dim3A_65 : f32 to vector<16xf32>
    %swap3A_67 = arith.constant 48 : index
    %swap3A_68 = tpu.vector_load %arg6[%swap3A_67] {strides = array<i32>} : memref<640xf32, #tpu.memory_space<vmem>>, vector<16xf32>,
    %swap3A_69 = vector.shape_cast %swap3A_68 : vector<16xf32> to vector<16xf32>
    %swap3A_70 = vector.shape_cast %broadcast_in_dim3A_66 : vector<16xf32> to vector<16xf32>
    tpu.vector_store %arg6[%swap3A_67], %swap3A_70 {strides = array<i32>} : memref<640xf32, #tpu.memory_space<vmem>>, vector<16xf32>,
    %broadcast_in_dim3A_71 = arith.constant 0.000000e+00 : f32
    %broadcast_in_dim3A_72 = vector.broadcast %broadcast_in_dim3A_71 : f32 to vector<16xf32>
    %swap3A_73 = arith.constant 64 : index
    %swap3A_74 = tpu.vector_load %arg6[%swap3A_73] {strides = array<i32>} : memref<640xf32, #tpu.memory_space<vmem>>, vector<16xf32>,
    %swap3A_75 = vector.shape_cast %swap3A_74 : vector<16xf32> to vector<16xf32>
    %swap3A_76 = vector.shape_cast %broadcast_in_dim3A_72 : vector<16xf32> to vector<16xf32>
    tpu.vector_store %arg6[%swap3A_73], %swap3A_76 {strides = array<i32>} : memref<640xf32, #tpu.memory_space<vmem>>, vector<16xf32>,
    %broadcast_in_dim3A_77 = arith.constant 0.000000e+00 : f32
    %broadcast_in_dim3A_78 = vector.broadcast %broadcast_in_dim3A_77 : f32 to vector<16xf32>
    %swap3A_79 = arith.constant 80 : index
    %swap3A_80 = tpu.vector_load %arg6[%swap3A_79] {strides = array<i32>} : memref<640xf32, #tpu.memory_space<vmem>>, vector<16xf32>,
    %swap3A_81 = vector.shape_cast %swap3A_80 : vector<16xf32> to vector<16xf32>
    %swap3A_82 = vector.shape_cast %broadcast_in_dim3A_78 : vector<16xf32> to vector<16xf32>
    tpu.vector_store %arg6[%swap3A_79], %swap3A_82 {strides = array<i32>} : memref<640xf32, #tpu.memory_space<vmem>>, vector<16xf32>,
    %broadcast_in_dim3A_83 = arith.constant 0.000000e+00 : f32
    %broadcast_in_dim3A_84 = vector.broadcast %broadcast_in_dim3A_83 : f32 to vector<16xf32>
    %swap3A_85 = arith.constant 96 : index
    %swap3A_86 = tpu.vector_load %arg6[%swap3A_85] {strides = array<i32>} : memref<640xf32, #tpu.memory_space<vmem>>, vector<16xf32>,
    %swap3A_87 = vector.shape_cast %swap3A_86 : vector<16xf32> to vector<16xf32>
    %swap3A_88 = vector.shape_cast %broadcast_in_dim3A_84 : vector<16xf32> to vector<16xf32>
    tpu.vector_store %arg6[%swap3A_85], %swap3A_88 {strides = array<i32>} : memref<640xf32, #tpu.memory_space<vmem>>, vector<16xf32>,
    %broadcast_in_dim3A_89 = arith.constant 0.000000e+00 : f32
    %broadcast_in_dim3A_90 = vector.broadcast %broadcast_in_dim3A_89 : f32 to vector<16xf32>
    %swap3A_91 = arith.constant 112 : index
    %swap3A_92 = tpu.vector_load %arg6[%swap3A_91] {strides = array<i32>} : memref<640xf32, #tpu.memory_space<vmem>>, vector<16xf32>,
    %swap3A_93 = vector.shape_cast %swap3A_92 : vector<16xf32> to vector<16xf32>
    %swap3A_94 = vector.shape_cast %broadcast_in_dim3A_90 : vector<16xf32> to vector<16xf32>
    tpu.vector_store %arg6[%swap3A_91], %swap3A_94 {strides = array<i32>} : memref<640xf32, #tpu.memory_space<vmem>>, vector<16xf32>,
    %broadcast_in_dim3A_95 = arith.constant 0.000000e+00 : f32
    %broadcast_in_dim3A_96 = vector.broadcast %broadcast_in_dim3A_95 : f32 to vector<16xf32>
    %swap3A_97 = arith.constant 128 : index
    %swap3A_98 = tpu.vector_load %arg6[%swap3A_97] {strides = array<i32>} : memref<640xf32, #tpu.memory_space<vmem>>, vector<16xf32>,
    %swap3A_99 = vector.shape_cast %swap3A_98 : vector<16xf32> to vector<16xf32>
    %swap3A_100 = vector.shape_cast %broadcast_in_dim3A_96 : vector<16xf32> to vector<16xf32>
    tpu.vector_store %arg6[%swap3A_97], %swap3A_100 {strides = array<i32>} : memref<640xf32, #tpu.memory_space<vmem>>, vector<16xf32>,
    %broadcast_in_dim3A_101 = arith.constant 0.000000e+00 : f32
    %broadcast_in_dim3A_102 = vector.broadcast %broadcast_in_dim3A_101 : f32 to vector<16xf32>
    %swap3A_103 = arith.constant 144 : index
    %swap3A_104 = tpu.vector_load %arg6[%swap3A_103] {strides = array<i32>} : memref<640xf32, #tpu.memory_space<vmem>>, vector<16xf32>,
    %swap3A_105 = vector.shape_cast %swap3A_104 : vector<16xf32> to vector<16xf32>
    %swap3A_106 = vector.shape_cast %broadcast_in_dim3A_102 : vector<16xf32> to vector<16xf32>
    tpu.vector_store %arg6[%swap3A_103], %swap3A_106 {strides = array<i32>} : memref<640xf32, #tpu.memory_space<vmem>>, vector<16xf32>,
    %broadcast_in_dim3A_107 = arith.constant 0.000000e+00 : f32
    %broadcast_in_dim3A_108 = vector.broadcast %broadcast_in_dim3A_107 : f32 to vector<16xf32>
    %swap3A_109 = arith.constant 160 : index
    %swap3A_110 = tpu.vector_load %arg6[%swap3A_109] {strides = array<i32>} : memref<640xf32, #tpu.memory_space<vmem>>, vector<16xf32>,
    %swap3A_111 = vector.shape_cast %swap3A_110 : vector<16xf32> to vector<16xf32>
    %swap3A_112 = vector.shape_cast %broadcast_in_dim3A_108 : vector<16xf32> to vector<16xf32>
    tpu.vector_store %arg6[%swap3A_109], %swap3A_112 {strides = array<i32>} : memref<640xf32, #tpu.memory_space<vmem>>, vector<16xf32>,
    %broadcast_in_dim3A_113 = arith.constant 0.000000e+00 : f32
    %broadcast_in_dim3A_114 = vector.broadcast %broadcast_in_dim3A_113 : f32 to vector<16xf32>
    %swap3A_115 = arith.constant 176 : index
    %swap3A_116 = tpu.vector_load %arg6[%swap3A_115] {strides = array<i32>} : memref<640xf32, #tpu.memory_space<vmem>>, vector<16xf32>,
    %swap3A_117 = vector.shape_cast %swap3A_116 : vector<16xf32> to vector<16xf32>
    %swap3A_118 = vector.shape_cast %broadcast_in_dim3A_114 : vector<16xf32> to vector<16xf32>
    tpu.vector_store %arg6[%swap3A_115], %swap3A_118 {strides = array<i32>} : memref<640xf32, #tpu.memory_space<vmem>>, vector<16xf32>,
    %broadcast_in_dim3A_119 = arith.constant 0.000000e+00 : f32
    %broadcast_in_dim3A_120 = vector.broadcast %broadcast_in_dim3A_119 : f32 to vector<16xf32>
    %swap3A_121 = arith.constant 192 : index
    %swap3A_122 = tpu.vector_load %arg6[%swap3A_121] {strides = array<i32>} : memref<640xf32, #tpu.memory_space<vmem>>, vector<16xf32>,
    %swap3A_123 = vector.shape_cast %swap3A_122 : vector<16xf32> to vector<16xf32>
    %swap3A_124 = vector.shape_cast %broadcast_in_dim3A_120 : vector<16xf32> to vector<16xf32>
    tpu.vector_store %arg6[%swap3A_121], %swap3A_124 {strides = array<i32>} : memref<640xf32, #tpu.memory_space<vmem>>, vector<16xf32>,
    %broadcast_in_dim3A_125 = arith.constant 0.000000e+00 : f32
    %broadcast_in_dim3A_126 = vector.broadcast %broadcast_in_dim3A_125 : f32 to vector<16xf32>
    %swap3A_127 = arith.constant 208 : index
    %swap3A_128 = tpu.vector_load %arg6[%swap3A_127] {strides = array<i32>} : memref<640xf32, #tpu.memory_space<vmem>>, vector<16xf32>,
    %swap3A_129 = vector.shape_cast %swap3A_128 : vector<16xf32> to vector<16xf32>
    %swap3A_130 = vector.shape_cast %broadcast_in_dim3A_126 : vector<16xf32> to vector<16xf32>
    tpu.vector_store %arg6[%swap3A_127], %swap3A_130 {strides = array<i32>} : memref<640xf32, #tpu.memory_space<vmem>>, vector<16xf32>,
    %broadcast_in_dim3A_131 = arith.constant 0.000000e+00 : f32
    %broadcast_in_dim3A_132 = vector.broadcast %broadcast_in_dim3A_131 : f32 to vector<16xf32>
    %swap3A_133 = arith.constant 224 : index
    %swap3A_134 = tpu.vector_load %arg6[%swap3A_133] {strides = array<i32>} : memref<640xf32, #tpu.memory_space<vmem>>, vector<16xf32>,
    %swap3A_135 = vector.shape_cast %swap3A_134 : vector<16xf32> to vector<16xf32>
    %swap3A_136 = vector.shape_cast %broadcast_in_dim3A_132 : vector<16xf32> to vector<16xf32>
    tpu.vector_store %arg6[%swap3A_133], %swap3A_136 {strides = array<i32>} : memref<640xf32, #tpu.memory_space<vmem>>, vector<16xf32>,
    %broadcast_in_dim3A_137 = arith.constant 0.000000e+00 : f32
    %broadcast_in_dim3A_138 = vector.broadcast %broadcast_in_dim3A_137 : f32 to vector<16xf32>
    %swap3A_139 = arith.constant 240 : index
    %swap3A_140 = tpu.vector_load %arg6[%swap3A_139] {strides = array<i32>} : memref<640xf32, #tpu.memory_space<vmem>>, vector<16xf32>,
    %swap3A_141 = vector.shape_cast %swap3A_140 : vector<16xf32> to vector<16xf32>
    %swap3A_142 = vector.shape_cast %broadcast_in_dim3A_138 : vector<16xf32> to vector<16xf32>
    tpu.vector_store %arg6[%swap3A_139], %swap3A_142 {strides = array<i32>} : memref<640xf32, #tpu.memory_space<vmem>>, vector<16xf32>,
    %broadcast_in_dim3A_143 = arith.constant 0.000000e+00 : f32
    %broadcast_in_dim3A_144 = vector.broadcast %broadcast_in_dim3A_143 : f32 to vector<16xf32>
    %swap3A_145 = arith.constant 256 : index
    %swap3A_146 = tpu.vector_load %arg6[%swap3A_145] {strides = array<i32>} : memref<640xf32, #tpu.memory_space<vmem>>, vector<16xf32>,
    %swap3A_147 = vector.shape_cast %swap3A_146 : vector<16xf32> to vector<16xf32>
    %swap3A_148 = vector.shape_cast %broadcast_in_dim3A_144 : vector<16xf32> to vector<16xf32>
    tpu.vector_store %arg6[%swap3A_145], %swap3A_148 {strides = array<i32>} : memref<640xf32, #tpu.memory_space<vmem>>, vector<16xf32>,
    %broadcast_in_dim3A_149 = arith.constant 0.000000e+00 : f32
    %broadcast_in_dim3A_150 = vector.broadcast %broadcast_in_dim3A_149 : f32 to vector<16xf32>
    %swap3A_151 = arith.constant 272 : index
    %swap3A_152 = tpu.vector_load %arg6[%swap3A_151] {strides = array<i32>} : memref<640xf32, #tpu.memory_space<vmem>>, vector<16xf32>,
    %swap3A_153 = vector.shape_cast %swap3A_152 : vector<16xf32> to vector<16xf32>
    %swap3A_154 = vector.shape_cast %broadcast_in_dim3A_150 : vector<16xf32> to vector<16xf32>
    tpu.vector_store %arg6[%swap3A_151], %swap3A_154 {strides = array<i32>} : memref<640xf32, #tpu.memory_space<vmem>>, vector<16xf32>,
    %broadcast_in_dim3A_155 = arith.constant 0.000000e+00 : f32
    %broadcast_in_dim3A_156 = vector.broadcast %broadcast_in_dim3A_155 : f32 to vector<16xf32>
    %swap3A_157 = arith.constant 288 : index
    %swap3A_158 = tpu.vector_load %arg6[%swap3A_157] {strides = array<i32>} : memref<640xf32, #tpu.memory_space<vmem>>, vector<16xf32>,
    %swap3A_159 = vector.shape_cast %swap3A_158 : vector<16xf32> to vector<16xf32>
    %swap3A_160 = vector.shape_cast %broadcast_in_dim3A_156 : vector<16xf32> to vector<16xf32>
    tpu.vector_store %arg6[%swap3A_157], %swap3A_160 {strides = array<i32>} : memref<640xf32, #tpu.memory_space<vmem>>, vector<16xf32>,
    %broadcast_in_dim3A_161 = arith.constant 0.000000e+00 : f32
    %broadcast_in_dim3A_162 = vector.broadcast %broadcast_in_dim3A_161 : f32 to vector<16xf32>
    %swap3A_163 = arith.constant 304 : index
    %swap3A_164 = tpu.vector_load %arg6[%swap3A_163] {strides = array<i32>} : memref<640xf32, #tpu.memory_space<vmem>>, vector<16xf32>,
    %swap3A_165 = vector.shape_cast %swap3A_164 : vector<16xf32> to vector<16xf32>
    %swap3A_166 = vector.shape_cast %broadcast_in_dim3A_162 : vector<16xf32> to vector<16xf32>
    tpu.vector_store %arg6[%swap3A_163], %swap3A_166 {strides = array<i32>} : memref<640xf32, #tpu.memory_space<vmem>>, vector<16xf32>,
    %broadcast_in_dim3A_167 = arith.constant 0.000000e+00 : f32
    %broadcast_in_dim3A_168 = vector.broadcast %broadcast_in_dim3A_167 : f32 to vector<16xf32>
    %swap3A_169 = arith.constant 320 : index
    %swap3A_170 = tpu.vector_load %arg6[%swap3A_169] {strides = array<i32>} : memref<640xf32, #tpu.memory_space<vmem>>, vector<16xf32>,
    %swap3A_171 = vector.shape_cast %swap3A_170 : vector<16xf32> to vector<16xf32>
    %swap3A_172 = vector.shape_cast %broadcast_in_dim3A_168 : vector<16xf32> to vector<16xf32>
    tpu.vector_store %arg6[%swap3A_169], %swap3A_172 {strides = array<i32>} : memref<640xf32, #tpu.memory_space<vmem>>, vector<16xf32>,
    %broadcast_in_dim3A_173 = arith.constant 0.000000e+00 : f32
    %broadcast_in_dim3A_174 = vector.broadcast %broadcast_in_dim3A_173 : f32 to vector<16xf32>
    %swap3A_175 = arith.constant 336 : index
    %swap3A_176 = tpu.vector_load %arg6[%swap3A_175] {strides = array<i32>} : memref<640xf32, #tpu.memory_space<vmem>>, vector<16xf32>,
    %swap3A_177 = vector.shape_cast %swap3A_176 : vector<16xf32> to vector<16xf32>
    %swap3A_178 = vector.shape_cast %broadcast_in_dim3A_174 : vector<16xf32> to vector<16xf32>
    tpu.vector_store %arg6[%swap3A_175], %swap3A_178 {strides = array<i32>} : memref<640xf32, #tpu.memory_space<vmem>>, vector<16xf32>,
    %broadcast_in_dim3A_179 = arith.constant 0.000000e+00 : f32
    %broadcast_in_dim3A_180 = vector.broadcast %broadcast_in_dim3A_179 : f32 to vector<16xf32>
    %swap3A_181 = arith.constant 352 : index
    %swap3A_182 = tpu.vector_load %arg6[%swap3A_181] {strides = array<i32>} : memref<640xf32, #tpu.memory_space<vmem>>, vector<16xf32>,
    %swap3A_183 = vector.shape_cast %swap3A_182 : vector<16xf32> to vector<16xf32>
    %swap3A_184 = vector.shape_cast %broadcast_in_dim3A_180 : vector<16xf32> to vector<16xf32>
    tpu.vector_store %arg6[%swap3A_181], %swap3A_184 {strides = array<i32>} : memref<640xf32, #tpu.memory_space<vmem>>, vector<16xf32>,
    %broadcast_in_dim3A_185 = arith.constant 0.000000e+00 : f32
    %broadcast_in_dim3A_186 = vector.broadcast %broadcast_in_dim3A_185 : f32 to vector<16xf32>
    %swap3A_187 = arith.constant 368 : index
    %swap3A_188 = tpu.vector_load %arg6[%swap3A_187] {strides = array<i32>} : memref<640xf32, #tpu.memory_space<vmem>>, vector<16xf32>,
    %swap3A_189 = vector.shape_cast %swap3A_188 : vector<16xf32> to vector<16xf32>
    %swap3A_190 = vector.shape_cast %broadcast_in_dim3A_186 : vector<16xf32> to vector<16xf32>
    tpu.vector_store %arg6[%swap3A_187], %swap3A_190 {strides = array<i32>} : memref<640xf32, #tpu.memory_space<vmem>>, vector<16xf32>,
    %broadcast_in_dim3A_191 = arith.constant 0.000000e+00 : f32
    %broadcast_in_dim3A_192 = vector.broadcast %broadcast_in_dim3A_191 : f32 to vector<16xf32>
    %swap3A_193 = arith.constant 384 : index
    %swap3A_194 = tpu.vector_load %arg6[%swap3A_193] {strides = array<i32>} : memref<640xf32, #tpu.memory_space<vmem>>, vector<16xf32>,
    %swap3A_195 = vector.shape_cast %swap3A_194 : vector<16xf32> to vector<16xf32>
    %swap3A_196 = vector.shape_cast %broadcast_in_dim3A_192 : vector<16xf32> to vector<16xf32>
    tpu.vector_store %arg6[%swap3A_193], %swap3A_196 {strides = array<i32>} : memref<640xf32, #tpu.memory_space<vmem>>, vector<16xf32>,
    %broadcast_in_dim3A_197 = arith.constant 0.000000e+00 : f32
    %broadcast_in_dim3A_198 = vector.broadcast %broadcast_in_dim3A_197 : f32 to vector<16xf32>
    %swap3A_199 = arith.constant 400 : index
    %swap3A_200 = tpu.vector_load %arg6[%swap3A_199] {strides = array<i32>} : memref<640xf32, #tpu.memory_space<vmem>>, vector<16xf32>,
    %swap3A_201 = vector.shape_cast %swap3A_200 : vector<16xf32> to vector<16xf32>
    %swap3A_202 = vector.shape_cast %broadcast_in_dim3A_198 : vector<16xf32> to vector<16xf32>
    tpu.vector_store %arg6[%swap3A_199], %swap3A_202 {strides = array<i32>} : memref<640xf32, #tpu.memory_space<vmem>>, vector<16xf32>,
    %broadcast_in_dim3A_203 = arith.constant 0.000000e+00 : f32
    %broadcast_in_dim3A_204 = vector.broadcast %broadcast_in_dim3A_203 : f32 to vector<16xf32>
    %swap3A_205 = arith.constant 416 : index
    %swap3A_206 = tpu.vector_load %arg6[%swap3A_205] {strides = array<i32>} : memref<640xf32, #tpu.memory_space<vmem>>, vector<16xf32>,
    %swap3A_207 = vector.shape_cast %swap3A_206 : vector<16xf32> to vector<16xf32>
    %swap3A_208 = vector.shape_cast %broadcast_in_dim3A_204 : vector<16xf32> to vector<16xf32>
    tpu.vector_store %arg6[%swap3A_205], %swap3A_208 {strides = array<i32>} : memref<640xf32, #tpu.memory_space<vmem>>, vector<16xf32>,
    %broadcast_in_dim3A_209 = arith.constant 0.000000e+00 : f32
    %broadcast_in_dim3A_210 = vector.broadcast %broadcast_in_dim3A_209 : f32 to vector<16xf32>
    %swap3A_211 = arith.constant 432 : index
    %swap3A_212 = tpu.vector_load %arg6[%swap3A_211] {strides = array<i32>} : memref<640xf32, #tpu.memory_space<vmem>>, vector<16xf32>,
    %swap3A_213 = vector.shape_cast %swap3A_212 : vector<16xf32> to vector<16xf32>
    %swap3A_214 = vector.shape_cast %broadcast_in_dim3A_210 : vector<16xf32> to vector<16xf32>
    tpu.vector_store %arg6[%swap3A_211], %swap3A_214 {strides = array<i32>} : memref<640xf32, #tpu.memory_space<vmem>>, vector<16xf32>,
    %broadcast_in_dim3A_215 = arith.constant 0.000000e+00 : f32
    %broadcast_in_dim3A_216 = vector.broadcast %broadcast_in_dim3A_215 : f32 to vector<16xf32>
    %swap3A_217 = arith.constant 448 : index
    %swap3A_218 = tpu.vector_load %arg6[%swap3A_217] {strides = array<i32>} : memref<640xf32, #tpu.memory_space<vmem>>, vector<16xf32>,
    %swap3A_219 = vector.shape_cast %swap3A_218 : vector<16xf32> to vector<16xf32>
    %swap3A_220 = vector.shape_cast %broadcast_in_dim3A_216 : vector<16xf32> to vector<16xf32>
    tpu.vector_store %arg6[%swap3A_217], %swap3A_220 {strides = array<i32>} : memref<640xf32, #tpu.memory_space<vmem>>, vector<16xf32>,
    %broadcast_in_dim3A_221 = arith.constant 0.000000e+00 : f32
    %broadcast_in_dim3A_222 = vector.broadcast %broadcast_in_dim3A_221 : f32 to vector<16xf32>
    %swap3A_223 = arith.constant 464 : index
    %swap3A_224 = tpu.vector_load %arg6[%swap3A_223] {strides = array<i32>} : memref<640xf32, #tpu.memory_space<vmem>>, vector<16xf32>,
    %swap3A_225 = vector.shape_cast %swap3A_224 : vector<16xf32> to vector<16xf32>
    %swap3A_226 = vector.shape_cast %broadcast_in_dim3A_222 : vector<16xf32> to vector<16xf32>
    tpu.vector_store %arg6[%swap3A_223], %swap3A_226 {strides = array<i32>} : memref<640xf32, #tpu.memory_space<vmem>>, vector<16xf32>,
    %broadcast_in_dim3A_227 = arith.constant 0.000000e+00 : f32
    %broadcast_in_dim3A_228 = vector.broadcast %broadcast_in_dim3A_227 : f32 to vector<16xf32>
    %swap3A_229 = arith.constant 480 : index
    %swap3A_230 = tpu.vector_load %arg6[%swap3A_229] {strides = array<i32>} : memref<640xf32, #tpu.memory_space<vmem>>, vector<16xf32>,
    %swap3A_231 = vector.shape_cast %swap3A_230 : vector<16xf32> to vector<16xf32>
    %swap3A_232 = vector.shape_cast %broadcast_in_dim3A_228 : vector<16xf32> to vector<16xf32>
    tpu.vector_store %arg6[%swap3A_229], %swap3A_232 {strides = array<i32>} : memref<640xf32, #tpu.memory_space<vmem>>, vector<16xf32>,
    %broadcast_in_dim3A_233 = arith.constant 0.000000e+00 : f32
    %broadcast_in_dim3A_234 = vector.broadcast %broadcast_in_dim3A_233 : f32 to vector<16xf32>
    %swap3A_235 = arith.constant 496 : index
    %swap3A_236 = tpu.vector_load %arg6[%swap3A_235] {strides = array<i32>} : memref<640xf32, #tpu.memory_space<vmem>>, vector<16xf32>,
    %swap3A_237 = vector.shape_cast %swap3A_236 : vector<16xf32> to vector<16xf32>
    %swap3A_238 = vector.shape_cast %broadcast_in_dim3A_234 : vector<16xf32> to vector<16xf32>
    tpu.vector_store %arg6[%swap3A_235], %swap3A_238 {strides = array<i32>} : memref<640xf32, #tpu.memory_space<vmem>>, vector<16xf32>,
    %broadcast_in_dim3A_239 = arith.constant 0.000000e+00 : f32
    %broadcast_in_dim3A_240 = vector.broadcast %broadcast_in_dim3A_239 : f32 to vector<16xf32>
    %swap3A_241 = arith.constant 512 : index
    %swap3A_242 = tpu.vector_load %arg6[%swap3A_241] {strides = array<i32>} : memref<640xf32, #tpu.memory_space<vmem>>, vector<16xf32>,
    %swap3A_243 = vector.shape_cast %swap3A_242 : vector<16xf32> to vector<16xf32>
    %swap3A_244 = vector.shape_cast %broadcast_in_dim3A_240 : vector<16xf32> to vector<16xf32>
    tpu.vector_store %arg6[%swap3A_241], %swap3A_244 {strides = array<i32>} : memref<640xf32, #tpu.memory_space<vmem>>, vector<16xf32>,
    %broadcast_in_dim3A_245 = arith.constant 0.000000e+00 : f32
    %broadcast_in_dim3A_246 = vector.broadcast %broadcast_in_dim3A_245 : f32 to vector<16xf32>
    %swap3A_247 = arith.constant 528 : index
    %swap3A_248 = tpu.vector_load %arg6[%swap3A_247] {strides = array<i32>} : memref<640xf32, #tpu.memory_space<vmem>>, vector<16xf32>,
    %swap3A_249 = vector.shape_cast %swap3A_248 : vector<16xf32> to vector<16xf32>
    %swap3A_250 = vector.shape_cast %broadcast_in_dim3A_246 : vector<16xf32> to vector<16xf32>
    tpu.vector_store %arg6[%swap3A_247], %swap3A_250 {strides = array<i32>} : memref<640xf32, #tpu.memory_space<vmem>>, vector<16xf32>,
    %broadcast_in_dim3A_251 = arith.constant 0.000000e+00 : f32
    %broadcast_in_dim3A_252 = vector.broadcast %broadcast_in_dim3A_251 : f32 to vector<16xf32>
    %swap3A_253 = arith.constant 544 : index
    %swap3A_254 = tpu.vector_load %arg6[%swap3A_253] {strides = array<i32>} : memref<640xf32, #tpu.memory_space<vmem>>, vector<16xf32>,
    %swap3A_255 = vector.shape_cast %swap3A_254 : vector<16xf32> to vector<16xf32>
    %swap3A_256 = vector.shape_cast %broadcast_in_dim3A_252 : vector<16xf32> to vector<16xf32>
    tpu.vector_store %arg6[%swap3A_253], %swap3A_256 {strides = array<i32>} : memref<640xf32, #tpu.memory_space<vmem>>, vector<16xf32>,
    %broadcast_in_dim3A_257 = arith.constant 0.000000e+00 : f32
    %broadcast_in_dim3A_258 = vector.broadcast %broadcast_in_dim3A_257 : f32 to vector<16xf32>
    %swap3A_259 = arith.constant 560 : index
    %swap3A_260 = tpu.vector_load %arg6[%swap3A_259] {strides = array<i32>} : memref<640xf32, #tpu.memory_space<vmem>>, vector<16xf32>,
    %swap3A_261 = vector.shape_cast %swap3A_260 : vector<16xf32> to vector<16xf32>
    %swap3A_262 = vector.shape_cast %broadcast_in_dim3A_258 : vector<16xf32> to vector<16xf32>
    tpu.vector_store %arg6[%swap3A_259], %swap3A_262 {strides = array<i32>} : memref<640xf32, #tpu.memory_space<vmem>>, vector<16xf32>,
    %broadcast_in_dim3A_263 = arith.constant 0.000000e+00 : f32
    %broadcast_in_dim3A_264 = vector.broadcast %broadcast_in_dim3A_263 : f32 to vector<16xf32>
    %swap3A_265 = arith.constant 576 : index
    %swap3A_266 = tpu.vector_load %arg6[%swap3A_265] {strides = array<i32>} : memref<640xf32, #tpu.memory_space<vmem>>, vector<16xf32>,
    %swap3A_267 = vector.shape_cast %swap3A_266 : vector<16xf32> to vector<16xf32>
    %swap3A_268 = vector.shape_cast %broadcast_in_dim3A_264 : vector<16xf32> to vector<16xf32>
    tpu.vector_store %arg6[%swap3A_265], %swap3A_268 {strides = array<i32>} : memref<640xf32, #tpu.memory_space<vmem>>, vector<16xf32>,
    %broadcast_in_dim3A_269 = arith.constant 0.000000e+00 : f32
    %broadcast_in_dim3A_270 = vector.broadcast %broadcast_in_dim3A_269 : f32 to vector<16xf32>
    %swap3A_271 = arith.constant 592 : index
    %swap3A_272 = tpu.vector_load %arg6[%swap3A_271] {strides = array<i32>} : memref<640xf32, #tpu.memory_space<vmem>>, vector<16xf32>,
    %swap3A_273 = vector.shape_cast %swap3A_272 : vector<16xf32> to vector<16xf32>
    %swap3A_274 = vector.shape_cast %broadcast_in_dim3A_270 : vector<16xf32> to vector<16xf32>
    tpu.vector_store %arg6[%swap3A_271], %swap3A_274 {strides = array<i32>} : memref<640xf32, #tpu.memory_space<vmem>>, vector<16xf32>,
    %broadcast_in_dim3A_275 = arith.constant 0.000000e+00 : f32
    %broadcast_in_dim3A_276 = vector.broadcast %broadcast_in_dim3A_275 : f32 to vector<16xf32>
    %swap3A_277 = arith.constant 608 : index
    %swap3A_278 = tpu.vector_load %arg6[%swap3A_277] {strides = array<i32>} : memref<640xf32, #tpu.memory_space<vmem>>, vector<16xf32>,
    %swap3A_279 = vector.shape_cast %swap3A_278 : vector<16xf32> to vector<16xf32>
    %swap3A_280 = vector.shape_cast %broadcast_in_dim3A_276 : vector<16xf32> to vector<16xf32>
    tpu.vector_store %arg6[%swap3A_277], %swap3A_280 {strides = array<i32>} : memref<640xf32, #tpu.memory_space<vmem>>, vector<16xf32>,
    %broadcast_in_dim3A_281 = arith.constant 0.000000e+00 : f32
    %broadcast_in_dim3A_282 = vector.broadcast %broadcast_in_dim3A_281 : f32 to vector<16xf32>
    %swap3A_283 = arith.constant 624 : index
    %swap3A_284 = tpu.vector_load %arg6[%swap3A_283] {strides = array<i32>} : memref<640xf32, #tpu.memory_space<vmem>>, vector<16xf32>,
    %swap3A_285 = vector.shape_cast %swap3A_284 : vector<16xf32> to vector<16xf32>
    %swap3A_286 = vector.shape_cast %broadcast_in_dim3A_282 : vector<16xf32> to vector<16xf32>
    tpu.vector_store %arg6[%swap3A_283], %swap3A_286 {strides = array<i32>} : memref<640xf32, #tpu.memory_space<vmem>>, vector<16xf32>,
    %mul3A_287 = arith.constant 640 : i32
    %mul3A_288 = arith.muli %arg1, %mul3A_287 : i32
    "tpu.region"() ({
      %run_scoped3A = tpu.sem_alloc : memref<!tpu.dma_semaphore, #tpu.memory_space<semaphore_mem>>
      %dma_start3A = tpu.memref_slice %arg7[%mul3A_288] : memref<10240xf32, #tpu.memory_space<vmem_shared>> -> memref<640xf32, #tpu.memory_space<vmem_shared>>
      %dma_start3A_298 = tpu.memref_slice %arg7[%mul3A_288] : memref<10240xf32, #tpu.memory_space<vmem_shared>> -> memref<640xf32, #tpu.memory_space<vmem_shared>>
      tpu.enqueue_dma source(%arg6 : memref<640xf32, #tpu.memory_space<vmem>>) target(%dma_start3A_298 : memref<640xf32, #tpu.memory_space<vmem_shared>>) target_semaphore(%run_scoped3A : memref<!tpu.dma_semaphore, #tpu.memory_space<semaphore_mem>>)
      %dma_wait3A = tpu.memref_slice %arg7[%mul3A_288] : memref<10240xf32, #tpu.memory_space<vmem_shared>> -> memref<640xf32, #tpu.memory_space<vmem_shared>>
      %dma_wait3A_299 = tpu.memref_slice %arg7[%mul3A_288] : memref<10240xf32, #tpu.memory_space<vmem_shared>> -> memref<640xf32, #tpu.memory_space<vmem_shared>>
      tpu.wait_dma2 semaphore(%run_scoped3A : memref<!tpu.dma_semaphore, #tpu.memory_space<semaphore_mem>>) src(%arg6 : memref<640xf32, #tpu.memory_space<vmem>>) dst(%dma_wait3A_299 : memref<640xf32, #tpu.memory_space<vmem_shared>>)
      tpu.yield
    }) : () -> ()
    %barrier3A = arith.constant 0 : index
    tpu.barrier barrier_id(%barrier3A)
    %scan3A = arith.constant 0 : i32
    %scan3A_289 = arith.constant 80 : i32
    %scan3A_290 = arith.addi %scan3A, %scan3A_289 : i32
    %scan3A_291 = arith.constant 1 : i32
    scf.for %scan3A_298 = %scan3A to %scan3A_290 step %scan3A_291  : i32 {
      %mul3A_299 = arith.constant 1 : i32
      %mul3A_300 = arith.muli %scan3A_298, %mul3A_299 : i32
      %add3A_301 = arith.constant 0 : i32
      %add3A_302 = arith.addi %add3A_301, %mul3A_300 : i32
      "tpu.region"() ({
        %run_scoped3A = tpu.sem_alloc : memref<!tpu.dma_semaphore, #tpu.memory_space<semaphore_mem>>
        %dma_start3A = arith.constant 0 : i32
        %dma_start3A_303 = tpu.memref_slice %arg4[%add3A_302, %dma_start3A] : memref<80x128xi32, #tpu.memory_space<vmem>> -> memref<1x128xi32, #tpu.memory_space<vmem>>
        %dma_start3A_304 = tpu.memref_squeeze %dma_start3A_303 : memref<1x128xi32, #tpu.memory_space<vmem>> -> memref<128xi32, #tpu.memory_space<vmem>>
        %dma_start3A_305 = arith.constant 0 : i32
        %dma_start3A_306 = tpu.memref_slice %arg7[%dma_start3A_305] : memref<10240xf32, #tpu.memory_space<vmem_shared>> -> memref<10240xf32, #tpu.memory_space<vmem_shared>>
        tpu.enqueue_indirect_dma source(%arg5 : memref<128xf32, #tpu.memory_space<vmem>>) target(%dma_start3A_306 : memref<10240xf32, #tpu.memory_space<vmem_shared>>) offsets(%dma_start3A_304 : memref<128xi32, #tpu.memory_space<vmem>>) semaphore(%run_scoped3A : memref<!tpu.dma_semaphore, #tpu.memory_space<semaphore_mem>>) {add = true}
        %dma_wait3A = arith.constant 0 : i32
        %dma_wait3A_307 = tpu.memref_slice %arg4[%add3A_302, %dma_wait3A] : memref<80x128xi32, #tpu.memory_space<vmem>> -> memref<1x128xi32, #tpu.memory_space<vmem>>
        %dma_wait3A_308 = tpu.memref_squeeze %dma_wait3A_307 : memref<1x128xi32, #tpu.memory_space<vmem>> -> memref<128xi32, #tpu.memory_space<vmem>>
        %dma_wait3A_309 = arith.constant 0 : i32
        %dma_wait3A_310 = tpu.memref_slice %arg7[%dma_wait3A_309] : memref<10240xf32, #tpu.memory_space<vmem_shared>> -> memref<10240xf32, #tpu.memory_space<vmem_shared>>
        tpu.wait_indirect_dma semaphore(%run_scoped3A : memref<!tpu.dma_semaphore, #tpu.memory_space<semaphore_mem>>) src(%arg5 : memref<128xf32, #tpu.memory_space<vmem>>) dst(%dma_wait3A_310 : memref<10240xf32, #tpu.memory_space<vmem_shared>>)
        tpu.yield
      }) : () -> ()
    }
    %scan3A_292 = arith.constant 80 : i32
    %barrier3A_293 = arith.constant 0 : index
    tpu.barrier barrier_id(%barrier3A_293)
    %mul3A_294 = arith.constant 640 : i32
    %mul3A_295 = arith.muli %arg1, %mul3A_294 : i32
    %mul3A_296 = arith.constant 640 : i32
    %mul3A_297 = arith.muli %arg1, %mul3A_296 : i32
    "tpu.region"() ({
      %run_scoped3A = tpu.sem_alloc : memref<!tpu.dma_semaphore, #tpu.memory_space<semaphore_mem>>
      %dma_start3A = tpu.memref_slice %arg3[%arg0, %mul3A_297] : memref<2x10240xf32, #tpu.memory_space<hbm>> -> memref<1x640xf32, #tpu.memory_space<hbm>>
      %dma_start3A_298 = tpu.memref_squeeze %dma_start3A : memref<1x640xf32, #tpu.memory_space<hbm>> -> memref<640xf32, #tpu.memory_space<hbm>>
      %dma_start3A_299 = tpu.memref_slice %arg7[%mul3A_295] : memref<10240xf32, #tpu.memory_space<vmem_shared>> -> memref<640xf32, #tpu.memory_space<vmem_shared>>
      tpu.enqueue_dma source(%dma_start3A_299 : memref<640xf32, #tpu.memory_space<vmem_shared>>) target(%dma_start3A_298 : memref<640xf32, #tpu.memory_space<hbm>>) target_semaphore(%run_scoped3A : memref<!tpu.dma_semaphore, #tpu.memory_space<semaphore_mem>>)
      %dma_wait3A = tpu.memref_slice %arg3[%arg0, %mul3A_297] : memref<2x10240xf32, #tpu.memory_space<hbm>> -> memref<1x640xf32, #tpu.memory_space<hbm>>
      %dma_wait3A_300 = tpu.memref_squeeze %dma_wait3A : memref<1x640xf32, #tpu.memory_space<hbm>> -> memref<640xf32, #tpu.memory_space<hbm>>
      %dma_wait3A_301 = tpu.memref_slice %arg7[%mul3A_295] : memref<10240xf32, #tpu.memory_space<vmem_shared>> -> memref<640xf32, #tpu.memory_space<vmem_shared>>
      tpu.wait_dma2 semaphore(%run_scoped3A : memref<!tpu.dma_semaphore, #tpu.memory_space<semaphore_mem>>) src(%dma_wait3A_301 : memref<640xf32, #tpu.memory_space<vmem_shared>>) dst(%dma_wait3A_300 : memref<640xf32, #tpu.memory_space<hbm>>)
      tpu.yield
    }) : () -> ()
    return
  }
}

#map = affine_map<(d0, d1) -> (0, 0)>
#map1 = affine_map<(d0, d1) -> (0, 0, 0, 0)>
#map2 = affine_map<(d0, d1) -> (0, 0, 0)>
module attributes {stable_mosaic.version = 14 : i64} {
  func.func @_scatter_kernel(%arg0: i32, %arg1: i32, %arg2: memref<10000x128xf32, #tpu.memory_space<hbm>>, %arg3: memref<32x2x40x128xi32, #tpu.memory_space<hbm>>, %arg4: memref<32x2x40x128xi32, #tpu.memory_space<hbm>>, %arg5: memref<2x10240x128xf32, #tpu.memory_space<hbm>>, %arg6: memref<40x128xi32, #tpu.memory_space<vmem>>, %arg7: memref<40x128xi32, #tpu.memory_space<vmem>>, %arg8: memref<2x128x128xf32, #tpu.memory_space<vmem>>, %arg9: memref<10240x128xf32, #tpu.memory_space<vmem_shared>>, %arg10: memref<!tpu.dma_semaphore, #tpu.memory_space<semaphore_mem>>, %arg11: memref<!tpu.dma_semaphore, #tpu.memory_space<semaphore_mem>>, %arg12: memref<!tpu.dma_semaphore, #tpu.memory_space<semaphore_mem>>, %arg13: memref<!tpu.dma_semaphore, #tpu.memory_space<semaphore_mem>>) attributes {dimension_semantics = [#tpu.dimension_semantics<core_parallel>, #tpu.dimension_semantics<subcore_parallel>], iteration_bounds = array<i64: 2, 16>, scalar_prefetch = 0 : i64, scratch_operands = 8 : i64, tpu.core_type = #tpu.core_type<sc_vector_subcore>, window_params = [{transform_indices = #map}, {transform_indices = #map1}, {transform_indices = #map1}, {transform_indices = #map2}]} {
    %mul3A = arith.constant 2 : i32
    %mul3A_0 = arith.muli %arg1, %mul3A : i32
    %add3A = arith.addi %mul3A_0, %arg0 : i32
    %scan3A = arith.constant 0 : i32
    %scan3A_1 = arith.constant 128 : i32
    %scan3A_2 = arith.addi %scan3A, %scan3A_1 : i32
    %scan3A_3 = arith.constant 1 : i32
    scf.for %scan3A_238 = %scan3A to %scan3A_2 step %scan3A_3  : i32 {
      %mul3A_239 = arith.constant 1 : i32
      %mul3A_240 = arith.muli %scan3A_238, %mul3A_239 : i32
      %add3A_241 = arith.constant 0 : i32
      %add3A_242 = arith.addi %add3A_241, %mul3A_240 : i32
      %broadcast_in_dim3A = arith.constant 0.000000e+00 : f32
      %broadcast_in_dim3A_243 = vector.broadcast %broadcast_in_dim3A : f32 to vector<16xf32>
      %swap3A = arith.constant 0 : i32
      %swap3A_244 = arith.index_cast %swap3A : i32 to index
      %swap3A_245 = arith.index_cast %add3A_242 : i32 to index
      %swap3A_246 = arith.constant 0 : index
      %swap3A_247 = tpu.vector_load %arg8[%swap3A_244, %swap3A_245, %swap3A_246] {strides = array<i32>} : memref<2x128x128xf32, #tpu.memory_space<vmem>>, vector<1x1x16xf32>,
      %swap3A_248 = vector.shape_cast %swap3A_247 : vector<1x1x16xf32> to vector<16xf32>
      %swap3A_249 = vector.shape_cast %broadcast_in_dim3A_243 : vector<16xf32> to vector<1x1x16xf32>
      tpu.vector_store %arg8[%swap3A_244, %swap3A_245, %swap3A_246], %swap3A_249 {strides = array<i32>} : memref<2x128x128xf32, #tpu.memory_space<vmem>>, vector<1x1x16xf32>,
      %broadcast_in_dim3A_250 = arith.constant 0.000000e+00 : f32
      %broadcast_in_dim3A_251 = vector.broadcast %broadcast_in_dim3A_250 : f32 to vector<16xf32>
      %swap3A_252 = arith.constant 0 : i32
      %swap3A_253 = arith.index_cast %swap3A_252 : i32 to index
      %swap3A_254 = arith.index_cast %add3A_242 : i32 to index
      %swap3A_255 = arith.constant 16 : index
      %swap3A_256 = tpu.vector_load %arg8[%swap3A_253, %swap3A_254, %swap3A_255] {strides = array<i32>} : memref<2x128x128xf32, #tpu.memory_space<vmem>>, vector<1x1x16xf32>,
      %swap3A_257 = vector.shape_cast %swap3A_256 : vector<1x1x16xf32> to vector<16xf32>
      %swap3A_258 = vector.shape_cast %broadcast_in_dim3A_251 : vector<16xf32> to vector<1x1x16xf32>
      tpu.vector_store %arg8[%swap3A_253, %swap3A_254, %swap3A_255], %swap3A_258 {strides = array<i32>} : memref<2x128x128xf32, #tpu.memory_space<vmem>>, vector<1x1x16xf32>,
      %broadcast_in_dim3A_259 = arith.constant 0.000000e+00 : f32
      %broadcast_in_dim3A_260 = vector.broadcast %broadcast_in_dim3A_259 : f32 to vector<16xf32>
      %swap3A_261 = arith.constant 0 : i32
      %swap3A_262 = arith.index_cast %swap3A_261 : i32 to index
      %swap3A_263 = arith.index_cast %add3A_242 : i32 to index
      %swap3A_264 = arith.constant 32 : index
      %swap3A_265 = tpu.vector_load %arg8[%swap3A_262, %swap3A_263, %swap3A_264] {strides = array<i32>} : memref<2x128x128xf32, #tpu.memory_space<vmem>>, vector<1x1x16xf32>,
      %swap3A_266 = vector.shape_cast %swap3A_265 : vector<1x1x16xf32> to vector<16xf32>
      %swap3A_267 = vector.shape_cast %broadcast_in_dim3A_260 : vector<16xf32> to vector<1x1x16xf32>
      tpu.vector_store %arg8[%swap3A_262, %swap3A_263, %swap3A_264], %swap3A_267 {strides = array<i32>} : memref<2x128x128xf32, #tpu.memory_space<vmem>>, vector<1x1x16xf32>,
      %broadcast_in_dim3A_268 = arith.constant 0.000000e+00 : f32
      %broadcast_in_dim3A_269 = vector.broadcast %broadcast_in_dim3A_268 : f32 to vector<16xf32>
      %swap3A_270 = arith.constant 0 : i32
      %swap3A_271 = arith.index_cast %swap3A_270 : i32 to index
      %swap3A_272 = arith.index_cast %add3A_242 : i32 to index
      %swap3A_273 = arith.constant 48 : index
      %swap3A_274 = tpu.vector_load %arg8[%swap3A_271, %swap3A_272, %swap3A_273] {strides = array<i32>} : memref<2x128x128xf32, #tpu.memory_space<vmem>>, vector<1x1x16xf32>,
      %swap3A_275 = vector.shape_cast %swap3A_274 : vector<1x1x16xf32> to vector<16xf32>
      %swap3A_276 = vector.shape_cast %broadcast_in_dim3A_269 : vector<16xf32> to vector<1x1x16xf32>
      tpu.vector_store %arg8[%swap3A_271, %swap3A_272, %swap3A_273], %swap3A_276 {strides = array<i32>} : memref<2x128x128xf32, #tpu.memory_space<vmem>>, vector<1x1x16xf32>,
      %broadcast_in_dim3A_277 = arith.constant 0.000000e+00 : f32
      %broadcast_in_dim3A_278 = vector.broadcast %broadcast_in_dim3A_277 : f32 to vector<16xf32>
      %swap3A_279 = arith.constant 0 : i32
      %swap3A_280 = arith.index_cast %swap3A_279 : i32 to index
      %swap3A_281 = arith.index_cast %add3A_242 : i32 to index
      %swap3A_282 = arith.constant 64 : index
      %swap3A_283 = tpu.vector_load %arg8[%swap3A_280, %swap3A_281, %swap3A_282] {strides = array<i32>} : memref<2x128x128xf32, #tpu.memory_space<vmem>>, vector<1x1x16xf32>,
      %swap3A_284 = vector.shape_cast %swap3A_283 : vector<1x1x16xf32> to vector<16xf32>
      %swap3A_285 = vector.shape_cast %broadcast_in_dim3A_278 : vector<16xf32> to vector<1x1x16xf32>
      tpu.vector_store %arg8[%swap3A_280, %swap3A_281, %swap3A_282], %swap3A_285 {strides = array<i32>} : memref<2x128x128xf32, #tpu.memory_space<vmem>>, vector<1x1x16xf32>,
      %broadcast_in_dim3A_286 = arith.constant 0.000000e+00 : f32
      %broadcast_in_dim3A_287 = vector.broadcast %broadcast_in_dim3A_286 : f32 to vector<16xf32>
      %swap3A_288 = arith.constant 0 : i32
      %swap3A_289 = arith.index_cast %swap3A_288 : i32 to index
      %swap3A_290 = arith.index_cast %add3A_242 : i32 to index
      %swap3A_291 = arith.constant 80 : index
      %swap3A_292 = tpu.vector_load %arg8[%swap3A_289, %swap3A_290, %swap3A_291] {strides = array<i32>} : memref<2x128x128xf32, #tpu.memory_space<vmem>>, vector<1x1x16xf32>,
      %swap3A_293 = vector.shape_cast %swap3A_292 : vector<1x1x16xf32> to vector<16xf32>
      %swap3A_294 = vector.shape_cast %broadcast_in_dim3A_287 : vector<16xf32> to vector<1x1x16xf32>
      tpu.vector_store %arg8[%swap3A_289, %swap3A_290, %swap3A_291], %swap3A_294 {strides = array<i32>} : memref<2x128x128xf32, #tpu.memory_space<vmem>>, vector<1x1x16xf32>,
      %broadcast_in_dim3A_295 = arith.constant 0.000000e+00 : f32
      %broadcast_in_dim3A_296 = vector.broadcast %broadcast_in_dim3A_295 : f32 to vector<16xf32>
      %swap3A_297 = arith.constant 0 : i32
      %swap3A_298 = arith.index_cast %swap3A_297 : i32 to index
      %swap3A_299 = arith.index_cast %add3A_242 : i32 to index
      %swap3A_300 = arith.constant 96 : index
      %swap3A_301 = tpu.vector_load %arg8[%swap3A_298, %swap3A_299, %swap3A_300] {strides = array<i32>} : memref<2x128x128xf32, #tpu.memory_space<vmem>>, vector<1x1x16xf32>,
      %swap3A_302 = vector.shape_cast %swap3A_301 : vector<1x1x16xf32> to vector<16xf32>
      %swap3A_303 = vector.shape_cast %broadcast_in_dim3A_296 : vector<16xf32> to vector<1x1x16xf32>
      tpu.vector_store %arg8[%swap3A_298, %swap3A_299, %swap3A_300], %swap3A_303 {strides = array<i32>} : memref<2x128x128xf32, #tpu.memory_space<vmem>>, vector<1x1x16xf32>,
      %broadcast_in_dim3A_304 = arith.constant 0.000000e+00 : f32
      %broadcast_in_dim3A_305 = vector.broadcast %broadcast_in_dim3A_304 : f32 to vector<16xf32>
      %swap3A_306 = arith.constant 0 : i32
      %swap3A_307 = arith.index_cast %swap3A_306 : i32 to index
      %swap3A_308 = arith.index_cast %add3A_242 : i32 to index
      %swap3A_309 = arith.constant 112 : index
      %swap3A_310 = tpu.vector_load %arg8[%swap3A_307, %swap3A_308, %swap3A_309] {strides = array<i32>} : memref<2x128x128xf32, #tpu.memory_space<vmem>>, vector<1x1x16xf32>,
      %swap3A_311 = vector.shape_cast %swap3A_310 : vector<1x1x16xf32> to vector<16xf32>
      %swap3A_312 = vector.shape_cast %broadcast_in_dim3A_305 : vector<16xf32> to vector<1x1x16xf32>
      tpu.vector_store %arg8[%swap3A_307, %swap3A_308, %swap3A_309], %swap3A_312 {strides = array<i32>} : memref<2x128x128xf32, #tpu.memory_space<vmem>>, vector<1x1x16xf32>,
    }
    %scan3A_4 = arith.constant 128 : i32
    %mul3A_5 = arith.constant 640 : i32
    %mul3A_6 = arith.muli %arg1, %mul3A_5 : i32
    %add3A_7 = arith.constant 0 : i32
    %add3A_8 = arith.addi %mul3A_6, %add3A_7 : i32
    %run_scoped3A = arith.constant 0 : i32
    "tpu.region"() ({
      %run_scoped3A_238 = tpu.sem_alloc : memref<!tpu.dma_semaphore, #tpu.memory_space<semaphore_mem>>
      %dma_start3A_239 = arith.constant 0 : i32
      %dma_start3A_240 = arith.constant 0 : i32
      %dma_start3A_241 = tpu.memref_slice %arg8[%run_scoped3A, %dma_start3A_239, %dma_start3A_240] : memref<2x128x128xf32, #tpu.memory_space<vmem>> -> memref<1x128x128xf32, #tpu.memory_space<vmem>>
      %dma_start3A_242 = tpu.memref_squeeze %dma_start3A_241 : memref<1x128x128xf32, #tpu.memory_space<vmem>> -> memref<128x128xf32, #tpu.memory_space<vmem>>
      %dma_start3A_243 = arith.constant 0 : i32
      %dma_start3A_244 = tpu.memref_slice %arg9[%add3A_8, %dma_start3A_243] : memref<10240x128xf32, #tpu.memory_space<vmem_shared>> -> memref<128x128xf32, #tpu.memory_space<vmem_shared>>
      %dma_start3A_245 = arith.constant 0 : i32
      %dma_start3A_246 = tpu.memref_slice %arg9[%add3A_8, %dma_start3A_245] : memref<10240x128xf32, #tpu.memory_space<vmem_shared>> -> memref<128x128xf32, #tpu.memory_space<vmem_shared>>
      %dma_start3A_247 = arith.constant 0 : i32
      %dma_start3A_248 = arith.constant 0 : i32
      %dma_start3A_249 = tpu.memref_slice %arg8[%run_scoped3A, %dma_start3A_247, %dma_start3A_248] : memref<2x128x128xf32, #tpu.memory_space<vmem>> -> memref<1x128x128xf32, #tpu.memory_space<vmem>>
      %dma_start3A_250 = tpu.memref_squeeze %dma_start3A_249 : memref<1x128x128xf32, #tpu.memory_space<vmem>> -> memref<128x128xf32, #tpu.memory_space<vmem>>
      tpu.enqueue_dma source(%dma_start3A_250 : memref<128x128xf32, #tpu.memory_space<vmem>>) target(%dma_start3A_246 : memref<128x128xf32, #tpu.memory_space<vmem_shared>>) target_semaphore(%run_scoped3A_238 : memref<!tpu.dma_semaphore, #tpu.memory_space<semaphore_mem>>)
      %dma_wait3A_251 = arith.constant 0 : i32
      %dma_wait3A_252 = arith.constant 0 : i32
      %dma_wait3A_253 = tpu.memref_slice %arg8[%run_scoped3A, %dma_wait3A_251, %dma_wait3A_252] : memref<2x128x128xf32, #tpu.memory_space<vmem>> -> memref<1x128x128xf32, #tpu.memory_space<vmem>>
      %dma_wait3A_254 = tpu.memref_squeeze %dma_wait3A_253 : memref<1x128x128xf32, #tpu.memory_space<vmem>> -> memref<128x128xf32, #tpu.memory_space<vmem>>
      %dma_wait3A_255 = arith.constant 0 : i32
      %dma_wait3A_256 = tpu.memref_slice %arg9[%add3A_8, %dma_wait3A_255] : memref<10240x128xf32, #tpu.memory_space<vmem_shared>> -> memref<128x128xf32, #tpu.memory_space<vmem_shared>>
      %dma_wait3A_257 = arith.constant 0 : i32
      %dma_wait3A_258 = tpu.memref_slice %arg9[%add3A_8, %dma_wait3A_257] : memref<10240x128xf32, #tpu.memory_space<vmem_shared>> -> memref<128x128xf32, #tpu.memory_space<vmem_shared>>
      %dma_wait3A_259 = arith.constant 0 : i32
      %dma_wait3A_260 = arith.constant 0 : i32
      %dma_wait3A_261 = tpu.memref_slice %arg8[%run_scoped3A, %dma_wait3A_259, %dma_wait3A_260] : memref<2x128x128xf32, #tpu.memory_space<vmem>> -> memref<1x128x128xf32, #tpu.memory_space<vmem>>
      %dma_wait3A_262 = tpu.memref_squeeze %dma_wait3A_261 : memref<1x128x128xf32, #tpu.memory_space<vmem>> -> memref<128x128xf32, #tpu.memory_space<vmem>>
      tpu.wait_dma2 semaphore(%run_scoped3A_238 : memref<!tpu.dma_semaphore, #tpu.memory_space<semaphore_mem>>) src(%dma_wait3A_262 : memref<128x128xf32, #tpu.memory_space<vmem>>) dst(%dma_wait3A_258 : memref<128x128xf32, #tpu.memory_space<vmem_shared>>)
      tpu.yield
    }) : () -> ()
    %mul3A_9 = arith.constant 640 : i32
    %mul3A_10 = arith.muli %arg1, %mul3A_9 : i32
    %add3A_11 = arith.constant 128 : i32
    %add3A_12 = arith.addi %mul3A_10, %add3A_11 : i32
    %run_scoped3A_13 = arith.constant 0 : i32
    "tpu.region"() ({
      %run_scoped3A_238 = tpu.sem_alloc : memref<!tpu.dma_semaphore, #tpu.memory_space<semaphore_mem>>
      %dma_start3A_239 = arith.constant 0 : i32
      %dma_start3A_240 = arith.constant 0 : i32
      %dma_start3A_241 = tpu.memref_slice %arg8[%run_scoped3A_13, %dma_start3A_239, %dma_start3A_240] : memref<2x128x128xf32, #tpu.memory_space<vmem>> -> memref<1x128x128xf32, #tpu.memory_space<vmem>>
      %dma_start3A_242 = tpu.memref_squeeze %dma_start3A_241 : memref<1x128x128xf32, #tpu.memory_space<vmem>> -> memref<128x128xf32, #tpu.memory_space<vmem>>
      %dma_start3A_243 = arith.constant 0 : i32
      %dma_start3A_244 = tpu.memref_slice %arg9[%add3A_12, %dma_start3A_243] : memref<10240x128xf32, #tpu.memory_space<vmem_shared>> -> memref<128x128xf32, #tpu.memory_space<vmem_shared>>
      %dma_start3A_245 = arith.constant 0 : i32
      %dma_start3A_246 = tpu.memref_slice %arg9[%add3A_12, %dma_start3A_245] : memref<10240x128xf32, #tpu.memory_space<vmem_shared>> -> memref<128x128xf32, #tpu.memory_space<vmem_shared>>
      %dma_start3A_247 = arith.constant 0 : i32
      %dma_start3A_248 = arith.constant 0 : i32
      %dma_start3A_249 = tpu.memref_slice %arg8[%run_scoped3A_13, %dma_start3A_247, %dma_start3A_248] : memref<2x128x128xf32, #tpu.memory_space<vmem>> -> memref<1x128x128xf32, #tpu.memory_space<vmem>>
      %dma_start3A_250 = tpu.memref_squeeze %dma_start3A_249 : memref<1x128x128xf32, #tpu.memory_space<vmem>> -> memref<128x128xf32, #tpu.memory_space<vmem>>
      tpu.enqueue_dma source(%dma_start3A_250 : memref<128x128xf32, #tpu.memory_space<vmem>>) target(%dma_start3A_246 : memref<128x128xf32, #tpu.memory_space<vmem_shared>>) target_semaphore(%run_scoped3A_238 : memref<!tpu.dma_semaphore, #tpu.memory_space<semaphore_mem>>)
      %dma_wait3A_251 = arith.constant 0 : i32
      %dma_wait3A_252 = arith.constant 0 : i32
      %dma_wait3A_253 = tpu.memref_slice %arg8[%run_scoped3A_13, %dma_wait3A_251, %dma_wait3A_252] : memref<2x128x128xf32, #tpu.memory_space<vmem>> -> memref<1x128x128xf32, #tpu.memory_space<vmem>>
      %dma_wait3A_254 = tpu.memref_squeeze %dma_wait3A_253 : memref<1x128x128xf32, #tpu.memory_space<vmem>> -> memref<128x128xf32, #tpu.memory_space<vmem>>
      %dma_wait3A_255 = arith.constant 0 : i32
      %dma_wait3A_256 = tpu.memref_slice %arg9[%add3A_12, %dma_wait3A_255] : memref<10240x128xf32, #tpu.memory_space<vmem_shared>> -> memref<128x128xf32, #tpu.memory_space<vmem_shared>>
      %dma_wait3A_257 = arith.constant 0 : i32
      %dma_wait3A_258 = tpu.memref_slice %arg9[%add3A_12, %dma_wait3A_257] : memref<10240x128xf32, #tpu.memory_space<vmem_shared>> -> memref<128x128xf32, #tpu.memory_space<vmem_shared>>
      %dma_wait3A_259 = arith.constant 0 : i32
      %dma_wait3A_260 = arith.constant 0 : i32
      %dma_wait3A_261 = tpu.memref_slice %arg8[%run_scoped3A_13, %dma_wait3A_259, %dma_wait3A_260] : memref<2x128x128xf32, #tpu.memory_space<vmem>> -> memref<1x128x128xf32, #tpu.memory_space<vmem>>
      %dma_wait3A_262 = tpu.memref_squeeze %dma_wait3A_261 : memref<1x128x128xf32, #tpu.memory_space<vmem>> -> memref<128x128xf32, #tpu.memory_space<vmem>>
      tpu.wait_dma2 semaphore(%run_scoped3A_238 : memref<!tpu.dma_semaphore, #tpu.memory_space<semaphore_mem>>) src(%dma_wait3A_262 : memref<128x128xf32, #tpu.memory_space<vmem>>) dst(%dma_wait3A_258 : memref<128x128xf32, #tpu.memory_space<vmem_shared>>)
      tpu.yield
    }) : () -> ()
    %mul3A_14 = arith.constant 640 : i32
    %mul3A_15 = arith.muli %arg1, %mul3A_14 : i32
    %add3A_16 = arith.constant 256 : i32
    %add3A_17 = arith.addi %mul3A_15, %add3A_16 : i32
    %run_scoped3A_18 = arith.constant 0 : i32
    "tpu.region"() ({
      %run_scoped3A_238 = tpu.sem_alloc : memref<!tpu.dma_semaphore, #tpu.memory_space<semaphore_mem>>
      %dma_start3A_239 = arith.constant 0 : i32
      %dma_start3A_240 = arith.constant 0 : i32
      %dma_start3A_241 = tpu.memref_slice %arg8[%run_scoped3A_18, %dma_start3A_239, %dma_start3A_240] : memref<2x128x128xf32, #tpu.memory_space<vmem>> -> memref<1x128x128xf32, #tpu.memory_space<vmem>>
      %dma_start3A_242 = tpu.memref_squeeze %dma_start3A_241 : memref<1x128x128xf32, #tpu.memory_space<vmem>> -> memref<128x128xf32, #tpu.memory_space<vmem>>
      %dma_start3A_243 = arith.constant 0 : i32
      %dma_start3A_244 = tpu.memref_slice %arg9[%add3A_17, %dma_start3A_243] : memref<10240x128xf32, #tpu.memory_space<vmem_shared>> -> memref<128x128xf32, #tpu.memory_space<vmem_shared>>
      %dma_start3A_245 = arith.constant 0 : i32
      %dma_start3A_246 = tpu.memref_slice %arg9[%add3A_17, %dma_start3A_245] : memref<10240x128xf32, #tpu.memory_space<vmem_shared>> -> memref<128x128xf32, #tpu.memory_space<vmem_shared>>
      %dma_start3A_247 = arith.constant 0 : i32
      %dma_start3A_248 = arith.constant 0 : i32
      %dma_start3A_249 = tpu.memref_slice %arg8[%run_scoped3A_18, %dma_start3A_247, %dma_start3A_248] : memref<2x128x128xf32, #tpu.memory_space<vmem>> -> memref<1x128x128xf32, #tpu.memory_space<vmem>>
      %dma_start3A_250 = tpu.memref_squeeze %dma_start3A_249 : memref<1x128x128xf32, #tpu.memory_space<vmem>> -> memref<128x128xf32, #tpu.memory_space<vmem>>
      tpu.enqueue_dma source(%dma_start3A_250 : memref<128x128xf32, #tpu.memory_space<vmem>>) target(%dma_start3A_246 : memref<128x128xf32, #tpu.memory_space<vmem_shared>>) target_semaphore(%run_scoped3A_238 : memref<!tpu.dma_semaphore, #tpu.memory_space<semaphore_mem>>)
      %dma_wait3A_251 = arith.constant 0 : i32
      %dma_wait3A_252 = arith.constant 0 : i32
      %dma_wait3A_253 = tpu.memref_slice %arg8[%run_scoped3A_18, %dma_wait3A_251, %dma_wait3A_252] : memref<2x128x128xf32, #tpu.memory_space<vmem>> -> memref<1x128x128xf32, #tpu.memory_space<vmem>>
      %dma_wait3A_254 = tpu.memref_squeeze %dma_wait3A_253 : memref<1x128x128xf32, #tpu.memory_space<vmem>> -> memref<128x128xf32, #tpu.memory_space<vmem>>
      %dma_wait3A_255 = arith.constant 0 : i32
      %dma_wait3A_256 = tpu.memref_slice %arg9[%add3A_17, %dma_wait3A_255] : memref<10240x128xf32, #tpu.memory_space<vmem_shared>> -> memref<128x128xf32, #tpu.memory_space<vmem_shared>>
      %dma_wait3A_257 = arith.constant 0 : i32
      %dma_wait3A_258 = tpu.memref_slice %arg9[%add3A_17, %dma_wait3A_257] : memref<10240x128xf32, #tpu.memory_space<vmem_shared>> -> memref<128x128xf32, #tpu.memory_space<vmem_shared>>
      %dma_wait3A_259 = arith.constant 0 : i32
      %dma_wait3A_260 = arith.constant 0 : i32
      %dma_wait3A_261 = tpu.memref_slice %arg8[%run_scoped3A_18, %dma_wait3A_259, %dma_wait3A_260] : memref<2x128x128xf32, #tpu.memory_space<vmem>> -> memref<1x128x128xf32, #tpu.memory_space<vmem>>
      %dma_wait3A_262 = tpu.memref_squeeze %dma_wait3A_261 : memref<1x128x128xf32, #tpu.memory_space<vmem>> -> memref<128x128xf32, #tpu.memory_space<vmem>>
      tpu.wait_dma2 semaphore(%run_scoped3A_238 : memref<!tpu.dma_semaphore, #tpu.memory_space<semaphore_mem>>) src(%dma_wait3A_262 : memref<128x128xf32, #tpu.memory_space<vmem>>) dst(%dma_wait3A_258 : memref<128x128xf32, #tpu.memory_space<vmem_shared>>)
      tpu.yield
    }) : () -> ()
    %mul3A_19 = arith.constant 640 : i32
    %mul3A_20 = arith.muli %arg1, %mul3A_19 : i32
    %add3A_21 = arith.constant 384 : i32
    %add3A_22 = arith.addi %mul3A_20, %add3A_21 : i32
    %run_scoped3A_23 = arith.constant 0 : i32
    "tpu.region"() ({
      %run_scoped3A_238 = tpu.sem_alloc : memref<!tpu.dma_semaphore, #tpu.memory_space<semaphore_mem>>
      %dma_start3A_239 = arith.constant 0 : i32
      %dma_start3A_240 = arith.constant 0 : i32
      %dma_start3A_241 = tpu.memref_slice %arg8[%run_scoped3A_23, %dma_start3A_239, %dma_start3A_240] : memref<2x128x128xf32, #tpu.memory_space<vmem>> -> memref<1x128x128xf32, #tpu.memory_space<vmem>>
      %dma_start3A_242 = tpu.memref_squeeze %dma_start3A_241 : memref<1x128x128xf32, #tpu.memory_space<vmem>> -> memref<128x128xf32, #tpu.memory_space<vmem>>
      %dma_start3A_243 = arith.constant 0 : i32
      %dma_start3A_244 = tpu.memref_slice %arg9[%add3A_22, %dma_start3A_243] : memref<10240x128xf32, #tpu.memory_space<vmem_shared>> -> memref<128x128xf32, #tpu.memory_space<vmem_shared>>
      %dma_start3A_245 = arith.constant 0 : i32
      %dma_start3A_246 = tpu.memref_slice %arg9[%add3A_22, %dma_start3A_245] : memref<10240x128xf32, #tpu.memory_space<vmem_shared>> -> memref<128x128xf32, #tpu.memory_space<vmem_shared>>
      %dma_start3A_247 = arith.constant 0 : i32
      %dma_start3A_248 = arith.constant 0 : i32
      %dma_start3A_249 = tpu.memref_slice %arg8[%run_scoped3A_23, %dma_start3A_247, %dma_start3A_248] : memref<2x128x128xf32, #tpu.memory_space<vmem>> -> memref<1x128x128xf32, #tpu.memory_space<vmem>>
      %dma_start3A_250 = tpu.memref_squeeze %dma_start3A_249 : memref<1x128x128xf32, #tpu.memory_space<vmem>> -> memref<128x128xf32, #tpu.memory_space<vmem>>
      tpu.enqueue_dma source(%dma_start3A_250 : memref<128x128xf32, #tpu.memory_space<vmem>>) target(%dma_start3A_246 : memref<128x128xf32, #tpu.memory_space<vmem_shared>>) target_semaphore(%run_scoped3A_238 : memref<!tpu.dma_semaphore, #tpu.memory_space<semaphore_mem>>)
      %dma_wait3A_251 = arith.constant 0 : i32
      %dma_wait3A_252 = arith.constant 0 : i32
      %dma_wait3A_253 = tpu.memref_slice %arg8[%run_scoped3A_23, %dma_wait3A_251, %dma_wait3A_252] : memref<2x128x128xf32, #tpu.memory_space<vmem>> -> memref<1x128x128xf32, #tpu.memory_space<vmem>>
      %dma_wait3A_254 = tpu.memref_squeeze %dma_wait3A_253 : memref<1x128x128xf32, #tpu.memory_space<vmem>> -> memref<128x128xf32, #tpu.memory_space<vmem>>
      %dma_wait3A_255 = arith.constant 0 : i32
      %dma_wait3A_256 = tpu.memref_slice %arg9[%add3A_22, %dma_wait3A_255] : memref<10240x128xf32, #tpu.memory_space<vmem_shared>> -> memref<128x128xf32, #tpu.memory_space<vmem_shared>>
      %dma_wait3A_257 = arith.constant 0 : i32
      %dma_wait3A_258 = tpu.memref_slice %arg9[%add3A_22, %dma_wait3A_257] : memref<10240x128xf32, #tpu.memory_space<vmem_shared>> -> memref<128x128xf32, #tpu.memory_space<vmem_shared>>
      %dma_wait3A_259 = arith.constant 0 : i32
      %dma_wait3A_260 = arith.constant 0 : i32
      %dma_wait3A_261 = tpu.memref_slice %arg8[%run_scoped3A_23, %dma_wait3A_259, %dma_wait3A_260] : memref<2x128x128xf32, #tpu.memory_space<vmem>> -> memref<1x128x128xf32, #tpu.memory_space<vmem>>
      %dma_wait3A_262 = tpu.memref_squeeze %dma_wait3A_261 : memref<1x128x128xf32, #tpu.memory_space<vmem>> -> memref<128x128xf32, #tpu.memory_space<vmem>>
      tpu.wait_dma2 semaphore(%run_scoped3A_238 : memref<!tpu.dma_semaphore, #tpu.memory_space<semaphore_mem>>) src(%dma_wait3A_262 : memref<128x128xf32, #tpu.memory_space<vmem>>) dst(%dma_wait3A_258 : memref<128x128xf32, #tpu.memory_space<vmem_shared>>)
      tpu.yield
    }) : () -> ()
    %mul3A_24 = arith.constant 640 : i32
    %mul3A_25 = arith.muli %arg1, %mul3A_24 : i32
    %add3A_26 = arith.constant 512 : i32
    %add3A_27 = arith.addi %mul3A_25, %add3A_26 : i32
    %run_scoped3A_28 = arith.constant 0 : i32
    "tpu.region"() ({
      %run_scoped3A_238 = tpu.sem_alloc : memref<!tpu.dma_semaphore, #tpu.memory_space<semaphore_mem>>
      %dma_start3A_239 = arith.constant 0 : i32
      %dma_start3A_240 = arith.constant 0 : i32
      %dma_start3A_241 = tpu.memref_slice %arg8[%run_scoped3A_28, %dma_start3A_239, %dma_start3A_240] : memref<2x128x128xf32, #tpu.memory_space<vmem>> -> memref<1x128x128xf32, #tpu.memory_space<vmem>>
      %dma_start3A_242 = tpu.memref_squeeze %dma_start3A_241 : memref<1x128x128xf32, #tpu.memory_space<vmem>> -> memref<128x128xf32, #tpu.memory_space<vmem>>
      %dma_start3A_243 = arith.constant 0 : i32
      %dma_start3A_244 = tpu.memref_slice %arg9[%add3A_27, %dma_start3A_243] : memref<10240x128xf32, #tpu.memory_space<vmem_shared>> -> memref<128x128xf32, #tpu.memory_space<vmem_shared>>
      %dma_start3A_245 = arith.constant 0 : i32
      %dma_start3A_246 = tpu.memref_slice %arg9[%add3A_27, %dma_start3A_245] : memref<10240x128xf32, #tpu.memory_space<vmem_shared>> -> memref<128x128xf32, #tpu.memory_space<vmem_shared>>
      %dma_start3A_247 = arith.constant 0 : i32
      %dma_start3A_248 = arith.constant 0 : i32
      %dma_start3A_249 = tpu.memref_slice %arg8[%run_scoped3A_28, %dma_start3A_247, %dma_start3A_248] : memref<2x128x128xf32, #tpu.memory_space<vmem>> -> memref<1x128x128xf32, #tpu.memory_space<vmem>>
      %dma_start3A_250 = tpu.memref_squeeze %dma_start3A_249 : memref<1x128x128xf32, #tpu.memory_space<vmem>> -> memref<128x128xf32, #tpu.memory_space<vmem>>
      tpu.enqueue_dma source(%dma_start3A_250 : memref<128x128xf32, #tpu.memory_space<vmem>>) target(%dma_start3A_246 : memref<128x128xf32, #tpu.memory_space<vmem_shared>>) target_semaphore(%run_scoped3A_238 : memref<!tpu.dma_semaphore, #tpu.memory_space<semaphore_mem>>)
      %dma_wait3A_251 = arith.constant 0 : i32
      %dma_wait3A_252 = arith.constant 0 : i32
      %dma_wait3A_253 = tpu.memref_slice %arg8[%run_scoped3A_28, %dma_wait3A_251, %dma_wait3A_252] : memref<2x128x128xf32, #tpu.memory_space<vmem>> -> memref<1x128x128xf32, #tpu.memory_space<vmem>>
      %dma_wait3A_254 = tpu.memref_squeeze %dma_wait3A_253 : memref<1x128x128xf32, #tpu.memory_space<vmem>> -> memref<128x128xf32, #tpu.memory_space<vmem>>
      %dma_wait3A_255 = arith.constant 0 : i32
      %dma_wait3A_256 = tpu.memref_slice %arg9[%add3A_27, %dma_wait3A_255] : memref<10240x128xf32, #tpu.memory_space<vmem_shared>> -> memref<128x128xf32, #tpu.memory_space<vmem_shared>>
      %dma_wait3A_257 = arith.constant 0 : i32
      %dma_wait3A_258 = tpu.memref_slice %arg9[%add3A_27, %dma_wait3A_257] : memref<10240x128xf32, #tpu.memory_space<vmem_shared>> -> memref<128x128xf32, #tpu.memory_space<vmem_shared>>
      %dma_wait3A_259 = arith.constant 0 : i32
      %dma_wait3A_260 = arith.constant 0 : i32
      %dma_wait3A_261 = tpu.memref_slice %arg8[%run_scoped3A_28, %dma_wait3A_259, %dma_wait3A_260] : memref<2x128x128xf32, #tpu.memory_space<vmem>> -> memref<1x128x128xf32, #tpu.memory_space<vmem>>
      %dma_wait3A_262 = tpu.memref_squeeze %dma_wait3A_261 : memref<1x128x128xf32, #tpu.memory_space<vmem>> -> memref<128x128xf32, #tpu.memory_space<vmem>>
      tpu.wait_dma2 semaphore(%run_scoped3A_238 : memref<!tpu.dma_semaphore, #tpu.memory_space<semaphore_mem>>) src(%dma_wait3A_262 : memref<128x128xf32, #tpu.memory_space<vmem>>) dst(%dma_wait3A_258 : memref<128x128xf32, #tpu.memory_space<vmem_shared>>)
      tpu.yield
    }) : () -> ()
    %barrier3A = arith.constant 0 : index
    tpu.barrier barrier_id(%barrier3A)
    %run_scoped3A_29 = arith.constant 0 : i32
    "tpu.region"() ({
      %run_scoped3A_238 = tpu.sem_alloc : memref<!tpu.dma_semaphore, #tpu.memory_space<semaphore_mem>>
      %dma_start3A_239 = arith.constant 0 : i32
      %dma_start3A_240 = arith.constant 0 : i32
      %dma_start3A_241 = tpu.memref_slice %arg3[%add3A, %run_scoped3A_29, %dma_start3A_239, %dma_start3A_240] : memref<32x2x40x128xi32, #tpu.memory_space<hbm>> -> memref<1x1x40x128xi32, #tpu.memory_space<hbm>>
      %dma_start3A_242 = tpu.memref_squeeze %dma_start3A_241 : memref<1x1x40x128xi32, #tpu.memory_space<hbm>> -> memref<40x128xi32, #tpu.memory_space<hbm>>
      %dma_start3A_243 = arith.constant 0 : i32
      %dma_start3A_244 = arith.constant 0 : i32
      %dma_start3A_245 = tpu.memref_slice %arg3[%add3A, %run_scoped3A_29, %dma_start3A_243, %dma_start3A_244] : memref<32x2x40x128xi32, #tpu.memory_space<hbm>> -> memref<1x1x40x128xi32, #tpu.memory_space<hbm>>
      %dma_start3A_246 = tpu.memref_squeeze %dma_start3A_245 : memref<1x1x40x128xi32, #tpu.memory_space<hbm>> -> memref<40x128xi32, #tpu.memory_space<hbm>>
      tpu.enqueue_dma source(%dma_start3A_246 : memref<40x128xi32, #tpu.memory_space<hbm>>) target(%arg6 : memref<40x128xi32, #tpu.memory_space<vmem>>) target_semaphore(%run_scoped3A_238 : memref<!tpu.dma_semaphore, #tpu.memory_space<semaphore_mem>>)
      %dma_wait3A_247 = arith.constant 0 : i32
      %dma_wait3A_248 = arith.constant 0 : i32
      %dma_wait3A_249 = tpu.memref_slice %arg3[%add3A, %run_scoped3A_29, %dma_wait3A_247, %dma_wait3A_248] : memref<32x2x40x128xi32, #tpu.memory_space<hbm>> -> memref<1x1x40x128xi32, #tpu.memory_space<hbm>>
      %dma_wait3A_250 = tpu.memref_squeeze %dma_wait3A_249 : memref<1x1x40x128xi32, #tpu.memory_space<hbm>> -> memref<40x128xi32, #tpu.memory_space<hbm>>
      %dma_wait3A_251 = arith.constant 0 : i32
      %dma_wait3A_252 = arith.constant 0 : i32
      %dma_wait3A_253 = tpu.memref_slice %arg3[%add3A, %run_scoped3A_29, %dma_wait3A_251, %dma_wait3A_252] : memref<32x2x40x128xi32, #tpu.memory_space<hbm>> -> memref<1x1x40x128xi32, #tpu.memory_space<hbm>>
      %dma_wait3A_254 = tpu.memref_squeeze %dma_wait3A_253 : memref<1x1x40x128xi32, #tpu.memory_space<hbm>> -> memref<40x128xi32, #tpu.memory_space<hbm>>
      tpu.wait_dma2 semaphore(%run_scoped3A_238 : memref<!tpu.dma_semaphore, #tpu.memory_space<semaphore_mem>>) src(%dma_wait3A_254 : memref<40x128xi32, #tpu.memory_space<hbm>>) dst(%arg6 : memref<40x128xi32, #tpu.memory_space<vmem>>)
      tpu.yield
    }) : () -> ()
    %run_scoped3A_30 = arith.constant 0 : i32
    "tpu.region"() ({
      %run_scoped3A_238 = tpu.sem_alloc : memref<!tpu.dma_semaphore, #tpu.memory_space<semaphore_mem>>
      %dma_start3A_239 = arith.constant 0 : i32
      %dma_start3A_240 = arith.constant 0 : i32
      %dma_start3A_241 = tpu.memref_slice %arg4[%add3A, %run_scoped3A_30, %dma_start3A_239, %dma_start3A_240] : memref<32x2x40x128xi32, #tpu.memory_space<hbm>> -> memref<1x1x40x128xi32, #tpu.memory_space<hbm>>
      %dma_start3A_242 = tpu.memref_squeeze %dma_start3A_241 : memref<1x1x40x128xi32, #tpu.memory_space<hbm>> -> memref<40x128xi32, #tpu.memory_space<hbm>>
      %dma_start3A_243 = arith.constant 0 : i32
      %dma_start3A_244 = arith.constant 0 : i32
      %dma_start3A_245 = tpu.memref_slice %arg4[%add3A, %run_scoped3A_30, %dma_start3A_243, %dma_start3A_244] : memref<32x2x40x128xi32, #tpu.memory_space<hbm>> -> memref<1x1x40x128xi32, #tpu.memory_space<hbm>>
      %dma_start3A_246 = tpu.memref_squeeze %dma_start3A_245 : memref<1x1x40x128xi32, #tpu.memory_space<hbm>> -> memref<40x128xi32, #tpu.memory_space<hbm>>
      tpu.enqueue_dma source(%dma_start3A_246 : memref<40x128xi32, #tpu.memory_space<hbm>>) target(%arg7 : memref<40x128xi32, #tpu.memory_space<vmem>>) target_semaphore(%run_scoped3A_238 : memref<!tpu.dma_semaphore, #tpu.memory_space<semaphore_mem>>)
      %dma_wait3A_247 = arith.constant 0 : i32
      %dma_wait3A_248 = arith.constant 0 : i32
      %dma_wait3A_249 = tpu.memref_slice %arg4[%add3A, %run_scoped3A_30, %dma_wait3A_247, %dma_wait3A_248] : memref<32x2x40x128xi32, #tpu.memory_space<hbm>> -> memref<1x1x40x128xi32, #tpu.memory_space<hbm>>
      %dma_wait3A_250 = tpu.memref_squeeze %dma_wait3A_249 : memref<1x1x40x128xi32, #tpu.memory_space<hbm>> -> memref<40x128xi32, #tpu.memory_space<hbm>>
      %dma_wait3A_251 = arith.constant 0 : i32
      %dma_wait3A_252 = arith.constant 0 : i32
      %dma_wait3A_253 = tpu.memref_slice %arg4[%add3A, %run_scoped3A_30, %dma_wait3A_251, %dma_wait3A_252] : memref<32x2x40x128xi32, #tpu.memory_space<hbm>> -> memref<1x1x40x128xi32, #tpu.memory_space<hbm>>
      %dma_wait3A_254 = tpu.memref_squeeze %dma_wait3A_253 : memref<1x1x40x128xi32, #tpu.memory_space<hbm>> -> memref<40x128xi32, #tpu.memory_space<hbm>>
      tpu.wait_dma2 semaphore(%run_scoped3A_238 : memref<!tpu.dma_semaphore, #tpu.memory_space<semaphore_mem>>) src(%dma_wait3A_254 : memref<40x128xi32, #tpu.memory_space<hbm>>) dst(%arg7 : memref<40x128xi32, #tpu.memory_space<vmem>>)
      tpu.yield
    }) : () -> ()
    %dma_start3A = arith.constant 0 : i32
    %dma_start3A_31 = arith.constant 0 : i32
    %dma_start3A_32 = arith.constant 0 : i32
    %dma_start3A_33 = arith.constant 0 : i32
    %dma_start3A_34 = tpu.memref_slice %arg8[%dma_start3A_31, %dma_start3A_32, %dma_start3A_33] : memref<2x128x128xf32, #tpu.memory_space<vmem>> -> memref<1x128x128xf32, #tpu.memory_space<vmem>>
    %dma_start3A_35 = tpu.memref_squeeze %dma_start3A_34 : memref<1x128x128xf32, #tpu.memory_space<vmem>> -> memref<128x128xf32, #tpu.memory_space<vmem>>
    %dma_start3A_36 = arith.constant 0 : i32
    %dma_start3A_37 = tpu.memref_slice %arg6[%dma_start3A, %dma_start3A_36] : memref<40x128xi32, #tpu.memory_space<vmem>> -> memref<1x128xi32, #tpu.memory_space<vmem>>
    %dma_start3A_38 = tpu.memref_squeeze %dma_start3A_37 : memref<1x128xi32, #tpu.memory_space<vmem>> -> memref<128xi32, #tpu.memory_space<vmem>>
    %dma_start3A_39 = arith.constant 0 : i32
    %dma_start3A_40 = arith.constant 0 : i32
    %dma_start3A_41 = tpu.memref_slice %arg2[%dma_start3A_39, %dma_start3A_40] : memref<10000x128xf32, #tpu.memory_space<hbm>> -> memref<10000x128xf32, #tpu.memory_space<hbm>>
    tpu.enqueue_indirect_dma source(%dma_start3A_41 : memref<10000x128xf32, #tpu.memory_space<hbm>>) target(%dma_start3A_35 : memref<128x128xf32, #tpu.memory_space<vmem>>) offsets(%dma_start3A_38 : memref<128xi32, #tpu.memory_space<vmem>>) semaphore(%arg10 : memref<!tpu.dma_semaphore, #tpu.memory_space<semaphore_mem>>)
    %dma_start3A_42 = arith.constant 1 : i32
    %dma_start3A_43 = arith.constant 1 : i32
    %dma_start3A_44 = arith.constant 0 : i32
    %dma_start3A_45 = arith.constant 0 : i32
    %dma_start3A_46 = tpu.memref_slice %arg8[%dma_start3A_43, %dma_start3A_44, %dma_start3A_45] : memref<2x128x128xf32, #tpu.memory_space<vmem>> -> memref<1x128x128xf32, #tpu.memory_space<vmem>>
    %dma_start3A_47 = tpu.memref_squeeze %dma_start3A_46 : memref<1x128x128xf32, #tpu.memory_space<vmem>> -> memref<128x128xf32, #tpu.memory_space<vmem>>
    %dma_start3A_48 = arith.constant 0 : i32
    %dma_start3A_49 = tpu.memref_slice %arg6[%dma_start3A_42, %dma_start3A_48] : memref<40x128xi32, #tpu.memory_space<vmem>> -> memref<1x128xi32, #tpu.memory_space<vmem>>
    %dma_start3A_50 = tpu.memref_squeeze %dma_start3A_49 : memref<1x128xi32, #tpu.memory_space<vmem>> -> memref<128xi32, #tpu.memory_space<vmem>>
    %dma_start3A_51 = arith.constant 0 : i32
    %dma_start3A_52 = arith.constant 0 : i32
    %dma_start3A_53 = tpu.memref_slice %arg2[%dma_start3A_51, %dma_start3A_52] : memref<10000x128xf32, #tpu.memory_space<hbm>> -> memref<10000x128xf32, #tpu.memory_space<hbm>>
    tpu.enqueue_indirect_dma source(%dma_start3A_53 : memref<10000x128xf32, #tpu.memory_space<hbm>>) target(%dma_start3A_47 : memref<128x128xf32, #tpu.memory_space<vmem>>) offsets(%dma_start3A_50 : memref<128xi32, #tpu.memory_space<vmem>>) semaphore(%arg11 : memref<!tpu.dma_semaphore, #tpu.memory_space<semaphore_mem>>)
    %scan3A_54 = arith.constant 0 : i32
    %scan3A_55 = arith.constant 19 : i32
    %scan3A_56 = arith.addi %scan3A_54, %scan3A_55 : i32
    %scan3A_57 = arith.constant 1 : i32
    scf.for %scan3A_238 = %scan3A_54 to %scan3A_56 step %scan3A_57  : i32 {
      %mul3A_239 = arith.constant 1 : i32
      %mul3A_240 = arith.muli %scan3A_238, %mul3A_239 : i32
      %add3A_241 = arith.constant 0 : i32
      %add3A_242 = arith.addi %add3A_241, %mul3A_240 : i32
      %mul3A_243 = arith.constant 2 : i32
      %mul3A_244 = arith.muli %mul3A_243, %add3A_242 : i32
      %dma_wait3A_245 = arith.constant 0 : i32
      %dma_wait3A_246 = arith.constant 0 : i32
      %dma_wait3A_247 = arith.constant 0 : i32
      %dma_wait3A_248 = tpu.memref_slice %arg8[%dma_wait3A_245, %dma_wait3A_246, %dma_wait3A_247] : memref<2x128x128xf32, #tpu.memory_space<vmem>> -> memref<1x128x128xf32, #tpu.memory_space<vmem>>
      %dma_wait3A_249 = tpu.memref_squeeze %dma_wait3A_248 : memref<1x128x128xf32, #tpu.memory_space<vmem>> -> memref<128x128xf32, #tpu.memory_space<vmem>>
      %dma_wait3A_250 = arith.constant 0 : i32
      %dma_wait3A_251 = tpu.memref_slice %arg6[%mul3A_244, %dma_wait3A_250] : memref<40x128xi32, #tpu.memory_space<vmem>> -> memref<1x128xi32, #tpu.memory_space<vmem>>
      %dma_wait3A_252 = tpu.memref_squeeze %dma_wait3A_251 : memref<1x128xi32, #tpu.memory_space<vmem>> -> memref<128xi32, #tpu.memory_space<vmem>>
      %dma_wait3A_253 = arith.constant 0 : i32
      %dma_wait3A_254 = arith.constant 0 : i32
      %dma_wait3A_255 = tpu.memref_slice %arg2[%dma_wait3A_253, %dma_wait3A_254] : memref<10000x128xf32, #tpu.memory_space<hbm>> -> memref<10000x128xf32, #tpu.memory_space<hbm>>
      tpu.wait_indirect_dma semaphore(%arg10 : memref<!tpu.dma_semaphore, #tpu.memory_space<semaphore_mem>>) src(%dma_wait3A_255 : memref<10000x128xf32, #tpu.memory_space<hbm>>) dst(%dma_wait3A_249 : memref<128x128xf32, #tpu.memory_space<vmem>>)
      %dma_start3A_256 = arith.constant 0 : i32
      %dma_start3A_257 = arith.constant 0 : i32
      %dma_start3A_258 = arith.constant 0 : i32
      %dma_start3A_259 = tpu.memref_slice %arg8[%dma_start3A_256, %dma_start3A_257, %dma_start3A_258] : memref<2x128x128xf32, #tpu.memory_space<vmem>> -> memref<1x128x128xf32, #tpu.memory_space<vmem>>
      %dma_start3A_260 = tpu.memref_squeeze %dma_start3A_259 : memref<1x128x128xf32, #tpu.memory_space<vmem>> -> memref<128x128xf32, #tpu.memory_space<vmem>>
      %dma_start3A_261 = arith.constant 0 : i32
      %dma_start3A_262 = tpu.memref_slice %arg7[%mul3A_244, %dma_start3A_261] : memref<40x128xi32, #tpu.memory_space<vmem>> -> memref<1x128xi32, #tpu.memory_space<vmem>>
      %dma_start3A_263 = tpu.memref_squeeze %dma_start3A_262 : memref<1x128xi32, #tpu.memory_space<vmem>> -> memref<128xi32, #tpu.memory_space<vmem>>
      %dma_start3A_264 = arith.constant 0 : i32
      %dma_start3A_265 = arith.constant 0 : i32
      %dma_start3A_266 = tpu.memref_slice %arg9[%dma_start3A_264, %dma_start3A_265] : memref<10240x128xf32, #tpu.memory_space<vmem_shared>> -> memref<10240x128xf32, #tpu.memory_space<vmem_shared>>
      tpu.enqueue_indirect_dma source(%dma_start3A_260 : memref<128x128xf32, #tpu.memory_space<vmem>>) target(%dma_start3A_266 : memref<10240x128xf32, #tpu.memory_space<vmem_shared>>) offsets(%dma_start3A_263 : memref<128xi32, #tpu.memory_space<vmem>>) semaphore(%arg12 : memref<!tpu.dma_semaphore, #tpu.memory_space<semaphore_mem>>) {add = true}
      %dma_wait3A_267 = arith.constant 0 : i32
      %dma_wait3A_268 = arith.constant 0 : i32
      %dma_wait3A_269 = arith.constant 0 : i32
      %dma_wait3A_270 = tpu.memref_slice %arg8[%dma_wait3A_267, %dma_wait3A_268, %dma_wait3A_269] : memref<2x128x128xf32, #tpu.memory_space<vmem>> -> memref<1x128x128xf32, #tpu.memory_space<vmem>>
      %dma_wait3A_271 = tpu.memref_squeeze %dma_wait3A_270 : memref<1x128x128xf32, #tpu.memory_space<vmem>> -> memref<128x128xf32, #tpu.memory_space<vmem>>
      %dma_wait3A_272 = arith.constant 0 : i32
      %dma_wait3A_273 = tpu.memref_slice %arg7[%mul3A_244, %dma_wait3A_272] : memref<40x128xi32, #tpu.memory_space<vmem>> -> memref<1x128xi32, #tpu.memory_space<vmem>>
      %dma_wait3A_274 = tpu.memref_squeeze %dma_wait3A_273 : memref<1x128xi32, #tpu.memory_space<vmem>> -> memref<128xi32, #tpu.memory_space<vmem>>
      %dma_wait3A_275 = arith.constant 0 : i32
      %dma_wait3A_276 = arith.constant 0 : i32
      %dma_wait3A_277 = tpu.memref_slice %arg9[%dma_wait3A_275, %dma_wait3A_276] : memref<10240x128xf32, #tpu.memory_space<vmem_shared>> -> memref<10240x128xf32, #tpu.memory_space<vmem_shared>>
      tpu.wait_indirect_dma semaphore(%arg12 : memref<!tpu.dma_semaphore, #tpu.memory_space<semaphore_mem>>) src(%dma_wait3A_271 : memref<128x128xf32, #tpu.memory_space<vmem>>) dst(%dma_wait3A_277 : memref<10240x128xf32, #tpu.memory_space<vmem_shared>>)
      %add3A_278 = arith.constant 2 : i32
      %add3A_279 = arith.addi %mul3A_244, %add3A_278 : i32
      %dma_start3A_280 = arith.constant 0 : i32
      %dma_start3A_281 = arith.constant 0 : i32
      %dma_start3A_282 = arith.constant 0 : i32
      %dma_start3A_283 = tpu.memref_slice %arg8[%dma_start3A_280, %dma_start3A_281, %dma_start3A_282] : memref<2x128x128xf32, #tpu.memory_space<vmem>> -> memref<1x128x128xf32, #tpu.memory_space<vmem>>
      %dma_start3A_284 = tpu.memref_squeeze %dma_start3A_283 : memref<1x128x128xf32, #tpu.memory_space<vmem>> -> memref<128x128xf32, #tpu.memory_space<vmem>>
      %dma_start3A_285 = arith.constant 0 : i32
      %dma_start3A_286 = tpu.memref_slice %arg6[%add3A_279, %dma_start3A_285] : memref<40x128xi32, #tpu.memory_space<vmem>> -> memref<1x128xi32, #tpu.memory_space<vmem>>
      %dma_start3A_287 = tpu.memref_squeeze %dma_start3A_286 : memref<1x128xi32, #tpu.memory_space<vmem>> -> memref<128xi32, #tpu.memory_space<vmem>>
      %dma_start3A_288 = arith.constant 0 : i32
      %dma_start3A_289 = arith.constant 0 : i32
      %dma_start3A_290 = tpu.memref_slice %arg2[%dma_start3A_288, %dma_start3A_289] : memref<10000x128xf32, #tpu.memory_space<hbm>> -> memref<10000x128xf32, #tpu.memory_space<hbm>>
      tpu.enqueue_indirect_dma source(%dma_start3A_290 : memref<10000x128xf32, #tpu.memory_space<hbm>>) target(%dma_start3A_284 : memref<128x128xf32, #tpu.memory_space<vmem>>) offsets(%dma_start3A_287 : memref<128xi32, #tpu.memory_space<vmem>>) semaphore(%arg10 : memref<!tpu.dma_semaphore, #tpu.memory_space<semaphore_mem>>)
      %add3A_291 = arith.constant 1 : i32
      %add3A_292 = arith.addi %mul3A_244, %add3A_291 : i32
      %dma_wait3A_293 = arith.constant 1 : i32
      %dma_wait3A_294 = arith.constant 0 : i32
      %dma_wait3A_295 = arith.constant 0 : i32
      %dma_wait3A_296 = tpu.memref_slice %arg8[%dma_wait3A_293, %dma_wait3A_294, %dma_wait3A_295] : memref<2x128x128xf32, #tpu.memory_space<vmem>> -> memref<1x128x128xf32, #tpu.memory_space<vmem>>
      %dma_wait3A_297 = tpu.memref_squeeze %dma_wait3A_296 : memref<1x128x128xf32, #tpu.memory_space<vmem>> -> memref<128x128xf32, #tpu.memory_space<vmem>>
      %dma_wait3A_298 = arith.constant 0 : i32
      %dma_wait3A_299 = tpu.memref_slice %arg6[%add3A_292, %dma_wait3A_298] : memref<40x128xi32, #tpu.memory_space<vmem>> -> memref<1x128xi32, #tpu.memory_space<vmem>>
      %dma_wait3A_300 = tpu.memref_squeeze %dma_wait3A_299 : memref<1x128xi32, #tpu.memory_space<vmem>> -> memref<128xi32, #tpu.memory_space<vmem>>
      %dma_wait3A_301 = arith.constant 0 : i32
      %dma_wait3A_302 = arith.constant 0 : i32
      %dma_wait3A_303 = tpu.memref_slice %arg2[%dma_wait3A_301, %dma_wait3A_302] : memref<10000x128xf32, #tpu.memory_space<hbm>> -> memref<10000x128xf32, #tpu.memory_space<hbm>>
      tpu.wait_indirect_dma semaphore(%arg11 : memref<!tpu.dma_semaphore, #tpu.memory_space<semaphore_mem>>) src(%dma_wait3A_303 : memref<10000x128xf32, #tpu.memory_space<hbm>>) dst(%dma_wait3A_297 : memref<128x128xf32, #tpu.memory_space<vmem>>)
      %add3A_304 = arith.constant 1 : i32
      %add3A_305 = arith.addi %mul3A_244, %add3A_304 : i32
      %dma_start3A_306 = arith.constant 1 : i32
      %dma_start3A_307 = arith.constant 0 : i32
      %dma_start3A_308 = arith.constant 0 : i32
      %dma_start3A_309 = tpu.memref_slice %arg8[%dma_start3A_306, %dma_start3A_307, %dma_start3A_308] : memref<2x128x128xf32, #tpu.memory_space<vmem>> -> memref<1x128x128xf32, #tpu.memory_space<vmem>>
      %dma_start3A_310 = tpu.memref_squeeze %dma_start3A_309 : memref<1x128x128xf32, #tpu.memory_space<vmem>> -> memref<128x128xf32, #tpu.memory_space<vmem>>
      %dma_start3A_311 = arith.constant 0 : i32
      %dma_start3A_312 = tpu.memref_slice %arg7[%add3A_305, %dma_start3A_311] : memref<40x128xi32, #tpu.memory_space<vmem>> -> memref<1x128xi32, #tpu.memory_space<vmem>>
      %dma_start3A_313 = tpu.memref_squeeze %dma_start3A_312 : memref<1x128xi32, #tpu.memory_space<vmem>> -> memref<128xi32, #tpu.memory_space<vmem>>
      %dma_start3A_314 = arith.constant 0 : i32
      %dma_start3A_315 = arith.constant 0 : i32
      %dma_start3A_316 = tpu.memref_slice %arg9[%dma_start3A_314, %dma_start3A_315] : memref<10240x128xf32, #tpu.memory_space<vmem_shared>> -> memref<10240x128xf32, #tpu.memory_space<vmem_shared>>
      tpu.enqueue_indirect_dma source(%dma_start3A_310 : memref<128x128xf32, #tpu.memory_space<vmem>>) target(%dma_start3A_316 : memref<10240x128xf32, #tpu.memory_space<vmem_shared>>) offsets(%dma_start3A_313 : memref<128xi32, #tpu.memory_space<vmem>>) semaphore(%arg13 : memref<!tpu.dma_semaphore, #tpu.memory_space<semaphore_mem>>) {add = true}
      %add3A_317 = arith.constant 1 : i32
      %add3A_318 = arith.addi %mul3A_244, %add3A_317 : i32
      %dma_wait3A_319 = arith.constant 1 : i32
      %dma_wait3A_320 = arith.constant 0 : i32
      %dma_wait3A_321 = arith.constant 0 : i32
      %dma_wait3A_322 = tpu.memref_slice %arg8[%dma_wait3A_319, %dma_wait3A_320, %dma_wait3A_321] : memref<2x128x128xf32, #tpu.memory_space<vmem>> -> memref<1x128x128xf32, #tpu.memory_space<vmem>>
      %dma_wait3A_323 = tpu.memref_squeeze %dma_wait3A_322 : memref<1x128x128xf32, #tpu.memory_space<vmem>> -> memref<128x128xf32, #tpu.memory_space<vmem>>
      %dma_wait3A_324 = arith.constant 0 : i32
      %dma_wait3A_325 = tpu.memref_slice %arg7[%add3A_318, %dma_wait3A_324] : memref<40x128xi32, #tpu.memory_space<vmem>> -> memref<1x128xi32, #tpu.memory_space<vmem>>
      %dma_wait3A_326 = tpu.memref_squeeze %dma_wait3A_325 : memref<1x128xi32, #tpu.memory_space<vmem>> -> memref<128xi32, #tpu.memory_space<vmem>>
      %dma_wait3A_327 = arith.constant 0 : i32
      %dma_wait3A_328 = arith.constant 0 : i32
      %dma_wait3A_329 = tpu.memref_slice %arg9[%dma_wait3A_327, %dma_wait3A_328] : memref<10240x128xf32, #tpu.memory_space<vmem_shared>> -> memref<10240x128xf32, #tpu.memory_space<vmem_shared>>
      tpu.wait_indirect_dma semaphore(%arg13 : memref<!tpu.dma_semaphore, #tpu.memory_space<semaphore_mem>>) src(%dma_wait3A_323 : memref<128x128xf32, #tpu.memory_space<vmem>>) dst(%dma_wait3A_329 : memref<10240x128xf32, #tpu.memory_space<vmem_shared>>)
      %add3A_330 = arith.constant 3 : i32
      %add3A_331 = arith.addi %mul3A_244, %add3A_330 : i32
      %dma_start3A_332 = arith.constant 1 : i32
      %dma_start3A_333 = arith.constant 0 : i32
      %dma_start3A_334 = arith.constant 0 : i32
      %dma_start3A_335 = tpu.memref_slice %arg8[%dma_start3A_332, %dma_start3A_333, %dma_start3A_334] : memref<2x128x128xf32, #tpu.memory_space<vmem>> -> memref<1x128x128xf32, #tpu.memory_space<vmem>>
      %dma_start3A_336 = tpu.memref_squeeze %dma_start3A_335 : memref<1x128x128xf32, #tpu.memory_space<vmem>> -> memref<128x128xf32, #tpu.memory_space<vmem>>
      %dma_start3A_337 = arith.constant 0 : i32
      %dma_start3A_338 = tpu.memref_slice %arg6[%add3A_331, %dma_start3A_337] : memref<40x128xi32, #tpu.memory_space<vmem>> -> memref<1x128xi32, #tpu.memory_space<vmem>>
      %dma_start3A_339 = tpu.memref_squeeze %dma_start3A_338 : memref<1x128xi32, #tpu.memory_space<vmem>> -> memref<128xi32, #tpu.memory_space<vmem>>
      %dma_start3A_340 = arith.constant 0 : i32
      %dma_start3A_341 = arith.constant 0 : i32
      %dma_start3A_342 = tpu.memref_slice %arg2[%dma_start3A_340, %dma_start3A_341] : memref<10000x128xf32, #tpu.memory_space<hbm>> -> memref<10000x128xf32, #tpu.memory_space<hbm>>
      tpu.enqueue_indirect_dma source(%dma_start3A_342 : memref<10000x128xf32, #tpu.memory_space<hbm>>) target(%dma_start3A_336 : memref<128x128xf32, #tpu.memory_space<vmem>>) offsets(%dma_start3A_339 : memref<128xi32, #tpu.memory_space<vmem>>) semaphore(%arg11 : memref<!tpu.dma_semaphore, #tpu.memory_space<semaphore_mem>>)
    }
    %scan3A_58 = arith.constant 19 : i32
    %dma_wait3A = arith.constant 38 : i32
    %dma_wait3A_59 = arith.constant 0 : i32
    %dma_wait3A_60 = arith.constant 0 : i32
    %dma_wait3A_61 = arith.constant 0 : i32
    %dma_wait3A_62 = tpu.memref_slice %arg8[%dma_wait3A_59, %dma_wait3A_60, %dma_wait3A_61] : memref<2x128x128xf32, #tpu.memory_space<vmem>> -> memref<1x128x128xf32, #tpu.memory_space<vmem>>
    %dma_wait3A_63 = tpu.memref_squeeze %dma_wait3A_62 : memref<1x128x128xf32, #tpu.memory_space<vmem>> -> memref<128x128xf32, #tpu.memory_space<vmem>>
    %dma_wait3A_64 = arith.constant 0 : i32
    %dma_wait3A_65 = tpu.memref_slice %arg6[%dma_wait3A, %dma_wait3A_64] : memref<40x128xi32, #tpu.memory_space<vmem>> -> memref<1x128xi32, #tpu.memory_space<vmem>>
    %dma_wait3A_66 = tpu.memref_squeeze %dma_wait3A_65 : memref<1x128xi32, #tpu.memory_space<vmem>> -> memref<128xi32, #tpu.memory_space<vmem>>
    %dma_wait3A_67 = arith.constant 0 : i32
    %dma_wait3A_68 = arith.constant 0 : i32
    %dma_wait3A_69 = tpu.memref_slice %arg2[%dma_wait3A_67, %dma_wait3A_68] : memref<10000x128xf32, #tpu.memory_space<hbm>> -> memref<10000x128xf32, #tpu.memory_space<hbm>>
    tpu.wait_indirect_dma semaphore(%arg10 : memref<!tpu.dma_semaphore, #tpu.memory_space<semaphore_mem>>) src(%dma_wait3A_69 : memref<10000x128xf32, #tpu.memory_space<hbm>>) dst(%dma_wait3A_63 : memref<128x128xf32, #tpu.memory_space<vmem>>)
    %dma_start3A_70 = arith.constant 0 : i32
    %dma_start3A_71 = arith.constant 38 : i32
    %dma_start3A_72 = arith.constant 0 : i32
    %dma_start3A_73 = arith.constant 0 : i32
    %dma_start3A_74 = tpu.memref_slice %arg8[%dma_start3A_70, %dma_start3A_72, %dma_start3A_73] : memref<2x128x128xf32, #tpu.memory_space<vmem>> -> memref<1x128x128xf32, #tpu.memory_space<vmem>>
    %dma_start3A_75 = tpu.memref_squeeze %dma_start3A_74 : memref<1x128x128xf32, #tpu.memory_space<vmem>> -> memref<128x128xf32, #tpu.memory_space<vmem>>
    %dma_start3A_76 = arith.constant 0 : i32
    %dma_start3A_77 = tpu.memref_slice %arg7[%dma_start3A_71, %dma_start3A_76] : memref<40x128xi32, #tpu.memory_space<vmem>> -> memref<1x128xi32, #tpu.memory_space<vmem>>
    %dma_start3A_78 = tpu.memref_squeeze %dma_start3A_77 : memref<1x128xi32, #tpu.memory_space<vmem>> -> memref<128xi32, #tpu.memory_space<vmem>>
    %dma_start3A_79 = arith.constant 0 : i32
    %dma_start3A_80 = arith.constant 0 : i32
    %dma_start3A_81 = tpu.memref_slice %arg9[%dma_start3A_79, %dma_start3A_80] : memref<10240x128xf32, #tpu.memory_space<vmem_shared>> -> memref<10240x128xf32, #tpu.memory_space<vmem_shared>>
    tpu.enqueue_indirect_dma source(%dma_start3A_75 : memref<128x128xf32, #tpu.memory_space<vmem>>) target(%dma_start3A_81 : memref<10240x128xf32, #tpu.memory_space<vmem_shared>>) offsets(%dma_start3A_78 : memref<128xi32, #tpu.memory_space<vmem>>) semaphore(%arg12 : memref<!tpu.dma_semaphore, #tpu.memory_space<semaphore_mem>>) {add = true}
    %dma_wait3A_82 = arith.constant 0 : i32
    %dma_wait3A_83 = arith.constant 38 : i32
    %dma_wait3A_84 = arith.constant 0 : i32
    %dma_wait3A_85 = arith.constant 0 : i32
    %dma_wait3A_86 = tpu.memref_slice %arg8[%dma_wait3A_82, %dma_wait3A_84, %dma_wait3A_85] : memref<2x128x128xf32, #tpu.memory_space<vmem>> -> memref<1x128x128xf32, #tpu.memory_space<vmem>>
    %dma_wait3A_87 = tpu.memref_squeeze %dma_wait3A_86 : memref<1x128x128xf32, #tpu.memory_space<vmem>> -> memref<128x128xf32, #tpu.memory_space<vmem>>
    %dma_wait3A_88 = arith.constant 0 : i32
    %dma_wait3A_89 = tpu.memref_slice %arg7[%dma_wait3A_83, %dma_wait3A_88] : memref<40x128xi32, #tpu.memory_space<vmem>> -> memref<1x128xi32, #tpu.memory_space<vmem>>
    %dma_wait3A_90 = tpu.memref_squeeze %dma_wait3A_89 : memref<1x128xi32, #tpu.memory_space<vmem>> -> memref<128xi32, #tpu.memory_space<vmem>>
    %dma_wait3A_91 = arith.constant 0 : i32
    %dma_wait3A_92 = arith.constant 0 : i32
    %dma_wait3A_93 = tpu.memref_slice %arg9[%dma_wait3A_91, %dma_wait3A_92] : memref<10240x128xf32, #tpu.memory_space<vmem_shared>> -> memref<10240x128xf32, #tpu.memory_space<vmem_shared>>
    tpu.wait_indirect_dma semaphore(%arg12 : memref<!tpu.dma_semaphore, #tpu.memory_space<semaphore_mem>>) src(%dma_wait3A_87 : memref<128x128xf32, #tpu.memory_space<vmem>>) dst(%dma_wait3A_93 : memref<10240x128xf32, #tpu.memory_space<vmem_shared>>)
    %dma_wait3A_94 = arith.constant 39 : i32
    %dma_wait3A_95 = arith.constant 1 : i32
    %dma_wait3A_96 = arith.constant 0 : i32
    %dma_wait3A_97 = arith.constant 0 : i32
    %dma_wait3A_98 = tpu.memref_slice %arg8[%dma_wait3A_95, %dma_wait3A_96, %dma_wait3A_97] : memref<2x128x128xf32, #tpu.memory_space<vmem>> -> memref<1x128x128xf32, #tpu.memory_space<vmem>>
    %dma_wait3A_99 = tpu.memref_squeeze %dma_wait3A_98 : memref<1x128x128xf32, #tpu.memory_space<vmem>> -> memref<128x128xf32, #tpu.memory_space<vmem>>
    %dma_wait3A_100 = arith.constant 0 : i32
    %dma_wait3A_101 = tpu.memref_slice %arg6[%dma_wait3A_94, %dma_wait3A_100] : memref<40x128xi32, #tpu.memory_space<vmem>> -> memref<1x128xi32, #tpu.memory_space<vmem>>
    %dma_wait3A_102 = tpu.memref_squeeze %dma_wait3A_101 : memref<1x128xi32, #tpu.memory_space<vmem>> -> memref<128xi32, #tpu.memory_space<vmem>>
    %dma_wait3A_103 = arith.constant 0 : i32
    %dma_wait3A_104 = arith.constant 0 : i32
    %dma_wait3A_105 = tpu.memref_slice %arg2[%dma_wait3A_103, %dma_wait3A_104] : memref<10000x128xf32, #tpu.memory_space<hbm>> -> memref<10000x128xf32, #tpu.memory_space<hbm>>
    tpu.wait_indirect_dma semaphore(%arg11 : memref<!tpu.dma_semaphore, #tpu.memory_space<semaphore_mem>>) src(%dma_wait3A_105 : memref<10000x128xf32, #tpu.memory_space<hbm>>) dst(%dma_wait3A_99 : memref<128x128xf32, #tpu.memory_space<vmem>>)
    %dma_start3A_106 = arith.constant 1 : i32
    %dma_start3A_107 = arith.constant 39 : i32
    %dma_start3A_108 = arith.constant 0 : i32
    %dma_start3A_109 = arith.constant 0 : i32
    %dma_start3A_110 = tpu.memref_slice %arg8[%dma_start3A_106, %dma_start3A_108, %dma_start3A_109] : memref<2x128x128xf32, #tpu.memory_space<vmem>> -> memref<1x128x128xf32, #tpu.memory_space<vmem>>
    %dma_start3A_111 = tpu.memref_squeeze %dma_start3A_110 : memref<1x128x128xf32, #tpu.memory_space<vmem>> -> memref<128x128xf32, #tpu.memory_space<vmem>>
    %dma_start3A_112 = arith.constant 0 : i32
    %dma_start3A_113 = tpu.memref_slice %arg7[%dma_start3A_107, %dma_start3A_112] : memref<40x128xi32, #tpu.memory_space<vmem>> -> memref<1x128xi32, #tpu.memory_space<vmem>>
    %dma_start3A_114 = tpu.memref_squeeze %dma_start3A_113 : memref<1x128xi32, #tpu.memory_space<vmem>> -> memref<128xi32, #tpu.memory_space<vmem>>
    %dma_start3A_115 = arith.constant 0 : i32
    %dma_start3A_116 = arith.constant 0 : i32
    %dma_start3A_117 = tpu.memref_slice %arg9[%dma_start3A_115, %dma_start3A_116] : memref<10240x128xf32, #tpu.memory_space<vmem_shared>> -> memref<10240x128xf32, #tpu.memory_space<vmem_shared>>
    tpu.enqueue_indirect_dma source(%dma_start3A_111 : memref<128x128xf32, #tpu.memory_space<vmem>>) target(%dma_start3A_117 : memref<10240x128xf32, #tpu.memory_space<vmem_shared>>) offsets(%dma_start3A_114 : memref<128xi32, #tpu.memory_space<vmem>>) semaphore(%arg13 : memref<!tpu.dma_semaphore, #tpu.memory_space<semaphore_mem>>) {add = true}
    %dma_wait3A_118 = arith.constant 1 : i32
    %dma_wait3A_119 = arith.constant 39 : i32
    %dma_wait3A_120 = arith.constant 0 : i32
    %dma_wait3A_121 = arith.constant 0 : i32
    %dma_wait3A_122 = tpu.memref_slice %arg8[%dma_wait3A_118, %dma_wait3A_120, %dma_wait3A_121] : memref<2x128x128xf32, #tpu.memory_space<vmem>> -> memref<1x128x128xf32, #tpu.memory_space<vmem>>
    %dma_wait3A_123 = tpu.memref_squeeze %dma_wait3A_122 : memref<1x128x128xf32, #tpu.memory_space<vmem>> -> memref<128x128xf32, #tpu.memory_space<vmem>>
    %dma_wait3A_124 = arith.constant 0 : i32
    %dma_wait3A_125 = tpu.memref_slice %arg7[%dma_wait3A_119, %dma_wait3A_124] : memref<40x128xi32, #tpu.memory_space<vmem>> -> memref<1x128xi32, #tpu.memory_space<vmem>>
    %dma_wait3A_126 = tpu.memref_squeeze %dma_wait3A_125 : memref<1x128xi32, #tpu.memory_space<vmem>> -> memref<128xi32, #tpu.memory_space<vmem>>
    %dma_wait3A_127 = arith.constant 0 : i32
    %dma_wait3A_128 = arith.constant 0 : i32
    %dma_wait3A_129 = tpu.memref_slice %arg9[%dma_wait3A_127, %dma_wait3A_128] : memref<10240x128xf32, #tpu.memory_space<vmem_shared>> -> memref<10240x128xf32, #tpu.memory_space<vmem_shared>>
    tpu.wait_indirect_dma semaphore(%arg13 : memref<!tpu.dma_semaphore, #tpu.memory_space<semaphore_mem>>) src(%dma_wait3A_123 : memref<128x128xf32, #tpu.memory_space<vmem>>) dst(%dma_wait3A_129 : memref<10240x128xf32, #tpu.memory_space<vmem_shared>>)
    %run_scoped3A_130 = arith.constant 1 : i32
    "tpu.region"() ({
      %run_scoped3A_238 = tpu.sem_alloc : memref<!tpu.dma_semaphore, #tpu.memory_space<semaphore_mem>>
      %dma_start3A_239 = arith.constant 0 : i32
      %dma_start3A_240 = arith.constant 0 : i32
      %dma_start3A_241 = tpu.memref_slice %arg3[%add3A, %run_scoped3A_130, %dma_start3A_239, %dma_start3A_240] : memref<32x2x40x128xi32, #tpu.memory_space<hbm>> -> memref<1x1x40x128xi32, #tpu.memory_space<hbm>>
      %dma_start3A_242 = tpu.memref_squeeze %dma_start3A_241 : memref<1x1x40x128xi32, #tpu.memory_space<hbm>> -> memref<40x128xi32, #tpu.memory_space<hbm>>
      %dma_start3A_243 = arith.constant 0 : i32
      %dma_start3A_244 = arith.constant 0 : i32
      %dma_start3A_245 = tpu.memref_slice %arg3[%add3A, %run_scoped3A_130, %dma_start3A_243, %dma_start3A_244] : memref<32x2x40x128xi32, #tpu.memory_space<hbm>> -> memref<1x1x40x128xi32, #tpu.memory_space<hbm>>
      %dma_start3A_246 = tpu.memref_squeeze %dma_start3A_245 : memref<1x1x40x128xi32, #tpu.memory_space<hbm>> -> memref<40x128xi32, #tpu.memory_space<hbm>>
      tpu.enqueue_dma source(%dma_start3A_246 : memref<40x128xi32, #tpu.memory_space<hbm>>) target(%arg6 : memref<40x128xi32, #tpu.memory_space<vmem>>) target_semaphore(%run_scoped3A_238 : memref<!tpu.dma_semaphore, #tpu.memory_space<semaphore_mem>>)
      %dma_wait3A_247 = arith.constant 0 : i32
      %dma_wait3A_248 = arith.constant 0 : i32
      %dma_wait3A_249 = tpu.memref_slice %arg3[%add3A, %run_scoped3A_130, %dma_wait3A_247, %dma_wait3A_248] : memref<32x2x40x128xi32, #tpu.memory_space<hbm>> -> memref<1x1x40x128xi32, #tpu.memory_space<hbm>>
      %dma_wait3A_250 = tpu.memref_squeeze %dma_wait3A_249 : memref<1x1x40x128xi32, #tpu.memory_space<hbm>> -> memref<40x128xi32, #tpu.memory_space<hbm>>
      %dma_wait3A_251 = arith.constant 0 : i32
      %dma_wait3A_252 = arith.constant 0 : i32
      %dma_wait3A_253 = tpu.memref_slice %arg3[%add3A, %run_scoped3A_130, %dma_wait3A_251, %dma_wait3A_252] : memref<32x2x40x128xi32, #tpu.memory_space<hbm>> -> memref<1x1x40x128xi32, #tpu.memory_space<hbm>>
      %dma_wait3A_254 = tpu.memref_squeeze %dma_wait3A_253 : memref<1x1x40x128xi32, #tpu.memory_space<hbm>> -> memref<40x128xi32, #tpu.memory_space<hbm>>
      tpu.wait_dma2 semaphore(%run_scoped3A_238 : memref<!tpu.dma_semaphore, #tpu.memory_space<semaphore_mem>>) src(%dma_wait3A_254 : memref<40x128xi32, #tpu.memory_space<hbm>>) dst(%arg6 : memref<40x128xi32, #tpu.memory_space<vmem>>)
      tpu.yield
    }) : () -> ()
    %run_scoped3A_131 = arith.constant 1 : i32
    "tpu.region"() ({
      %run_scoped3A_238 = tpu.sem_alloc : memref<!tpu.dma_semaphore, #tpu.memory_space<semaphore_mem>>
      %dma_start3A_239 = arith.constant 0 : i32
      %dma_start3A_240 = arith.constant 0 : i32
      %dma_start3A_241 = tpu.memref_slice %arg4[%add3A, %run_scoped3A_131, %dma_start3A_239, %dma_start3A_240] : memref<32x2x40x128xi32, #tpu.memory_space<hbm>> -> memref<1x1x40x128xi32, #tpu.memory_space<hbm>>
      %dma_start3A_242 = tpu.memref_squeeze %dma_start3A_241 : memref<1x1x40x128xi32, #tpu.memory_space<hbm>> -> memref<40x128xi32, #tpu.memory_space<hbm>>
      %dma_start3A_243 = arith.constant 0 : i32
      %dma_start3A_244 = arith.constant 0 : i32
      %dma_start3A_245 = tpu.memref_slice %arg4[%add3A, %run_scoped3A_131, %dma_start3A_243, %dma_start3A_244] : memref<32x2x40x128xi32, #tpu.memory_space<hbm>> -> memref<1x1x40x128xi32, #tpu.memory_space<hbm>>
      %dma_start3A_246 = tpu.memref_squeeze %dma_start3A_245 : memref<1x1x40x128xi32, #tpu.memory_space<hbm>> -> memref<40x128xi32, #tpu.memory_space<hbm>>
      tpu.enqueue_dma source(%dma_start3A_246 : memref<40x128xi32, #tpu.memory_space<hbm>>) target(%arg7 : memref<40x128xi32, #tpu.memory_space<vmem>>) target_semaphore(%run_scoped3A_238 : memref<!tpu.dma_semaphore, #tpu.memory_space<semaphore_mem>>)
      %dma_wait3A_247 = arith.constant 0 : i32
      %dma_wait3A_248 = arith.constant 0 : i32
      %dma_wait3A_249 = tpu.memref_slice %arg4[%add3A, %run_scoped3A_131, %dma_wait3A_247, %dma_wait3A_248] : memref<32x2x40x128xi32, #tpu.memory_space<hbm>> -> memref<1x1x40x128xi32, #tpu.memory_space<hbm>>
      %dma_wait3A_250 = tpu.memref_squeeze %dma_wait3A_249 : memref<1x1x40x128xi32, #tpu.memory_space<hbm>> -> memref<40x128xi32, #tpu.memory_space<hbm>>
      %dma_wait3A_251 = arith.constant 0 : i32
      %dma_wait3A_252 = arith.constant 0 : i32
      %dma_wait3A_253 = tpu.memref_slice %arg4[%add3A, %run_scoped3A_131, %dma_wait3A_251, %dma_wait3A_252] : memref<32x2x40x128xi32, #tpu.memory_space<hbm>> -> memref<1x1x40x128xi32, #tpu.memory_space<hbm>>
      %dma_wait3A_254 = tpu.memref_squeeze %dma_wait3A_253 : memref<1x1x40x128xi32, #tpu.memory_space<hbm>> -> memref<40x128xi32, #tpu.memory_space<hbm>>
      tpu.wait_dma2 semaphore(%run_scoped3A_238 : memref<!tpu.dma_semaphore, #tpu.memory_space<semaphore_mem>>) src(%dma_wait3A_254 : memref<40x128xi32, #tpu.memory_space<hbm>>) dst(%arg7 : memref<40x128xi32, #tpu.memory_space<vmem>>)
      tpu.yield
    }) : () -> ()
    %dma_start3A_132 = arith.constant 0 : i32
    %dma_start3A_133 = arith.constant 0 : i32
    %dma_start3A_134 = arith.constant 0 : i32
    %dma_start3A_135 = arith.constant 0 : i32
    %dma_start3A_136 = tpu.memref_slice %arg8[%dma_start3A_133, %dma_start3A_134, %dma_start3A_135] : memref<2x128x128xf32, #tpu.memory_space<vmem>> -> memref<1x128x128xf32, #tpu.memory_space<vmem>>
    %dma_start3A_137 = tpu.memref_squeeze %dma_start3A_136 : memref<1x128x128xf32, #tpu.memory_space<vmem>> -> memref<128x128xf32, #tpu.memory_space<vmem>>
    %dma_start3A_138 = arith.constant 0 : i32
    %dma_start3A_139 = tpu.memref_slice %arg6[%dma_start3A_132, %dma_start3A_138] : memref<40x128xi32, #tpu.memory_space<vmem>> -> memref<1x128xi32, #tpu.memory_space<vmem>>
    %dma_start3A_140 = tpu.memref_squeeze %dma_start3A_139 : memref<1x128xi32, #tpu.memory_space<vmem>> -> memref<128xi32, #tpu.memory_space<vmem>>
    %dma_start3A_141 = arith.constant 0 : i32
    %dma_start3A_142 = arith.constant 0 : i32
    %dma_start3A_143 = tpu.memref_slice %arg2[%dma_start3A_141, %dma_start3A_142] : memref<10000x128xf32, #tpu.memory_space<hbm>> -> memref<10000x128xf32, #tpu.memory_space<hbm>>
    tpu.enqueue_indirect_dma source(%dma_start3A_143 : memref<10000x128xf32, #tpu.memory_space<hbm>>) target(%dma_start3A_137 : memref<128x128xf32, #tpu.memory_space<vmem>>) offsets(%dma_start3A_140 : memref<128xi32, #tpu.memory_space<vmem>>) semaphore(%arg10 : memref<!tpu.dma_semaphore, #tpu.memory_space<semaphore_mem>>)
    %dma_start3A_144 = arith.constant 1 : i32
    %dma_start3A_145 = arith.constant 1 : i32
    %dma_start3A_146 = arith.constant 0 : i32
    %dma_start3A_147 = arith.constant 0 : i32
    %dma_start3A_148 = tpu.memref_slice %arg8[%dma_start3A_145, %dma_start3A_146, %dma_start3A_147] : memref<2x128x128xf32, #tpu.memory_space<vmem>> -> memref<1x128x128xf32, #tpu.memory_space<vmem>>
    %dma_start3A_149 = tpu.memref_squeeze %dma_start3A_148 : memref<1x128x128xf32, #tpu.memory_space<vmem>> -> memref<128x128xf32, #tpu.memory_space<vmem>>
    %dma_start3A_150 = arith.constant 0 : i32
    %dma_start3A_151 = tpu.memref_slice %arg6[%dma_start3A_144, %dma_start3A_150] : memref<40x128xi32, #tpu.memory_space<vmem>> -> memref<1x128xi32, #tpu.memory_space<vmem>>
    %dma_start3A_152 = tpu.memref_squeeze %dma_start3A_151 : memref<1x128xi32, #tpu.memory_space<vmem>> -> memref<128xi32, #tpu.memory_space<vmem>>
    %dma_start3A_153 = arith.constant 0 : i32
    %dma_start3A_154 = arith.constant 0 : i32
    %dma_start3A_155 = tpu.memref_slice %arg2[%dma_start3A_153, %dma_start3A_154] : memref<10000x128xf32, #tpu.memory_space<hbm>> -> memref<10000x128xf32, #tpu.memory_space<hbm>>
    tpu.enqueue_indirect_dma source(%dma_start3A_155 : memref<10000x128xf32, #tpu.memory_space<hbm>>) target(%dma_start3A_149 : memref<128x128xf32, #tpu.memory_space<vmem>>) offsets(%dma_start3A_152 : memref<128xi32, #tpu.memory_space<vmem>>) semaphore(%arg11 : memref<!tpu.dma_semaphore, #tpu.memory_space<semaphore_mem>>)
    %scan3A_156 = arith.constant 0 : i32
    %scan3A_157 = arith.constant 19 : i32
    %scan3A_158 = arith.addi %scan3A_156, %scan3A_157 : i32
    %scan3A_159 = arith.constant 1 : i32
    scf.for %scan3A_238 = %scan3A_156 to %scan3A_158 step %scan3A_159  : i32 {
      %mul3A_239 = arith.constant 1 : i32
      %mul3A_240 = arith.muli %scan3A_238, %mul3A_239 : i32
      %add3A_241 = arith.constant 0 : i32
      %add3A_242 = arith.addi %add3A_241, %mul3A_240 : i32
      %mul3A_243 = arith.constant 2 : i32
      %mul3A_244 = arith.muli %mul3A_243, %add3A_242 : i32
      %dma_wait3A_245 = arith.constant 0 : i32
      %dma_wait3A_246 = arith.constant 0 : i32
      %dma_wait3A_247 = arith.constant 0 : i32
      %dma_wait3A_248 = tpu.memref_slice %arg8[%dma_wait3A_245, %dma_wait3A_246, %dma_wait3A_247] : memref<2x128x128xf32, #tpu.memory_space<vmem>> -> memref<1x128x128xf32, #tpu.memory_space<vmem>>
      %dma_wait3A_249 = tpu.memref_squeeze %dma_wait3A_248 : memref<1x128x128xf32, #tpu.memory_space<vmem>> -> memref<128x128xf32, #tpu.memory_space<vmem>>
      %dma_wait3A_250 = arith.constant 0 : i32
      %dma_wait3A_251 = tpu.memref_slice %arg6[%mul3A_244, %dma_wait3A_250] : memref<40x128xi32, #tpu.memory_space<vmem>> -> memref<1x128xi32, #tpu.memory_space<vmem>>
      %dma_wait3A_252 = tpu.memref_squeeze %dma_wait3A_251 : memref<1x128xi32, #tpu.memory_space<vmem>> -> memref<128xi32, #tpu.memory_space<vmem>>
      %dma_wait3A_253 = arith.constant 0 : i32
      %dma_wait3A_254 = arith.constant 0 : i32
      %dma_wait3A_255 = tpu.memref_slice %arg2[%dma_wait3A_253, %dma_wait3A_254] : memref<10000x128xf32, #tpu.memory_space<hbm>> -> memref<10000x128xf32, #tpu.memory_space<hbm>>
      tpu.wait_indirect_dma semaphore(%arg10 : memref<!tpu.dma_semaphore, #tpu.memory_space<semaphore_mem>>) src(%dma_wait3A_255 : memref<10000x128xf32, #tpu.memory_space<hbm>>) dst(%dma_wait3A_249 : memref<128x128xf32, #tpu.memory_space<vmem>>)
      %dma_start3A_256 = arith.constant 0 : i32
      %dma_start3A_257 = arith.constant 0 : i32
      %dma_start3A_258 = arith.constant 0 : i32
      %dma_start3A_259 = tpu.memref_slice %arg8[%dma_start3A_256, %dma_start3A_257, %dma_start3A_258] : memref<2x128x128xf32, #tpu.memory_space<vmem>> -> memref<1x128x128xf32, #tpu.memory_space<vmem>>
      %dma_start3A_260 = tpu.memref_squeeze %dma_start3A_259 : memref<1x128x128xf32, #tpu.memory_space<vmem>> -> memref<128x128xf32, #tpu.memory_space<vmem>>
      %dma_start3A_261 = arith.constant 0 : i32
      %dma_start3A_262 = tpu.memref_slice %arg7[%mul3A_244, %dma_start3A_261] : memref<40x128xi32, #tpu.memory_space<vmem>> -> memref<1x128xi32, #tpu.memory_space<vmem>>
      %dma_start3A_263 = tpu.memref_squeeze %dma_start3A_262 : memref<1x128xi32, #tpu.memory_space<vmem>> -> memref<128xi32, #tpu.memory_space<vmem>>
      %dma_start3A_264 = arith.constant 0 : i32
      %dma_start3A_265 = arith.constant 0 : i32
      %dma_start3A_266 = tpu.memref_slice %arg9[%dma_start3A_264, %dma_start3A_265] : memref<10240x128xf32, #tpu.memory_space<vmem_shared>> -> memref<10240x128xf32, #tpu.memory_space<vmem_shared>>
      tpu.enqueue_indirect_dma source(%dma_start3A_260 : memref<128x128xf32, #tpu.memory_space<vmem>>) target(%dma_start3A_266 : memref<10240x128xf32, #tpu.memory_space<vmem_shared>>) offsets(%dma_start3A_263 : memref<128xi32, #tpu.memory_space<vmem>>) semaphore(%arg12 : memref<!tpu.dma_semaphore, #tpu.memory_space<semaphore_mem>>) {add = true}
      %dma_wait3A_267 = arith.constant 0 : i32
      %dma_wait3A_268 = arith.constant 0 : i32
      %dma_wait3A_269 = arith.constant 0 : i32
      %dma_wait3A_270 = tpu.memref_slice %arg8[%dma_wait3A_267, %dma_wait3A_268, %dma_wait3A_269] : memref<2x128x128xf32, #tpu.memory_space<vmem>> -> memref<1x128x128xf32, #tpu.memory_space<vmem>>
      %dma_wait3A_271 = tpu.memref_squeeze %dma_wait3A_270 : memref<1x128x128xf32, #tpu.memory_space<vmem>> -> memref<128x128xf32, #tpu.memory_space<vmem>>
      %dma_wait3A_272 = arith.constant 0 : i32
      %dma_wait3A_273 = tpu.memref_slice %arg7[%mul3A_244, %dma_wait3A_272] : memref<40x128xi32, #tpu.memory_space<vmem>> -> memref<1x128xi32, #tpu.memory_space<vmem>>
      %dma_wait3A_274 = tpu.memref_squeeze %dma_wait3A_273 : memref<1x128xi32, #tpu.memory_space<vmem>> -> memref<128xi32, #tpu.memory_space<vmem>>
      %dma_wait3A_275 = arith.constant 0 : i32
      %dma_wait3A_276 = arith.constant 0 : i32
      %dma_wait3A_277 = tpu.memref_slice %arg9[%dma_wait3A_275, %dma_wait3A_276] : memref<10240x128xf32, #tpu.memory_space<vmem_shared>> -> memref<10240x128xf32, #tpu.memory_space<vmem_shared>>
      tpu.wait_indirect_dma semaphore(%arg12 : memref<!tpu.dma_semaphore, #tpu.memory_space<semaphore_mem>>) src(%dma_wait3A_271 : memref<128x128xf32, #tpu.memory_space<vmem>>) dst(%dma_wait3A_277 : memref<10240x128xf32, #tpu.memory_space<vmem_shared>>)
      %add3A_278 = arith.constant 2 : i32
      %add3A_279 = arith.addi %mul3A_244, %add3A_278 : i32
      %dma_start3A_280 = arith.constant 0 : i32
      %dma_start3A_281 = arith.constant 0 : i32
      %dma_start3A_282 = arith.constant 0 : i32
      %dma_start3A_283 = tpu.memref_slice %arg8[%dma_start3A_280, %dma_start3A_281, %dma_start3A_282] : memref<2x128x128xf32, #tpu.memory_space<vmem>> -> memref<1x128x128xf32, #tpu.memory_space<vmem>>
      %dma_start3A_284 = tpu.memref_squeeze %dma_start3A_283 : memref<1x128x128xf32, #tpu.memory_space<vmem>> -> memref<128x128xf32, #tpu.memory_space<vmem>>
      %dma_start3A_285 = arith.constant 0 : i32
      %dma_start3A_286 = tpu.memref_slice %arg6[%add3A_279, %dma_start3A_285] : memref<40x128xi32, #tpu.memory_space<vmem>> -> memref<1x128xi32, #tpu.memory_space<vmem>>
      %dma_start3A_287 = tpu.memref_squeeze %dma_start3A_286 : memref<1x128xi32, #tpu.memory_space<vmem>> -> memref<128xi32, #tpu.memory_space<vmem>>
      %dma_start3A_288 = arith.constant 0 : i32
      %dma_start3A_289 = arith.constant 0 : i32
      %dma_start3A_290 = tpu.memref_slice %arg2[%dma_start3A_288, %dma_start3A_289] : memref<10000x128xf32, #tpu.memory_space<hbm>> -> memref<10000x128xf32, #tpu.memory_space<hbm>>
      tpu.enqueue_indirect_dma source(%dma_start3A_290 : memref<10000x128xf32, #tpu.memory_space<hbm>>) target(%dma_start3A_284 : memref<128x128xf32, #tpu.memory_space<vmem>>) offsets(%dma_start3A_287 : memref<128xi32, #tpu.memory_space<vmem>>) semaphore(%arg10 : memref<!tpu.dma_semaphore, #tpu.memory_space<semaphore_mem>>)
      %add3A_291 = arith.constant 1 : i32
      %add3A_292 = arith.addi %mul3A_244, %add3A_291 : i32
      %dma_wait3A_293 = arith.constant 1 : i32
      %dma_wait3A_294 = arith.constant 0 : i32
      %dma_wait3A_295 = arith.constant 0 : i32
      %dma_wait3A_296 = tpu.memref_slice %arg8[%dma_wait3A_293, %dma_wait3A_294, %dma_wait3A_295] : memref<2x128x128xf32, #tpu.memory_space<vmem>> -> memref<1x128x128xf32, #tpu.memory_space<vmem>>
      %dma_wait3A_297 = tpu.memref_squeeze %dma_wait3A_296 : memref<1x128x128xf32, #tpu.memory_space<vmem>> -> memref<128x128xf32, #tpu.memory_space<vmem>>
      %dma_wait3A_298 = arith.constant 0 : i32
      %dma_wait3A_299 = tpu.memref_slice %arg6[%add3A_292, %dma_wait3A_298] : memref<40x128xi32, #tpu.memory_space<vmem>> -> memref<1x128xi32, #tpu.memory_space<vmem>>
      %dma_wait3A_300 = tpu.memref_squeeze %dma_wait3A_299 : memref<1x128xi32, #tpu.memory_space<vmem>> -> memref<128xi32, #tpu.memory_space<vmem>>
      %dma_wait3A_301 = arith.constant 0 : i32
      %dma_wait3A_302 = arith.constant 0 : i32
      %dma_wait3A_303 = tpu.memref_slice %arg2[%dma_wait3A_301, %dma_wait3A_302] : memref<10000x128xf32, #tpu.memory_space<hbm>> -> memref<10000x128xf32, #tpu.memory_space<hbm>>
      tpu.wait_indirect_dma semaphore(%arg11 : memref<!tpu.dma_semaphore, #tpu.memory_space<semaphore_mem>>) src(%dma_wait3A_303 : memref<10000x128xf32, #tpu.memory_space<hbm>>) dst(%dma_wait3A_297 : memref<128x128xf32, #tpu.memory_space<vmem>>)
      %add3A_304 = arith.constant 1 : i32
      %add3A_305 = arith.addi %mul3A_244, %add3A_304 : i32
      %dma_start3A_306 = arith.constant 1 : i32
      %dma_start3A_307 = arith.constant 0 : i32
      %dma_start3A_308 = arith.constant 0 : i32
      %dma_start3A_309 = tpu.memref_slice %arg8[%dma_start3A_306, %dma_start3A_307, %dma_start3A_308] : memref<2x128x128xf32, #tpu.memory_space<vmem>> -> memref<1x128x128xf32, #tpu.memory_space<vmem>>
      %dma_start3A_310 = tpu.memref_squeeze %dma_start3A_309 : memref<1x128x128xf32, #tpu.memory_space<vmem>> -> memref<128x128xf32, #tpu.memory_space<vmem>>
      %dma_start3A_311 = arith.constant 0 : i32
      %dma_start3A_312 = tpu.memref_slice %arg7[%add3A_305, %dma_start3A_311] : memref<40x128xi32, #tpu.memory_space<vmem>> -> memref<1x128xi32, #tpu.memory_space<vmem>>
      %dma_start3A_313 = tpu.memref_squeeze %dma_start3A_312 : memref<1x128xi32, #tpu.memory_space<vmem>> -> memref<128xi32, #tpu.memory_space<vmem>>
      %dma_start3A_314 = arith.constant 0 : i32
      %dma_start3A_315 = arith.constant 0 : i32
      %dma_start3A_316 = tpu.memref_slice %arg9[%dma_start3A_314, %dma_start3A_315] : memref<10240x128xf32, #tpu.memory_space<vmem_shared>> -> memref<10240x128xf32, #tpu.memory_space<vmem_shared>>
      tpu.enqueue_indirect_dma source(%dma_start3A_310 : memref<128x128xf32, #tpu.memory_space<vmem>>) target(%dma_start3A_316 : memref<10240x128xf32, #tpu.memory_space<vmem_shared>>) offsets(%dma_start3A_313 : memref<128xi32, #tpu.memory_space<vmem>>) semaphore(%arg13 : memref<!tpu.dma_semaphore, #tpu.memory_space<semaphore_mem>>) {add = true}
      %add3A_317 = arith.constant 1 : i32
      %add3A_318 = arith.addi %mul3A_244, %add3A_317 : i32
      %dma_wait3A_319 = arith.constant 1 : i32
      %dma_wait3A_320 = arith.constant 0 : i32
      %dma_wait3A_321 = arith.constant 0 : i32
      %dma_wait3A_322 = tpu.memref_slice %arg8[%dma_wait3A_319, %dma_wait3A_320, %dma_wait3A_321] : memref<2x128x128xf32, #tpu.memory_space<vmem>> -> memref<1x128x128xf32, #tpu.memory_space<vmem>>
      %dma_wait3A_323 = tpu.memref_squeeze %dma_wait3A_322 : memref<1x128x128xf32, #tpu.memory_space<vmem>> -> memref<128x128xf32, #tpu.memory_space<vmem>>
      %dma_wait3A_324 = arith.constant 0 : i32
      %dma_wait3A_325 = tpu.memref_slice %arg7[%add3A_318, %dma_wait3A_324] : memref<40x128xi32, #tpu.memory_space<vmem>> -> memref<1x128xi32, #tpu.memory_space<vmem>>
      %dma_wait3A_326 = tpu.memref_squeeze %dma_wait3A_325 : memref<1x128xi32, #tpu.memory_space<vmem>> -> memref<128xi32, #tpu.memory_space<vmem>>
      %dma_wait3A_327 = arith.constant 0 : i32
      %dma_wait3A_328 = arith.constant 0 : i32
      %dma_wait3A_329 = tpu.memref_slice %arg9[%dma_wait3A_327, %dma_wait3A_328] : memref<10240x128xf32, #tpu.memory_space<vmem_shared>> -> memref<10240x128xf32, #tpu.memory_space<vmem_shared>>
      tpu.wait_indirect_dma semaphore(%arg13 : memref<!tpu.dma_semaphore, #tpu.memory_space<semaphore_mem>>) src(%dma_wait3A_323 : memref<128x128xf32, #tpu.memory_space<vmem>>) dst(%dma_wait3A_329 : memref<10240x128xf32, #tpu.memory_space<vmem_shared>>)
      %add3A_330 = arith.constant 3 : i32
      %add3A_331 = arith.addi %mul3A_244, %add3A_330 : i32
      %dma_start3A_332 = arith.constant 1 : i32
      %dma_start3A_333 = arith.constant 0 : i32
      %dma_start3A_334 = arith.constant 0 : i32
      %dma_start3A_335 = tpu.memref_slice %arg8[%dma_start3A_332, %dma_start3A_333, %dma_start3A_334] : memref<2x128x128xf32, #tpu.memory_space<vmem>> -> memref<1x128x128xf32, #tpu.memory_space<vmem>>
      %dma_start3A_336 = tpu.memref_squeeze %dma_start3A_335 : memref<1x128x128xf32, #tpu.memory_space<vmem>> -> memref<128x128xf32, #tpu.memory_space<vmem>>
      %dma_start3A_337 = arith.constant 0 : i32
      %dma_start3A_338 = tpu.memref_slice %arg6[%add3A_331, %dma_start3A_337] : memref<40x128xi32, #tpu.memory_space<vmem>> -> memref<1x128xi32, #tpu.memory_space<vmem>>
      %dma_start3A_339 = tpu.memref_squeeze %dma_start3A_338 : memref<1x128xi32, #tpu.memory_space<vmem>> -> memref<128xi32, #tpu.memory_space<vmem>>
      %dma_start3A_340 = arith.constant 0 : i32
      %dma_start3A_341 = arith.constant 0 : i32
      %dma_start3A_342 = tpu.memref_slice %arg2[%dma_start3A_340, %dma_start3A_341] : memref<10000x128xf32, #tpu.memory_space<hbm>> -> memref<10000x128xf32, #tpu.memory_space<hbm>>
      tpu.enqueue_indirect_dma source(%dma_start3A_342 : memref<10000x128xf32, #tpu.memory_space<hbm>>) target(%dma_start3A_336 : memref<128x128xf32, #tpu.memory_space<vmem>>) offsets(%dma_start3A_339 : memref<128xi32, #tpu.memory_space<vmem>>) semaphore(%arg11 : memref<!tpu.dma_semaphore, #tpu.memory_space<semaphore_mem>>)
    }
    %scan3A_160 = arith.constant 19 : i32
    %dma_wait3A_161 = arith.constant 38 : i32
    %dma_wait3A_162 = arith.constant 0 : i32
    %dma_wait3A_163 = arith.constant 0 : i32
    %dma_wait3A_164 = arith.constant 0 : i32
    %dma_wait3A_165 = tpu.memref_slice %arg8[%dma_wait3A_162, %dma_wait3A_163, %dma_wait3A_164] : memref<2x128x128xf32, #tpu.memory_space<vmem>> -> memref<1x128x128xf32, #tpu.memory_space<vmem>>
    %dma_wait3A_166 = tpu.memref_squeeze %dma_wait3A_165 : memref<1x128x128xf32, #tpu.memory_space<vmem>> -> memref<128x128xf32, #tpu.memory_space<vmem>>
    %dma_wait3A_167 = arith.constant 0 : i32
    %dma_wait3A_168 = tpu.memref_slice %arg6[%dma_wait3A_161, %dma_wait3A_167] : memref<40x128xi32, #tpu.memory_space<vmem>> -> memref<1x128xi32, #tpu.memory_space<vmem>>
    %dma_wait3A_169 = tpu.memref_squeeze %dma_wait3A_168 : memref<1x128xi32, #tpu.memory_space<vmem>> -> memref<128xi32, #tpu.memory_space<vmem>>
    %dma_wait3A_170 = arith.constant 0 : i32
    %dma_wait3A_171 = arith.constant 0 : i32
    %dma_wait3A_172 = tpu.memref_slice %arg2[%dma_wait3A_170, %dma_wait3A_171] : memref<10000x128xf32, #tpu.memory_space<hbm>> -> memref<10000x128xf32, #tpu.memory_space<hbm>>
    tpu.wait_indirect_dma semaphore(%arg10 : memref<!tpu.dma_semaphore, #tpu.memory_space<semaphore_mem>>) src(%dma_wait3A_172 : memref<10000x128xf32, #tpu.memory_space<hbm>>) dst(%dma_wait3A_166 : memref<128x128xf32, #tpu.memory_space<vmem>>)
    %dma_start3A_173 = arith.constant 0 : i32
    %dma_start3A_174 = arith.constant 38 : i32
    %dma_start3A_175 = arith.constant 0 : i32
    %dma_start3A_176 = arith.constant 0 : i32
    %dma_start3A_177 = tpu.memref_slice %arg8[%dma_start3A_173, %dma_start3A_175, %dma_start3A_176] : memref<2x128x128xf32, #tpu.memory_space<vmem>> -> memref<1x128x128xf32, #tpu.memory_space<vmem>>
    %dma_start3A_178 = tpu.memref_squeeze %dma_start3A_177 : memref<1x128x128xf32, #tpu.memory_space<vmem>> -> memref<128x128xf32, #tpu.memory_space<vmem>>
    %dma_start3A_179 = arith.constant 0 : i32
    %dma_start3A_180 = tpu.memref_slice %arg7[%dma_start3A_174, %dma_start3A_179] : memref<40x128xi32, #tpu.memory_space<vmem>> -> memref<1x128xi32, #tpu.memory_space<vmem>>
    %dma_start3A_181 = tpu.memref_squeeze %dma_start3A_180 : memref<1x128xi32, #tpu.memory_space<vmem>> -> memref<128xi32, #tpu.memory_space<vmem>>
    %dma_start3A_182 = arith.constant 0 : i32
    %dma_start3A_183 = arith.constant 0 : i32
    %dma_start3A_184 = tpu.memref_slice %arg9[%dma_start3A_182, %dma_start3A_183] : memref<10240x128xf32, #tpu.memory_space<vmem_shared>> -> memref<10240x128xf32, #tpu.memory_space<vmem_shared>>
    tpu.enqueue_indirect_dma source(%dma_start3A_178 : memref<128x128xf32, #tpu.memory_space<vmem>>) target(%dma_start3A_184 : memref<10240x128xf32, #tpu.memory_space<vmem_shared>>) offsets(%dma_start3A_181 : memref<128xi32, #tpu.memory_space<vmem>>) semaphore(%arg12 : memref<!tpu.dma_semaphore, #tpu.memory_space<semaphore_mem>>) {add = true}
    %dma_wait3A_185 = arith.constant 0 : i32
    %dma_wait3A_186 = arith.constant 38 : i32
    %dma_wait3A_187 = arith.constant 0 : i32
    %dma_wait3A_188 = arith.constant 0 : i32
    %dma_wait3A_189 = tpu.memref_slice %arg8[%dma_wait3A_185, %dma_wait3A_187, %dma_wait3A_188] : memref<2x128x128xf32, #tpu.memory_space<vmem>> -> memref<1x128x128xf32, #tpu.memory_space<vmem>>
    %dma_wait3A_190 = tpu.memref_squeeze %dma_wait3A_189 : memref<1x128x128xf32, #tpu.memory_space<vmem>> -> memref<128x128xf32, #tpu.memory_space<vmem>>
    %dma_wait3A_191 = arith.constant 0 : i32
    %dma_wait3A_192 = tpu.memref_slice %arg7[%dma_wait3A_186, %dma_wait3A_191] : memref<40x128xi32, #tpu.memory_space<vmem>> -> memref<1x128xi32, #tpu.memory_space<vmem>>
    %dma_wait3A_193 = tpu.memref_squeeze %dma_wait3A_192 : memref<1x128xi32, #tpu.memory_space<vmem>> -> memref<128xi32, #tpu.memory_space<vmem>>
    %dma_wait3A_194 = arith.constant 0 : i32
    %dma_wait3A_195 = arith.constant 0 : i32
    %dma_wait3A_196 = tpu.memref_slice %arg9[%dma_wait3A_194, %dma_wait3A_195] : memref<10240x128xf32, #tpu.memory_space<vmem_shared>> -> memref<10240x128xf32, #tpu.memory_space<vmem_shared>>
    tpu.wait_indirect_dma semaphore(%arg12 : memref<!tpu.dma_semaphore, #tpu.memory_space<semaphore_mem>>) src(%dma_wait3A_190 : memref<128x128xf32, #tpu.memory_space<vmem>>) dst(%dma_wait3A_196 : memref<10240x128xf32, #tpu.memory_space<vmem_shared>>)
    %dma_wait3A_197 = arith.constant 39 : i32
    %dma_wait3A_198 = arith.constant 1 : i32
    %dma_wait3A_199 = arith.constant 0 : i32
    %dma_wait3A_200 = arith.constant 0 : i32
    %dma_wait3A_201 = tpu.memref_slice %arg8[%dma_wait3A_198, %dma_wait3A_199, %dma_wait3A_200] : memref<2x128x128xf32, #tpu.memory_space<vmem>> -> memref<1x128x128xf32, #tpu.memory_space<vmem>>
    %dma_wait3A_202 = tpu.memref_squeeze %dma_wait3A_201 : memref<1x128x128xf32, #tpu.memory_space<vmem>> -> memref<128x128xf32, #tpu.memory_space<vmem>>
    %dma_wait3A_203 = arith.constant 0 : i32
    %dma_wait3A_204 = tpu.memref_slice %arg6[%dma_wait3A_197, %dma_wait3A_203] : memref<40x128xi32, #tpu.memory_space<vmem>> -> memref<1x128xi32, #tpu.memory_space<vmem>>
    %dma_wait3A_205 = tpu.memref_squeeze %dma_wait3A_204 : memref<1x128xi32, #tpu.memory_space<vmem>> -> memref<128xi32, #tpu.memory_space<vmem>>
    %dma_wait3A_206 = arith.constant 0 : i32
    %dma_wait3A_207 = arith.constant 0 : i32
    %dma_wait3A_208 = tpu.memref_slice %arg2[%dma_wait3A_206, %dma_wait3A_207] : memref<10000x128xf32, #tpu.memory_space<hbm>> -> memref<10000x128xf32, #tpu.memory_space<hbm>>
    tpu.wait_indirect_dma semaphore(%arg11 : memref<!tpu.dma_semaphore, #tpu.memory_space<semaphore_mem>>) src(%dma_wait3A_208 : memref<10000x128xf32, #tpu.memory_space<hbm>>) dst(%dma_wait3A_202 : memref<128x128xf32, #tpu.memory_space<vmem>>)
    %dma_start3A_209 = arith.constant 1 : i32
    %dma_start3A_210 = arith.constant 39 : i32
    %dma_start3A_211 = arith.constant 0 : i32
    %dma_start3A_212 = arith.constant 0 : i32
    %dma_start3A_213 = tpu.memref_slice %arg8[%dma_start3A_209, %dma_start3A_211, %dma_start3A_212] : memref<2x128x128xf32, #tpu.memory_space<vmem>> -> memref<1x128x128xf32, #tpu.memory_space<vmem>>
    %dma_start3A_214 = tpu.memref_squeeze %dma_start3A_213 : memref<1x128x128xf32, #tpu.memory_space<vmem>> -> memref<128x128xf32, #tpu.memory_space<vmem>>
    %dma_start3A_215 = arith.constant 0 : i32
    %dma_start3A_216 = tpu.memref_slice %arg7[%dma_start3A_210, %dma_start3A_215] : memref<40x128xi32, #tpu.memory_space<vmem>> -> memref<1x128xi32, #tpu.memory_space<vmem>>
    %dma_start3A_217 = tpu.memref_squeeze %dma_start3A_216 : memref<1x128xi32, #tpu.memory_space<vmem>> -> memref<128xi32, #tpu.memory_space<vmem>>
    %dma_start3A_218 = arith.constant 0 : i32
    %dma_start3A_219 = arith.constant 0 : i32
    %dma_start3A_220 = tpu.memref_slice %arg9[%dma_start3A_218, %dma_start3A_219] : memref<10240x128xf32, #tpu.memory_space<vmem_shared>> -> memref<10240x128xf32, #tpu.memory_space<vmem_shared>>
    tpu.enqueue_indirect_dma source(%dma_start3A_214 : memref<128x128xf32, #tpu.memory_space<vmem>>) target(%dma_start3A_220 : memref<10240x128xf32, #tpu.memory_space<vmem_shared>>) offsets(%dma_start3A_217 : memref<128xi32, #tpu.memory_space<vmem>>) semaphore(%arg13 : memref<!tpu.dma_semaphore, #tpu.memory_space<semaphore_mem>>) {add = true}
    %dma_wait3A_221 = arith.constant 1 : i32
    %dma_wait3A_222 = arith.constant 39 : i32
    %dma_wait3A_223 = arith.constant 0 : i32
    %dma_wait3A_224 = arith.constant 0 : i32
    %dma_wait3A_225 = tpu.memref_slice %arg8[%dma_wait3A_221, %dma_wait3A_223, %dma_wait3A_224] : memref<2x128x128xf32, #tpu.memory_space<vmem>> -> memref<1x128x128xf32, #tpu.memory_space<vmem>>
    %dma_wait3A_226 = tpu.memref_squeeze %dma_wait3A_225 : memref<1x128x128xf32, #tpu.memory_space<vmem>> -> memref<128x128xf32, #tpu.memory_space<vmem>>
    %dma_wait3A_227 = arith.constant 0 : i32
    %dma_wait3A_228 = tpu.memref_slice %arg7[%dma_wait3A_222, %dma_wait3A_227] : memref<40x128xi32, #tpu.memory_space<vmem>> -> memref<1x128xi32, #tpu.memory_space<vmem>>
    %dma_wait3A_229 = tpu.memref_squeeze %dma_wait3A_228 : memref<1x128xi32, #tpu.memory_space<vmem>> -> memref<128xi32, #tpu.memory_space<vmem>>
    %dma_wait3A_230 = arith.constant 0 : i32
    %dma_wait3A_231 = arith.constant 0 : i32
    %dma_wait3A_232 = tpu.memref_slice %arg9[%dma_wait3A_230, %dma_wait3A_231] : memref<10240x128xf32, #tpu.memory_space<vmem_shared>> -> memref<10240x128xf32, #tpu.memory_space<vmem_shared>>
    tpu.wait_indirect_dma semaphore(%arg13 : memref<!tpu.dma_semaphore, #tpu.memory_space<semaphore_mem>>) src(%dma_wait3A_226 : memref<128x128xf32, #tpu.memory_space<vmem>>) dst(%dma_wait3A_232 : memref<10240x128xf32, #tpu.memory_space<vmem_shared>>)
    %barrier3A_233 = arith.constant 0 : index
    tpu.barrier barrier_id(%barrier3A_233)
    %mul3A_234 = arith.constant 640 : i32
    %mul3A_235 = arith.muli %arg1, %mul3A_234 : i32
    %mul3A_236 = arith.constant 640 : i32
    %mul3A_237 = arith.muli %arg1, %mul3A_236 : i32
    "tpu.region"() ({
      %run_scoped3A_238 = tpu.sem_alloc : memref<!tpu.dma_semaphore, #tpu.memory_space<semaphore_mem>>
      %dma_start3A_239 = arith.constant 0 : i32
      %dma_start3A_240 = tpu.memref_slice %arg5[%arg0, %mul3A_237, %dma_start3A_239] : memref<2x10240x128xf32, #tpu.memory_space<hbm>> -> memref<1x640x128xf32, #tpu.memory_space<hbm>>
      %dma_start3A_241 = tpu.memref_squeeze %dma_start3A_240 : memref<1x640x128xf32, #tpu.memory_space<hbm>> -> memref<640x128xf32, #tpu.memory_space<hbm>>
      %dma_start3A_242 = arith.constant 0 : i32
      %dma_start3A_243 = tpu.memref_slice %arg9[%mul3A_235, %dma_start3A_242] : memref<10240x128xf32, #tpu.memory_space<vmem_shared>> -> memref<640x128xf32, #tpu.memory_space<vmem_shared>>
      tpu.enqueue_dma source(%dma_start3A_243 : memref<640x128xf32, #tpu.memory_space<vmem_shared>>) target(%dma_start3A_241 : memref<640x128xf32, #tpu.memory_space<hbm>>) target_semaphore(%run_scoped3A_238 : memref<!tpu.dma_semaphore, #tpu.memory_space<semaphore_mem>>)
      %dma_wait3A_244 = arith.constant 0 : i32
      %dma_wait3A_245 = tpu.memref_slice %arg5[%arg0, %mul3A_237, %dma_wait3A_244] : memref<2x10240x128xf32, #tpu.memory_space<hbm>> -> memref<1x640x128xf32, #tpu.memory_space<hbm>>
      %dma_wait3A_246 = tpu.memref_squeeze %dma_wait3A_245 : memref<1x640x128xf32, #tpu.memory_space<hbm>> -> memref<640x128xf32, #tpu.memory_space<hbm>>
      %dma_wait3A_247 = arith.constant 0 : i32
      %dma_wait3A_248 = tpu.memref_slice %arg9[%mul3A_235, %dma_wait3A_247] : memref<10240x128xf32, #tpu.memory_space<vmem_shared>> -> memref<640x128xf32, #tpu.memory_space<vmem_shared>>
      tpu.wait_dma2 semaphore(%run_scoped3A_238 : memref<!tpu.dma_semaphore, #tpu.memory_space<semaphore_mem>>) src(%dma_wait3A_248 : memref<640x128xf32, #tpu.memory_space<vmem_shared>>) dst(%dma_wait3A_246 : memref<640x128xf32, #tpu.memory_space<hbm>>)
      tpu.yield
    }) : () -> ()
    return
  }
}

#map = affine_map<(d0, d1) -> (0, 0)>
#map1 = affine_map<(d0, d1) -> (0, 0, 0, 0)>
#map2 = affine_map<(d0, d1) -> (0, 0, 0)>
module attributes {stable_mosaic.version = 14 : i64} {
  func.func @_scatter_kernel(%arg0: i32, %arg1: i32, %arg2: memref<10000x128xf32, #tpu.memory_space<hbm>>, %arg3: memref<32x2x40x128xi32, #tpu.memory_space<hbm>>, %arg4: memref<32x2x40x128xi32, #tpu.memory_space<hbm>>, %arg5: memref<2x10240x128xf32, #tpu.memory_space<hbm>>, %arg6: memref<40x128xi32, #tpu.memory_space<vmem>>, %arg7: memref<40x128xi32, #tpu.memory_space<vmem>>, %arg8: memref<2x128x128xf32, #tpu.memory_space<vmem>>, %arg9: memref<10240x128xf32, #tpu.memory_space<vmem_shared>>, %arg10: memref<!tpu.dma_semaphore, #tpu.memory_space<semaphore_mem>>, %arg11: memref<!tpu.dma_semaphore, #tpu.memory_space<semaphore_mem>>, %arg12: memref<!tpu.dma_semaphore, #tpu.memory_space<semaphore_mem>>, %arg13: memref<!tpu.dma_semaphore, #tpu.memory_space<semaphore_mem>>) attributes {dimension_semantics = [#tpu.dimension_semantics<core_parallel>, #tpu.dimension_semantics<subcore_parallel>], iteration_bounds = array<i64: 2, 16>, scalar_prefetch = 0 : i64, scratch_operands = 8 : i64, tpu.core_type = #tpu.core_type<sc_vector_subcore>, window_params = [{transform_indices = #map}, {transform_indices = #map1}, {transform_indices = #map1}, {transform_indices = #map2}]} {
    %mul3A = arith.constant 2 : i32
    %mul3A_0 = arith.muli %arg1, %mul3A : i32
    %add3A = arith.addi %mul3A_0, %arg0 : i32
    %scan3A = arith.constant 0 : i32
    %scan3A_1 = arith.constant 128 : i32
    %scan3A_2 = arith.addi %scan3A, %scan3A_1 : i32
    %scan3A_3 = arith.constant 1 : i32
    scf.for %scan3A_238 = %scan3A to %scan3A_2 step %scan3A_3  : i32 {
      %mul3A_239 = arith.constant 1 : i32
      %mul3A_240 = arith.muli %scan3A_238, %mul3A_239 : i32
      %add3A_241 = arith.constant 0 : i32
      %add3A_242 = arith.addi %add3A_241, %mul3A_240 : i32
      %broadcast_in_dim3A = arith.constant 0.000000e+00 : f32
      %broadcast_in_dim3A_243 = vector.broadcast %broadcast_in_dim3A : f32 to vector<16xf32>
      %swap3A = arith.constant 0 : i32
      %swap3A_244 = arith.index_cast %swap3A : i32 to index
      %swap3A_245 = arith.index_cast %add3A_242 : i32 to index
      %swap3A_246 = arith.constant 0 : index
      %swap3A_247 = tpu.vector_load %arg8[%swap3A_244, %swap3A_245, %swap3A_246] {strides = array<i32>} : memref<2x128x128xf32, #tpu.memory_space<vmem>>, vector<1x1x16xf32>,
      %swap3A_248 = vector.shape_cast %swap3A_247 : vector<1x1x16xf32> to vector<16xf32>
      %swap3A_249 = vector.shape_cast %broadcast_in_dim3A_243 : vector<16xf32> to vector<1x1x16xf32>
      tpu.vector_store %arg8[%swap3A_244, %swap3A_245, %swap3A_246], %swap3A_249 {strides = array<i32>} : memref<2x128x128xf32, #tpu.memory_space<vmem>>, vector<1x1x16xf32>,
      %broadcast_in_dim3A_250 = arith.constant 0.000000e+00 : f32
      %broadcast_in_dim3A_251 = vector.broadcast %broadcast_in_dim3A_250 : f32 to vector<16xf32>
      %swap3A_252 = arith.constant 0 : i32
      %swap3A_253 = arith.index_cast %swap3A_252 : i32 to index
      %swap3A_254 = arith.index_cast %add3A_242 : i32 to index
      %swap3A_255 = arith.constant 16 : index
      %swap3A_256 = tpu.vector_load %arg8[%swap3A_253, %swap3A_254, %swap3A_255] {strides = array<i32>} : memref<2x128x128xf32, #tpu.memory_space<vmem>>, vector<1x1x16xf32>,
      %swap3A_257 = vector.shape_cast %swap3A_256 : vector<1x1x16xf32> to vector<16xf32>
      %swap3A_258 = vector.shape_cast %broadcast_in_dim3A_251 : vector<16xf32> to vector<1x1x16xf32>
      tpu.vector_store %arg8[%swap3A_253, %swap3A_254, %swap3A_255], %swap3A_258 {strides = array<i32>} : memref<2x128x128xf32, #tpu.memory_space<vmem>>, vector<1x1x16xf32>,
      %broadcast_in_dim3A_259 = arith.constant 0.000000e+00 : f32
      %broadcast_in_dim3A_260 = vector.broadcast %broadcast_in_dim3A_259 : f32 to vector<16xf32>
      %swap3A_261 = arith.constant 0 : i32
      %swap3A_262 = arith.index_cast %swap3A_261 : i32 to index
      %swap3A_263 = arith.index_cast %add3A_242 : i32 to index
      %swap3A_264 = arith.constant 32 : index
      %swap3A_265 = tpu.vector_load %arg8[%swap3A_262, %swap3A_263, %swap3A_264] {strides = array<i32>} : memref<2x128x128xf32, #tpu.memory_space<vmem>>, vector<1x1x16xf32>,
      %swap3A_266 = vector.shape_cast %swap3A_265 : vector<1x1x16xf32> to vector<16xf32>
      %swap3A_267 = vector.shape_cast %broadcast_in_dim3A_260 : vector<16xf32> to vector<1x1x16xf32>
      tpu.vector_store %arg8[%swap3A_262, %swap3A_263, %swap3A_264], %swap3A_267 {strides = array<i32>} : memref<2x128x128xf32, #tpu.memory_space<vmem>>, vector<1x1x16xf32>,
      %broadcast_in_dim3A_268 = arith.constant 0.000000e+00 : f32
      %broadcast_in_dim3A_269 = vector.broadcast %broadcast_in_dim3A_268 : f32 to vector<16xf32>
      %swap3A_270 = arith.constant 0 : i32
      %swap3A_271 = arith.index_cast %swap3A_270 : i32 to index
      %swap3A_272 = arith.index_cast %add3A_242 : i32 to index
      %swap3A_273 = arith.constant 48 : index
      %swap3A_274 = tpu.vector_load %arg8[%swap3A_271, %swap3A_272, %swap3A_273] {strides = array<i32>} : memref<2x128x128xf32, #tpu.memory_space<vmem>>, vector<1x1x16xf32>,
      %swap3A_275 = vector.shape_cast %swap3A_274 : vector<1x1x16xf32> to vector<16xf32>
      %swap3A_276 = vector.shape_cast %broadcast_in_dim3A_269 : vector<16xf32> to vector<1x1x16xf32>
      tpu.vector_store %arg8[%swap3A_271, %swap3A_272, %swap3A_273], %swap3A_276 {strides = array<i32>} : memref<2x128x128xf32, #tpu.memory_space<vmem>>, vector<1x1x16xf32>,
      %broadcast_in_dim3A_277 = arith.constant 0.000000e+00 : f32
      %broadcast_in_dim3A_278 = vector.broadcast %broadcast_in_dim3A_277 : f32 to vector<16xf32>
      %swap3A_279 = arith.constant 0 : i32
      %swap3A_280 = arith.index_cast %swap3A_279 : i32 to index
      %swap3A_281 = arith.index_cast %add3A_242 : i32 to index
      %swap3A_282 = arith.constant 64 : index
      %swap3A_283 = tpu.vector_load %arg8[%swap3A_280, %swap3A_281, %swap3A_282] {strides = array<i32>} : memref<2x128x128xf32, #tpu.memory_space<vmem>>, vector<1x1x16xf32>,
      %swap3A_284 = vector.shape_cast %swap3A_283 : vector<1x1x16xf32> to vector<16xf32>
      %swap3A_285 = vector.shape_cast %broadcast_in_dim3A_278 : vector<16xf32> to vector<1x1x16xf32>
      tpu.vector_store %arg8[%swap3A_280, %swap3A_281, %swap3A_282], %swap3A_285 {strides = array<i32>} : memref<2x128x128xf32, #tpu.memory_space<vmem>>, vector<1x1x16xf32>,
      %broadcast_in_dim3A_286 = arith.constant 0.000000e+00 : f32
      %broadcast_in_dim3A_287 = vector.broadcast %broadcast_in_dim3A_286 : f32 to vector<16xf32>
      %swap3A_288 = arith.constant 0 : i32
      %swap3A_289 = arith.index_cast %swap3A_288 : i32 to index
      %swap3A_290 = arith.index_cast %add3A_242 : i32 to index
      %swap3A_291 = arith.constant 80 : index
      %swap3A_292 = tpu.vector_load %arg8[%swap3A_289, %swap3A_290, %swap3A_291] {strides = array<i32>} : memref<2x128x128xf32, #tpu.memory_space<vmem>>, vector<1x1x16xf32>,
      %swap3A_293 = vector.shape_cast %swap3A_292 : vector<1x1x16xf32> to vector<16xf32>
      %swap3A_294 = vector.shape_cast %broadcast_in_dim3A_287 : vector<16xf32> to vector<1x1x16xf32>
      tpu.vector_store %arg8[%swap3A_289, %swap3A_290, %swap3A_291], %swap3A_294 {strides = array<i32>} : memref<2x128x128xf32, #tpu.memory_space<vmem>>, vector<1x1x16xf32>,
      %broadcast_in_dim3A_295 = arith.constant 0.000000e+00 : f32
      %broadcast_in_dim3A_296 = vector.broadcast %broadcast_in_dim3A_295 : f32 to vector<16xf32>
      %swap3A_297 = arith.constant 0 : i32
      %swap3A_298 = arith.index_cast %swap3A_297 : i32 to index
      %swap3A_299 = arith.index_cast %add3A_242 : i32 to index
      %swap3A_300 = arith.constant 96 : index
      %swap3A_301 = tpu.vector_load %arg8[%swap3A_298, %swap3A_299, %swap3A_300] {strides = array<i32>} : memref<2x128x128xf32, #tpu.memory_space<vmem>>, vector<1x1x16xf32>,
      %swap3A_302 = vector.shape_cast %swap3A_301 : vector<1x1x16xf32> to vector<16xf32>
      %swap3A_303 = vector.shape_cast %broadcast_in_dim3A_296 : vector<16xf32> to vector<1x1x16xf32>
      tpu.vector_store %arg8[%swap3A_298, %swap3A_299, %swap3A_300], %swap3A_303 {strides = array<i32>} : memref<2x128x128xf32, #tpu.memory_space<vmem>>, vector<1x1x16xf32>,
      %broadcast_in_dim3A_304 = arith.constant 0.000000e+00 : f32
      %broadcast_in_dim3A_305 = vector.broadcast %broadcast_in_dim3A_304 : f32 to vector<16xf32>
      %swap3A_306 = arith.constant 0 : i32
      %swap3A_307 = arith.index_cast %swap3A_306 : i32 to index
      %swap3A_308 = arith.index_cast %add3A_242 : i32 to index
      %swap3A_309 = arith.constant 112 : index
      %swap3A_310 = tpu.vector_load %arg8[%swap3A_307, %swap3A_308, %swap3A_309] {strides = array<i32>} : memref<2x128x128xf32, #tpu.memory_space<vmem>>, vector<1x1x16xf32>,
      %swap3A_311 = vector.shape_cast %swap3A_310 : vector<1x1x16xf32> to vector<16xf32>
      %swap3A_312 = vector.shape_cast %broadcast_in_dim3A_305 : vector<16xf32> to vector<1x1x16xf32>
      tpu.vector_store %arg8[%swap3A_307, %swap3A_308, %swap3A_309], %swap3A_312 {strides = array<i32>} : memref<2x128x128xf32, #tpu.memory_space<vmem>>, vector<1x1x16xf32>,
    }
    %scan3A_4 = arith.constant 128 : i32
    %mul3A_5 = arith.constant 640 : i32
    %mul3A_6 = arith.muli %arg1, %mul3A_5 : i32
    %add3A_7 = arith.constant 0 : i32
    %add3A_8 = arith.addi %mul3A_6, %add3A_7 : i32
    %run_scoped3A = arith.constant 0 : i32
    "tpu.region"() ({
      %run_scoped3A_238 = tpu.sem_alloc : memref<!tpu.dma_semaphore, #tpu.memory_space<semaphore_mem>>
      %dma_start3A_239 = arith.constant 0 : i32
      %dma_start3A_240 = arith.constant 0 : i32
      %dma_start3A_241 = tpu.memref_slice %arg8[%run_scoped3A, %dma_start3A_239, %dma_start3A_240] : memref<2x128x128xf32, #tpu.memory_space<vmem>> -> memref<1x128x128xf32, #tpu.memory_space<vmem>>
      %dma_start3A_242 = tpu.memref_squeeze %dma_start3A_241 : memref<1x128x128xf32, #tpu.memory_space<vmem>> -> memref<128x128xf32, #tpu.memory_space<vmem>>
      %dma_start3A_243 = arith.constant 0 : i32
      %dma_start3A_244 = tpu.memref_slice %arg9[%add3A_8, %dma_start3A_243] : memref<10240x128xf32, #tpu.memory_space<vmem_shared>> -> memref<128x128xf32, #tpu.memory_space<vmem_shared>>
      %dma_start3A_245 = arith.constant 0 : i32
      %dma_start3A_246 = tpu.memref_slice %arg9[%add3A_8, %dma_start3A_245] : memref<10240x128xf32, #tpu.memory_space<vmem_shared>> -> memref<128x128xf32, #tpu.memory_space<vmem_shared>>
      %dma_start3A_247 = arith.constant 0 : i32
      %dma_start3A_248 = arith.constant 0 : i32
      %dma_start3A_249 = tpu.memref_slice %arg8[%run_scoped3A, %dma_start3A_247, %dma_start3A_248] : memref<2x128x128xf32, #tpu.memory_space<vmem>> -> memref<1x128x128xf32, #tpu.memory_space<vmem>>
      %dma_start3A_250 = tpu.memref_squeeze %dma_start3A_249 : memref<1x128x128xf32, #tpu.memory_space<vmem>> -> memref<128x128xf32, #tpu.memory_space<vmem>>
      tpu.enqueue_dma source(%dma_start3A_250 : memref<128x128xf32, #tpu.memory_space<vmem>>) target(%dma_start3A_246 : memref<128x128xf32, #tpu.memory_space<vmem_shared>>) target_semaphore(%run_scoped3A_238 : memref<!tpu.dma_semaphore, #tpu.memory_space<semaphore_mem>>)
      %dma_wait3A_251 = arith.constant 0 : i32
      %dma_wait3A_252 = arith.constant 0 : i32
      %dma_wait3A_253 = tpu.memref_slice %arg8[%run_scoped3A, %dma_wait3A_251, %dma_wait3A_252] : memref<2x128x128xf32, #tpu.memory_space<vmem>> -> memref<1x128x128xf32, #tpu.memory_space<vmem>>
      %dma_wait3A_254 = tpu.memref_squeeze %dma_wait3A_253 : memref<1x128x128xf32, #tpu.memory_space<vmem>> -> memref<128x128xf32, #tpu.memory_space<vmem>>
      %dma_wait3A_255 = arith.constant 0 : i32
      %dma_wait3A_256 = tpu.memref_slice %arg9[%add3A_8, %dma_wait3A_255] : memref<10240x128xf32, #tpu.memory_space<vmem_shared>> -> memref<128x128xf32, #tpu.memory_space<vmem_shared>>
      %dma_wait3A_257 = arith.constant 0 : i32
      %dma_wait3A_258 = tpu.memref_slice %arg9[%add3A_8, %dma_wait3A_257] : memref<10240x128xf32, #tpu.memory_space<vmem_shared>> -> memref<128x128xf32, #tpu.memory_space<vmem_shared>>
      %dma_wait3A_259 = arith.constant 0 : i32
      %dma_wait3A_260 = arith.constant 0 : i32
      %dma_wait3A_261 = tpu.memref_slice %arg8[%run_scoped3A, %dma_wait3A_259, %dma_wait3A_260] : memref<2x128x128xf32, #tpu.memory_space<vmem>> -> memref<1x128x128xf32, #tpu.memory_space<vmem>>
      %dma_wait3A_262 = tpu.memref_squeeze %dma_wait3A_261 : memref<1x128x128xf32, #tpu.memory_space<vmem>> -> memref<128x128xf32, #tpu.memory_space<vmem>>
      tpu.wait_dma2 semaphore(%run_scoped3A_238 : memref<!tpu.dma_semaphore, #tpu.memory_space<semaphore_mem>>) src(%dma_wait3A_262 : memref<128x128xf32, #tpu.memory_space<vmem>>) dst(%dma_wait3A_258 : memref<128x128xf32, #tpu.memory_space<vmem_shared>>)
      tpu.yield
    }) : () -> ()
    %mul3A_9 = arith.constant 640 : i32
    %mul3A_10 = arith.muli %arg1, %mul3A_9 : i32
    %add3A_11 = arith.constant 128 : i32
    %add3A_12 = arith.addi %mul3A_10, %add3A_11 : i32
    %run_scoped3A_13 = arith.constant 0 : i32
    "tpu.region"() ({
      %run_scoped3A_238 = tpu.sem_alloc : memref<!tpu.dma_semaphore, #tpu.memory_space<semaphore_mem>>
      %dma_start3A_239 = arith.constant 0 : i32
      %dma_start3A_240 = arith.constant 0 : i32
      %dma_start3A_241 = tpu.memref_slice %arg8[%run_scoped3A_13, %dma_start3A_239, %dma_start3A_240] : memref<2x128x128xf32, #tpu.memory_space<vmem>> -> memref<1x128x128xf32, #tpu.memory_space<vmem>>
      %dma_start3A_242 = tpu.memref_squeeze %dma_start3A_241 : memref<1x128x128xf32, #tpu.memory_space<vmem>> -> memref<128x128xf32, #tpu.memory_space<vmem>>
      %dma_start3A_243 = arith.constant 0 : i32
      %dma_start3A_244 = tpu.memref_slice %arg9[%add3A_12, %dma_start3A_243] : memref<10240x128xf32, #tpu.memory_space<vmem_shared>> -> memref<128x128xf32, #tpu.memory_space<vmem_shared>>
      %dma_start3A_245 = arith.constant 0 : i32
      %dma_start3A_246 = tpu.memref_slice %arg9[%add3A_12, %dma_start3A_245] : memref<10240x128xf32, #tpu.memory_space<vmem_shared>> -> memref<128x128xf32, #tpu.memory_space<vmem_shared>>
      %dma_start3A_247 = arith.constant 0 : i32
      %dma_start3A_248 = arith.constant 0 : i32
      %dma_start3A_249 = tpu.memref_slice %arg8[%run_scoped3A_13, %dma_start3A_247, %dma_start3A_248] : memref<2x128x128xf32, #tpu.memory_space<vmem>> -> memref<1x128x128xf32, #tpu.memory_space<vmem>>
      %dma_start3A_250 = tpu.memref_squeeze %dma_start3A_249 : memref<1x128x128xf32, #tpu.memory_space<vmem>> -> memref<128x128xf32, #tpu.memory_space<vmem>>
      tpu.enqueue_dma source(%dma_start3A_250 : memref<128x128xf32, #tpu.memory_space<vmem>>) target(%dma_start3A_246 : memref<128x128xf32, #tpu.memory_space<vmem_shared>>) target_semaphore(%run_scoped3A_238 : memref<!tpu.dma_semaphore, #tpu.memory_space<semaphore_mem>>)
      %dma_wait3A_251 = arith.constant 0 : i32
      %dma_wait3A_252 = arith.constant 0 : i32
      %dma_wait3A_253 = tpu.memref_slice %arg8[%run_scoped3A_13, %dma_wait3A_251, %dma_wait3A_252] : memref<2x128x128xf32, #tpu.memory_space<vmem>> -> memref<1x128x128xf32, #tpu.memory_space<vmem>>
      %dma_wait3A_254 = tpu.memref_squeeze %dma_wait3A_253 : memref<1x128x128xf32, #tpu.memory_space<vmem>> -> memref<128x128xf32, #tpu.memory_space<vmem>>
      %dma_wait3A_255 = arith.constant 0 : i32
      %dma_wait3A_256 = tpu.memref_slice %arg9[%add3A_12, %dma_wait3A_255] : memref<10240x128xf32, #tpu.memory_space<vmem_shared>> -> memref<128x128xf32, #tpu.memory_space<vmem_shared>>
      %dma_wait3A_257 = arith.constant 0 : i32
      %dma_wait3A_258 = tpu.memref_slice %arg9[%add3A_12, %dma_wait3A_257] : memref<10240x128xf32, #tpu.memory_space<vmem_shared>> -> memref<128x128xf32, #tpu.memory_space<vmem_shared>>
      %dma_wait3A_259 = arith.constant 0 : i32
      %dma_wait3A_260 = arith.constant 0 : i32
      %dma_wait3A_261 = tpu.memref_slice %arg8[%run_scoped3A_13, %dma_wait3A_259, %dma_wait3A_260] : memref<2x128x128xf32, #tpu.memory_space<vmem>> -> memref<1x128x128xf32, #tpu.memory_space<vmem>>
      %dma_wait3A_262 = tpu.memref_squeeze %dma_wait3A_261 : memref<1x128x128xf32, #tpu.memory_space<vmem>> -> memref<128x128xf32, #tpu.memory_space<vmem>>
      tpu.wait_dma2 semaphore(%run_scoped3A_238 : memref<!tpu.dma_semaphore, #tpu.memory_space<semaphore_mem>>) src(%dma_wait3A_262 : memref<128x128xf32, #tpu.memory_space<vmem>>) dst(%dma_wait3A_258 : memref<128x128xf32, #tpu.memory_space<vmem_shared>>)
      tpu.yield
    }) : () -> ()
    %mul3A_14 = arith.constant 640 : i32
    %mul3A_15 = arith.muli %arg1, %mul3A_14 : i32
    %add3A_16 = arith.constant 256 : i32
    %add3A_17 = arith.addi %mul3A_15, %add3A_16 : i32
    %run_scoped3A_18 = arith.constant 0 : i32
    "tpu.region"() ({
      %run_scoped3A_238 = tpu.sem_alloc : memref<!tpu.dma_semaphore, #tpu.memory_space<semaphore_mem>>
      %dma_start3A_239 = arith.constant 0 : i32
      %dma_start3A_240 = arith.constant 0 : i32
      %dma_start3A_241 = tpu.memref_slice %arg8[%run_scoped3A_18, %dma_start3A_239, %dma_start3A_240] : memref<2x128x128xf32, #tpu.memory_space<vmem>> -> memref<1x128x128xf32, #tpu.memory_space<vmem>>
      %dma_start3A_242 = tpu.memref_squeeze %dma_start3A_241 : memref<1x128x128xf32, #tpu.memory_space<vmem>> -> memref<128x128xf32, #tpu.memory_space<vmem>>
      %dma_start3A_243 = arith.constant 0 : i32
      %dma_start3A_244 = tpu.memref_slice %arg9[%add3A_17, %dma_start3A_243] : memref<10240x128xf32, #tpu.memory_space<vmem_shared>> -> memref<128x128xf32, #tpu.memory_space<vmem_shared>>
      %dma_start3A_245 = arith.constant 0 : i32
      %dma_start3A_246 = tpu.memref_slice %arg9[%add3A_17, %dma_start3A_245] : memref<10240x128xf32, #tpu.memory_space<vmem_shared>> -> memref<128x128xf32, #tpu.memory_space<vmem_shared>>
      %dma_start3A_247 = arith.constant 0 : i32
      %dma_start3A_248 = arith.constant 0 : i32
      %dma_start3A_249 = tpu.memref_slice %arg8[%run_scoped3A_18, %dma_start3A_247, %dma_start3A_248] : memref<2x128x128xf32, #tpu.memory_space<vmem>> -> memref<1x128x128xf32, #tpu.memory_space<vmem>>
      %dma_start3A_250 = tpu.memref_squeeze %dma_start3A_249 : memref<1x128x128xf32, #tpu.memory_space<vmem>> -> memref<128x128xf32, #tpu.memory_space<vmem>>
      tpu.enqueue_dma source(%dma_start3A_250 : memref<128x128xf32, #tpu.memory_space<vmem>>) target(%dma_start3A_246 : memref<128x128xf32, #tpu.memory_space<vmem_shared>>) target_semaphore(%run_scoped3A_238 : memref<!tpu.dma_semaphore, #tpu.memory_space<semaphore_mem>>)
      %dma_wait3A_251 = arith.constant 0 : i32
      %dma_wait3A_252 = arith.constant 0 : i32
      %dma_wait3A_253 = tpu.memref_slice %arg8[%run_scoped3A_18, %dma_wait3A_251, %dma_wait3A_252] : memref<2x128x128xf32, #tpu.memory_space<vmem>> -> memref<1x128x128xf32, #tpu.memory_space<vmem>>
      %dma_wait3A_254 = tpu.memref_squeeze %dma_wait3A_253 : memref<1x128x128xf32, #tpu.memory_space<vmem>> -> memref<128x128xf32, #tpu.memory_space<vmem>>
      %dma_wait3A_255 = arith.constant 0 : i32
      %dma_wait3A_256 = tpu.memref_slice %arg9[%add3A_17, %dma_wait3A_255] : memref<10240x128xf32, #tpu.memory_space<vmem_shared>> -> memref<128x128xf32, #tpu.memory_space<vmem_shared>>
      %dma_wait3A_257 = arith.constant 0 : i32
      %dma_wait3A_258 = tpu.memref_slice %arg9[%add3A_17, %dma_wait3A_257] : memref<10240x128xf32, #tpu.memory_space<vmem_shared>> -> memref<128x128xf32, #tpu.memory_space<vmem_shared>>
      %dma_wait3A_259 = arith.constant 0 : i32
      %dma_wait3A_260 = arith.constant 0 : i32
      %dma_wait3A_261 = tpu.memref_slice %arg8[%run_scoped3A_18, %dma_wait3A_259, %dma_wait3A_260] : memref<2x128x128xf32, #tpu.memory_space<vmem>> -> memref<1x128x128xf32, #tpu.memory_space<vmem>>
      %dma_wait3A_262 = tpu.memref_squeeze %dma_wait3A_261 : memref<1x128x128xf32, #tpu.memory_space<vmem>> -> memref<128x128xf32, #tpu.memory_space<vmem>>
      tpu.wait_dma2 semaphore(%run_scoped3A_238 : memref<!tpu.dma_semaphore, #tpu.memory_space<semaphore_mem>>) src(%dma_wait3A_262 : memref<128x128xf32, #tpu.memory_space<vmem>>) dst(%dma_wait3A_258 : memref<128x128xf32, #tpu.memory_space<vmem_shared>>)
      tpu.yield
    }) : () -> ()
    %mul3A_19 = arith.constant 640 : i32
    %mul3A_20 = arith.muli %arg1, %mul3A_19 : i32
    %add3A_21 = arith.constant 384 : i32
    %add3A_22 = arith.addi %mul3A_20, %add3A_21 : i32
    %run_scoped3A_23 = arith.constant 0 : i32
    "tpu.region"() ({
      %run_scoped3A_238 = tpu.sem_alloc : memref<!tpu.dma_semaphore, #tpu.memory_space<semaphore_mem>>
      %dma_start3A_239 = arith.constant 0 : i32
      %dma_start3A_240 = arith.constant 0 : i32
      %dma_start3A_241 = tpu.memref_slice %arg8[%run_scoped3A_23, %dma_start3A_239, %dma_start3A_240] : memref<2x128x128xf32, #tpu.memory_space<vmem>> -> memref<1x128x128xf32, #tpu.memory_space<vmem>>
      %dma_start3A_242 = tpu.memref_squeeze %dma_start3A_241 : memref<1x128x128xf32, #tpu.memory_space<vmem>> -> memref<128x128xf32, #tpu.memory_space<vmem>>
      %dma_start3A_243 = arith.constant 0 : i32
      %dma_start3A_244 = tpu.memref_slice %arg9[%add3A_22, %dma_start3A_243] : memref<10240x128xf32, #tpu.memory_space<vmem_shared>> -> memref<128x128xf32, #tpu.memory_space<vmem_shared>>
      %dma_start3A_245 = arith.constant 0 : i32
      %dma_start3A_246 = tpu.memref_slice %arg9[%add3A_22, %dma_start3A_245] : memref<10240x128xf32, #tpu.memory_space<vmem_shared>> -> memref<128x128xf32, #tpu.memory_space<vmem_shared>>
      %dma_start3A_247 = arith.constant 0 : i32
      %dma_start3A_248 = arith.constant 0 : i32
      %dma_start3A_249 = tpu.memref_slice %arg8[%run_scoped3A_23, %dma_start3A_247, %dma_start3A_248] : memref<2x128x128xf32, #tpu.memory_space<vmem>> -> memref<1x128x128xf32, #tpu.memory_space<vmem>>
      %dma_start3A_250 = tpu.memref_squeeze %dma_start3A_249 : memref<1x128x128xf32, #tpu.memory_space<vmem>> -> memref<128x128xf32, #tpu.memory_space<vmem>>
      tpu.enqueue_dma source(%dma_start3A_250 : memref<128x128xf32, #tpu.memory_space<vmem>>) target(%dma_start3A_246 : memref<128x128xf32, #tpu.memory_space<vmem_shared>>) target_semaphore(%run_scoped3A_238 : memref<!tpu.dma_semaphore, #tpu.memory_space<semaphore_mem>>)
      %dma_wait3A_251 = arith.constant 0 : i32
      %dma_wait3A_252 = arith.constant 0 : i32
      %dma_wait3A_253 = tpu.memref_slice %arg8[%run_scoped3A_23, %dma_wait3A_251, %dma_wait3A_252] : memref<2x128x128xf32, #tpu.memory_space<vmem>> -> memref<1x128x128xf32, #tpu.memory_space<vmem>>
      %dma_wait3A_254 = tpu.memref_squeeze %dma_wait3A_253 : memref<1x128x128xf32, #tpu.memory_space<vmem>> -> memref<128x128xf32, #tpu.memory_space<vmem>>
      %dma_wait3A_255 = arith.constant 0 : i32
      %dma_wait3A_256 = tpu.memref_slice %arg9[%add3A_22, %dma_wait3A_255] : memref<10240x128xf32, #tpu.memory_space<vmem_shared>> -> memref<128x128xf32, #tpu.memory_space<vmem_shared>>
      %dma_wait3A_257 = arith.constant 0 : i32
      %dma_wait3A_258 = tpu.memref_slice %arg9[%add3A_22, %dma_wait3A_257] : memref<10240x128xf32, #tpu.memory_space<vmem_shared>> -> memref<128x128xf32, #tpu.memory_space<vmem_shared>>
      %dma_wait3A_259 = arith.constant 0 : i32
      %dma_wait3A_260 = arith.constant 0 : i32
      %dma_wait3A_261 = tpu.memref_slice %arg8[%run_scoped3A_23, %dma_wait3A_259, %dma_wait3A_260] : memref<2x128x128xf32, #tpu.memory_space<vmem>> -> memref<1x128x128xf32, #tpu.memory_space<vmem>>
      %dma_wait3A_262 = tpu.memref_squeeze %dma_wait3A_261 : memref<1x128x128xf32, #tpu.memory_space<vmem>> -> memref<128x128xf32, #tpu.memory_space<vmem>>
      tpu.wait_dma2 semaphore(%run_scoped3A_238 : memref<!tpu.dma_semaphore, #tpu.memory_space<semaphore_mem>>) src(%dma_wait3A_262 : memref<128x128xf32, #tpu.memory_space<vmem>>) dst(%dma_wait3A_258 : memref<128x128xf32, #tpu.memory_space<vmem_shared>>)
      tpu.yield
    }) : () -> ()
    %mul3A_24 = arith.constant 640 : i32
    %mul3A_25 = arith.muli %arg1, %mul3A_24 : i32
    %add3A_26 = arith.constant 512 : i32
    %add3A_27 = arith.addi %mul3A_25, %add3A_26 : i32
    %run_scoped3A_28 = arith.constant 0 : i32
    "tpu.region"() ({
      %run_scoped3A_238 = tpu.sem_alloc : memref<!tpu.dma_semaphore, #tpu.memory_space<semaphore_mem>>
      %dma_start3A_239 = arith.constant 0 : i32
      %dma_start3A_240 = arith.constant 0 : i32
      %dma_start3A_241 = tpu.memref_slice %arg8[%run_scoped3A_28, %dma_start3A_239, %dma_start3A_240] : memref<2x128x128xf32, #tpu.memory_space<vmem>> -> memref<1x128x128xf32, #tpu.memory_space<vmem>>
      %dma_start3A_242 = tpu.memref_squeeze %dma_start3A_241 : memref<1x128x128xf32, #tpu.memory_space<vmem>> -> memref<128x128xf32, #tpu.memory_space<vmem>>
      %dma_start3A_243 = arith.constant 0 : i32
      %dma_start3A_244 = tpu.memref_slice %arg9[%add3A_27, %dma_start3A_243] : memref<10240x128xf32, #tpu.memory_space<vmem_shared>> -> memref<128x128xf32, #tpu.memory_space<vmem_shared>>
      %dma_start3A_245 = arith.constant 0 : i32
      %dma_start3A_246 = tpu.memref_slice %arg9[%add3A_27, %dma_start3A_245] : memref<10240x128xf32, #tpu.memory_space<vmem_shared>> -> memref<128x128xf32, #tpu.memory_space<vmem_shared>>
      %dma_start3A_247 = arith.constant 0 : i32
      %dma_start3A_248 = arith.constant 0 : i32
      %dma_start3A_249 = tpu.memref_slice %arg8[%run_scoped3A_28, %dma_start3A_247, %dma_start3A_248] : memref<2x128x128xf32, #tpu.memory_space<vmem>> -> memref<1x128x128xf32, #tpu.memory_space<vmem>>
      %dma_start3A_250 = tpu.memref_squeeze %dma_start3A_249 : memref<1x128x128xf32, #tpu.memory_space<vmem>> -> memref<128x128xf32, #tpu.memory_space<vmem>>
      tpu.enqueue_dma source(%dma_start3A_250 : memref<128x128xf32, #tpu.memory_space<vmem>>) target(%dma_start3A_246 : memref<128x128xf32, #tpu.memory_space<vmem_shared>>) target_semaphore(%run_scoped3A_238 : memref<!tpu.dma_semaphore, #tpu.memory_space<semaphore_mem>>)
      %dma_wait3A_251 = arith.constant 0 : i32
      %dma_wait3A_252 = arith.constant 0 : i32
      %dma_wait3A_253 = tpu.memref_slice %arg8[%run_scoped3A_28, %dma_wait3A_251, %dma_wait3A_252] : memref<2x128x128xf32, #tpu.memory_space<vmem>> -> memref<1x128x128xf32, #tpu.memory_space<vmem>>
      %dma_wait3A_254 = tpu.memref_squeeze %dma_wait3A_253 : memref<1x128x128xf32, #tpu.memory_space<vmem>> -> memref<128x128xf32, #tpu.memory_space<vmem>>
      %dma_wait3A_255 = arith.constant 0 : i32
      %dma_wait3A_256 = tpu.memref_slice %arg9[%add3A_27, %dma_wait3A_255] : memref<10240x128xf32, #tpu.memory_space<vmem_shared>> -> memref<128x128xf32, #tpu.memory_space<vmem_shared>>
      %dma_wait3A_257 = arith.constant 0 : i32
      %dma_wait3A_258 = tpu.memref_slice %arg9[%add3A_27, %dma_wait3A_257] : memref<10240x128xf32, #tpu.memory_space<vmem_shared>> -> memref<128x128xf32, #tpu.memory_space<vmem_shared>>
      %dma_wait3A_259 = arith.constant 0 : i32
      %dma_wait3A_260 = arith.constant 0 : i32
      %dma_wait3A_261 = tpu.memref_slice %arg8[%run_scoped3A_28, %dma_wait3A_259, %dma_wait3A_260] : memref<2x128x128xf32, #tpu.memory_space<vmem>> -> memref<1x128x128xf32, #tpu.memory_space<vmem>>
      %dma_wait3A_262 = tpu.memref_squeeze %dma_wait3A_261 : memref<1x128x128xf32, #tpu.memory_space<vmem>> -> memref<128x128xf32, #tpu.memory_space<vmem>>
      tpu.wait_dma2 semaphore(%run_scoped3A_238 : memref<!tpu.dma_semaphore, #tpu.memory_space<semaphore_mem>>) src(%dma_wait3A_262 : memref<128x128xf32, #tpu.memory_space<vmem>>) dst(%dma_wait3A_258 : memref<128x128xf32, #tpu.memory_space<vmem_shared>>)
      tpu.yield
    }) : () -> ()
    %barrier3A = arith.constant 0 : index
    tpu.barrier barrier_id(%barrier3A)
    %run_scoped3A_29 = arith.constant 0 : i32
    "tpu.region"() ({
      %run_scoped3A_238 = tpu.sem_alloc : memref<!tpu.dma_semaphore, #tpu.memory_space<semaphore_mem>>
      %dma_start3A_239 = arith.constant 0 : i32
      %dma_start3A_240 = arith.constant 0 : i32
      %dma_start3A_241 = tpu.memref_slice %arg3[%add3A, %run_scoped3A_29, %dma_start3A_239, %dma_start3A_240] : memref<32x2x40x128xi32, #tpu.memory_space<hbm>> -> memref<1x1x40x128xi32, #tpu.memory_space<hbm>>
      %dma_start3A_242 = tpu.memref_squeeze %dma_start3A_241 : memref<1x1x40x128xi32, #tpu.memory_space<hbm>> -> memref<40x128xi32, #tpu.memory_space<hbm>>
      %dma_start3A_243 = arith.constant 0 : i32
      %dma_start3A_244 = arith.constant 0 : i32
      %dma_start3A_245 = tpu.memref_slice %arg3[%add3A, %run_scoped3A_29, %dma_start3A_243, %dma_start3A_244] : memref<32x2x40x128xi32, #tpu.memory_space<hbm>> -> memref<1x1x40x128xi32, #tpu.memory_space<hbm>>
      %dma_start3A_246 = tpu.memref_squeeze %dma_start3A_245 : memref<1x1x40x128xi32, #tpu.memory_space<hbm>> -> memref<40x128xi32, #tpu.memory_space<hbm>>
      tpu.enqueue_dma source(%dma_start3A_246 : memref<40x128xi32, #tpu.memory_space<hbm>>) target(%arg6 : memref<40x128xi32, #tpu.memory_space<vmem>>) target_semaphore(%run_scoped3A_238 : memref<!tpu.dma_semaphore, #tpu.memory_space<semaphore_mem>>)
      %dma_wait3A_247 = arith.constant 0 : i32
      %dma_wait3A_248 = arith.constant 0 : i32
      %dma_wait3A_249 = tpu.memref_slice %arg3[%add3A, %run_scoped3A_29, %dma_wait3A_247, %dma_wait3A_248] : memref<32x2x40x128xi32, #tpu.memory_space<hbm>> -> memref<1x1x40x128xi32, #tpu.memory_space<hbm>>
      %dma_wait3A_250 = tpu.memref_squeeze %dma_wait3A_249 : memref<1x1x40x128xi32, #tpu.memory_space<hbm>> -> memref<40x128xi32, #tpu.memory_space<hbm>>
      %dma_wait3A_251 = arith.constant 0 : i32
      %dma_wait3A_252 = arith.constant 0 : i32
      %dma_wait3A_253 = tpu.memref_slice %arg3[%add3A, %run_scoped3A_29, %dma_wait3A_251, %dma_wait3A_252] : memref<32x2x40x128xi32, #tpu.memory_space<hbm>> -> memref<1x1x40x128xi32, #tpu.memory_space<hbm>>
      %dma_wait3A_254 = tpu.memref_squeeze %dma_wait3A_253 : memref<1x1x40x128xi32, #tpu.memory_space<hbm>> -> memref<40x128xi32, #tpu.memory_space<hbm>>
      tpu.wait_dma2 semaphore(%run_scoped3A_238 : memref<!tpu.dma_semaphore, #tpu.memory_space<semaphore_mem>>) src(%dma_wait3A_254 : memref<40x128xi32, #tpu.memory_space<hbm>>) dst(%arg6 : memref<40x128xi32, #tpu.memory_space<vmem>>)
      tpu.yield
    }) : () -> ()
    %run_scoped3A_30 = arith.constant 0 : i32
    "tpu.region"() ({
      %run_scoped3A_238 = tpu.sem_alloc : memref<!tpu.dma_semaphore, #tpu.memory_space<semaphore_mem>>
      %dma_start3A_239 = arith.constant 0 : i32
      %dma_start3A_240 = arith.constant 0 : i32
      %dma_start3A_241 = tpu.memref_slice %arg4[%add3A, %run_scoped3A_30, %dma_start3A_239, %dma_start3A_240] : memref<32x2x40x128xi32, #tpu.memory_space<hbm>> -> memref<1x1x40x128xi32, #tpu.memory_space<hbm>>
      %dma_start3A_242 = tpu.memref_squeeze %dma_start3A_241 : memref<1x1x40x128xi32, #tpu.memory_space<hbm>> -> memref<40x128xi32, #tpu.memory_space<hbm>>
      %dma_start3A_243 = arith.constant 0 : i32
      %dma_start3A_244 = arith.constant 0 : i32
      %dma_start3A_245 = tpu.memref_slice %arg4[%add3A, %run_scoped3A_30, %dma_start3A_243, %dma_start3A_244] : memref<32x2x40x128xi32, #tpu.memory_space<hbm>> -> memref<1x1x40x128xi32, #tpu.memory_space<hbm>>
      %dma_start3A_246 = tpu.memref_squeeze %dma_start3A_245 : memref<1x1x40x128xi32, #tpu.memory_space<hbm>> -> memref<40x128xi32, #tpu.memory_space<hbm>>
      tpu.enqueue_dma source(%dma_start3A_246 : memref<40x128xi32, #tpu.memory_space<hbm>>) target(%arg7 : memref<40x128xi32, #tpu.memory_space<vmem>>) target_semaphore(%run_scoped3A_238 : memref<!tpu.dma_semaphore, #tpu.memory_space<semaphore_mem>>)
      %dma_wait3A_247 = arith.constant 0 : i32
      %dma_wait3A_248 = arith.constant 0 : i32
      %dma_wait3A_249 = tpu.memref_slice %arg4[%add3A, %run_scoped3A_30, %dma_wait3A_247, %dma_wait3A_248] : memref<32x2x40x128xi32, #tpu.memory_space<hbm>> -> memref<1x1x40x128xi32, #tpu.memory_space<hbm>>
      %dma_wait3A_250 = tpu.memref_squeeze %dma_wait3A_249 : memref<1x1x40x128xi32, #tpu.memory_space<hbm>> -> memref<40x128xi32, #tpu.memory_space<hbm>>
      %dma_wait3A_251 = arith.constant 0 : i32
      %dma_wait3A_252 = arith.constant 0 : i32
      %dma_wait3A_253 = tpu.memref_slice %arg4[%add3A, %run_scoped3A_30, %dma_wait3A_251, %dma_wait3A_252] : memref<32x2x40x128xi32, #tpu.memory_space<hbm>> -> memref<1x1x40x128xi32, #tpu.memory_space<hbm>>
      %dma_wait3A_254 = tpu.memref_squeeze %dma_wait3A_253 : memref<1x1x40x128xi32, #tpu.memory_space<hbm>> -> memref<40x128xi32, #tpu.memory_space<hbm>>
      tpu.wait_dma2 semaphore(%run_scoped3A_238 : memref<!tpu.dma_semaphore, #tpu.memory_space<semaphore_mem>>) src(%dma_wait3A_254 : memref<40x128xi32, #tpu.memory_space<hbm>>) dst(%arg7 : memref<40x128xi32, #tpu.memory_space<vmem>>)
      tpu.yield
    }) : () -> ()
    %dma_start3A = arith.constant 0 : i32
    %dma_start3A_31 = arith.constant 0 : i32
    %dma_start3A_32 = arith.constant 0 : i32
    %dma_start3A_33 = arith.constant 0 : i32
    %dma_start3A_34 = tpu.memref_slice %arg8[%dma_start3A_31, %dma_start3A_32, %dma_start3A_33] : memref<2x128x128xf32, #tpu.memory_space<vmem>> -> memref<1x128x128xf32, #tpu.memory_space<vmem>>
    %dma_start3A_35 = tpu.memref_squeeze %dma_start3A_34 : memref<1x128x128xf32, #tpu.memory_space<vmem>> -> memref<128x128xf32, #tpu.memory_space<vmem>>
    %dma_start3A_36 = arith.constant 0 : i32
    %dma_start3A_37 = tpu.memref_slice %arg6[%dma_start3A, %dma_start3A_36] : memref<40x128xi32, #tpu.memory_space<vmem>> -> memref<1x128xi32, #tpu.memory_space<vmem>>
    %dma_start3A_38 = tpu.memref_squeeze %dma_start3A_37 : memref<1x128xi32, #tpu.memory_space<vmem>> -> memref<128xi32, #tpu.memory_space<vmem>>
    %dma_start3A_39 = arith.constant 0 : i32
    %dma_start3A_40 = arith.constant 0 : i32
    %dma_start3A_41 = tpu.memref_slice %arg2[%dma_start3A_39, %dma_start3A_40] : memref<10000x128xf32, #tpu.memory_space<hbm>> -> memref<10000x128xf32, #tpu.memory_space<hbm>>
    tpu.enqueue_indirect_dma source(%dma_start3A_41 : memref<10000x128xf32, #tpu.memory_space<hbm>>) target(%dma_start3A_35 : memref<128x128xf32, #tpu.memory_space<vmem>>) offsets(%dma_start3A_38 : memref<128xi32, #tpu.memory_space<vmem>>) semaphore(%arg10 : memref<!tpu.dma_semaphore, #tpu.memory_space<semaphore_mem>>)
    %dma_start3A_42 = arith.constant 1 : i32
    %dma_start3A_43 = arith.constant 1 : i32
    %dma_start3A_44 = arith.constant 0 : i32
    %dma_start3A_45 = arith.constant 0 : i32
    %dma_start3A_46 = tpu.memref_slice %arg8[%dma_start3A_43, %dma_start3A_44, %dma_start3A_45] : memref<2x128x128xf32, #tpu.memory_space<vmem>> -> memref<1x128x128xf32, #tpu.memory_space<vmem>>
    %dma_start3A_47 = tpu.memref_squeeze %dma_start3A_46 : memref<1x128x128xf32, #tpu.memory_space<vmem>> -> memref<128x128xf32, #tpu.memory_space<vmem>>
    %dma_start3A_48 = arith.constant 0 : i32
    %dma_start3A_49 = tpu.memref_slice %arg6[%dma_start3A_42, %dma_start3A_48] : memref<40x128xi32, #tpu.memory_space<vmem>> -> memref<1x128xi32, #tpu.memory_space<vmem>>
    %dma_start3A_50 = tpu.memref_squeeze %dma_start3A_49 : memref<1x128xi32, #tpu.memory_space<vmem>> -> memref<128xi32, #tpu.memory_space<vmem>>
    %dma_start3A_51 = arith.constant 0 : i32
    %dma_start3A_52 = arith.constant 0 : i32
    %dma_start3A_53 = tpu.memref_slice %arg2[%dma_start3A_51, %dma_start3A_52] : memref<10000x128xf32, #tpu.memory_space<hbm>> -> memref<10000x128xf32, #tpu.memory_space<hbm>>
    tpu.enqueue_indirect_dma source(%dma_start3A_53 : memref<10000x128xf32, #tpu.memory_space<hbm>>) target(%dma_start3A_47 : memref<128x128xf32, #tpu.memory_space<vmem>>) offsets(%dma_start3A_50 : memref<128xi32, #tpu.memory_space<vmem>>) semaphore(%arg11 : memref<!tpu.dma_semaphore, #tpu.memory_space<semaphore_mem>>)
    %scan3A_54 = arith.constant 0 : i32
    %scan3A_55 = arith.constant 19 : i32
    %scan3A_56 = arith.addi %scan3A_54, %scan3A_55 : i32
    %scan3A_57 = arith.constant 1 : i32
    scf.for %scan3A_238 = %scan3A_54 to %scan3A_56 step %scan3A_57  : i32 {
      %mul3A_239 = arith.constant 1 : i32
      %mul3A_240 = arith.muli %scan3A_238, %mul3A_239 : i32
      %add3A_241 = arith.constant 0 : i32
      %add3A_242 = arith.addi %add3A_241, %mul3A_240 : i32
      %mul3A_243 = arith.constant 2 : i32
      %mul3A_244 = arith.muli %mul3A_243, %add3A_242 : i32
      %dma_wait3A_245 = arith.constant 0 : i32
      %dma_wait3A_246 = arith.constant 0 : i32
      %dma_wait3A_247 = arith.constant 0 : i32
      %dma_wait3A_248 = tpu.memref_slice %arg8[%dma_wait3A_245, %dma_wait3A_246, %dma_wait3A_247] : memref<2x128x128xf32, #tpu.memory_space<vmem>> -> memref<1x128x128xf32, #tpu.memory_space<vmem>>
      %dma_wait3A_249 = tpu.memref_squeeze %dma_wait3A_248 : memref<1x128x128xf32, #tpu.memory_space<vmem>> -> memref<128x128xf32, #tpu.memory_space<vmem>>
      %dma_wait3A_250 = arith.constant 0 : i32
      %dma_wait3A_251 = tpu.memref_slice %arg6[%mul3A_244, %dma_wait3A_250] : memref<40x128xi32, #tpu.memory_space<vmem>> -> memref<1x128xi32, #tpu.memory_space<vmem>>
      %dma_wait3A_252 = tpu.memref_squeeze %dma_wait3A_251 : memref<1x128xi32, #tpu.memory_space<vmem>> -> memref<128xi32, #tpu.memory_space<vmem>>
      %dma_wait3A_253 = arith.constant 0 : i32
      %dma_wait3A_254 = arith.constant 0 : i32
      %dma_wait3A_255 = tpu.memref_slice %arg2[%dma_wait3A_253, %dma_wait3A_254] : memref<10000x128xf32, #tpu.memory_space<hbm>> -> memref<10000x128xf32, #tpu.memory_space<hbm>>
      tpu.wait_indirect_dma semaphore(%arg10 : memref<!tpu.dma_semaphore, #tpu.memory_space<semaphore_mem>>) src(%dma_wait3A_255 : memref<10000x128xf32, #tpu.memory_space<hbm>>) dst(%dma_wait3A_249 : memref<128x128xf32, #tpu.memory_space<vmem>>)
      %dma_start3A_256 = arith.constant 0 : i32
      %dma_start3A_257 = arith.constant 0 : i32
      %dma_start3A_258 = arith.constant 0 : i32
      %dma_start3A_259 = tpu.memref_slice %arg8[%dma_start3A_256, %dma_start3A_257, %dma_start3A_258] : memref<2x128x128xf32, #tpu.memory_space<vmem>> -> memref<1x128x128xf32, #tpu.memory_space<vmem>>
      %dma_start3A_260 = tpu.memref_squeeze %dma_start3A_259 : memref<1x128x128xf32, #tpu.memory_space<vmem>> -> memref<128x128xf32, #tpu.memory_space<vmem>>
      %dma_start3A_261 = arith.constant 0 : i32
      %dma_start3A_262 = tpu.memref_slice %arg7[%mul3A_244, %dma_start3A_261] : memref<40x128xi32, #tpu.memory_space<vmem>> -> memref<1x128xi32, #tpu.memory_space<vmem>>
      %dma_start3A_263 = tpu.memref_squeeze %dma_start3A_262 : memref<1x128xi32, #tpu.memory_space<vmem>> -> memref<128xi32, #tpu.memory_space<vmem>>
      %dma_start3A_264 = arith.constant 0 : i32
      %dma_start3A_265 = arith.constant 0 : i32
      %dma_start3A_266 = tpu.memref_slice %arg9[%dma_start3A_264, %dma_start3A_265] : memref<10240x128xf32, #tpu.memory_space<vmem_shared>> -> memref<10240x128xf32, #tpu.memory_space<vmem_shared>>
      tpu.enqueue_indirect_dma source(%dma_start3A_260 : memref<128x128xf32, #tpu.memory_space<vmem>>) target(%dma_start3A_266 : memref<10240x128xf32, #tpu.memory_space<vmem_shared>>) offsets(%dma_start3A_263 : memref<128xi32, #tpu.memory_space<vmem>>) semaphore(%arg12 : memref<!tpu.dma_semaphore, #tpu.memory_space<semaphore_mem>>) {add = true}
      %dma_wait3A_267 = arith.constant 0 : i32
      %dma_wait3A_268 = arith.constant 0 : i32
      %dma_wait3A_269 = arith.constant 0 : i32
      %dma_wait3A_270 = tpu.memref_slice %arg8[%dma_wait3A_267, %dma_wait3A_268, %dma_wait3A_269] : memref<2x128x128xf32, #tpu.memory_space<vmem>> -> memref<1x128x128xf32, #tpu.memory_space<vmem>>
      %dma_wait3A_271 = tpu.memref_squeeze %dma_wait3A_270 : memref<1x128x128xf32, #tpu.memory_space<vmem>> -> memref<128x128xf32, #tpu.memory_space<vmem>>
      %dma_wait3A_272 = arith.constant 0 : i32
      %dma_wait3A_273 = tpu.memref_slice %arg7[%mul3A_244, %dma_wait3A_272] : memref<40x128xi32, #tpu.memory_space<vmem>> -> memref<1x128xi32, #tpu.memory_space<vmem>>
      %dma_wait3A_274 = tpu.memref_squeeze %dma_wait3A_273 : memref<1x128xi32, #tpu.memory_space<vmem>> -> memref<128xi32, #tpu.memory_space<vmem>>
      %dma_wait3A_275 = arith.constant 0 : i32
      %dma_wait3A_276 = arith.constant 0 : i32
      %dma_wait3A_277 = tpu.memref_slice %arg9[%dma_wait3A_275, %dma_wait3A_276] : memref<10240x128xf32, #tpu.memory_space<vmem_shared>> -> memref<10240x128xf32, #tpu.memory_space<vmem_shared>>
      tpu.wait_indirect_dma semaphore(%arg12 : memref<!tpu.dma_semaphore, #tpu.memory_space<semaphore_mem>>) src(%dma_wait3A_271 : memref<128x128xf32, #tpu.memory_space<vmem>>) dst(%dma_wait3A_277 : memref<10240x128xf32, #tpu.memory_space<vmem_shared>>)
      %add3A_278 = arith.constant 2 : i32
      %add3A_279 = arith.addi %mul3A_244, %add3A_278 : i32
      %dma_start3A_280 = arith.constant 0 : i32
      %dma_start3A_281 = arith.constant 0 : i32
      %dma_start3A_282 = arith.constant 0 : i32
      %dma_start3A_283 = tpu.memref_slice %arg8[%dma_start3A_280, %dma_start3A_281, %dma_start3A_282] : memref<2x128x128xf32, #tpu.memory_space<vmem>> -> memref<1x128x128xf32, #tpu.memory_space<vmem>>
      %dma_start3A_284 = tpu.memref_squeeze %dma_start3A_283 : memref<1x128x128xf32, #tpu.memory_space<vmem>> -> memref<128x128xf32, #tpu.memory_space<vmem>>
      %dma_start3A_285 = arith.constant 0 : i32
      %dma_start3A_286 = tpu.memref_slice %arg6[%add3A_279, %dma_start3A_285] : memref<40x128xi32, #tpu.memory_space<vmem>> -> memref<1x128xi32, #tpu.memory_space<vmem>>
      %dma_start3A_287 = tpu.memref_squeeze %dma_start3A_286 : memref<1x128xi32, #tpu.memory_space<vmem>> -> memref<128xi32, #tpu.memory_space<vmem>>
      %dma_start3A_288 = arith.constant 0 : i32
      %dma_start3A_289 = arith.constant 0 : i32
      %dma_start3A_290 = tpu.memref_slice %arg2[%dma_start3A_288, %dma_start3A_289] : memref<10000x128xf32, #tpu.memory_space<hbm>> -> memref<10000x128xf32, #tpu.memory_space<hbm>>
      tpu.enqueue_indirect_dma source(%dma_start3A_290 : memref<10000x128xf32, #tpu.memory_space<hbm>>) target(%dma_start3A_284 : memref<128x128xf32, #tpu.memory_space<vmem>>) offsets(%dma_start3A_287 : memref<128xi32, #tpu.memory_space<vmem>>) semaphore(%arg10 : memref<!tpu.dma_semaphore, #tpu.memory_space<semaphore_mem>>)
      %add3A_291 = arith.constant 1 : i32
      %add3A_292 = arith.addi %mul3A_244, %add3A_291 : i32
      %dma_wait3A_293 = arith.constant 1 : i32
      %dma_wait3A_294 = arith.constant 0 : i32
      %dma_wait3A_295 = arith.constant 0 : i32
      %dma_wait3A_296 = tpu.memref_slice %arg8[%dma_wait3A_293, %dma_wait3A_294, %dma_wait3A_295] : memref<2x128x128xf32, #tpu.memory_space<vmem>> -> memref<1x128x128xf32, #tpu.memory_space<vmem>>
      %dma_wait3A_297 = tpu.memref_squeeze %dma_wait3A_296 : memref<1x128x128xf32, #tpu.memory_space<vmem>> -> memref<128x128xf32, #tpu.memory_space<vmem>>
      %dma_wait3A_298 = arith.constant 0 : i32
      %dma_wait3A_299 = tpu.memref_slice %arg6[%add3A_292, %dma_wait3A_298] : memref<40x128xi32, #tpu.memory_space<vmem>> -> memref<1x128xi32, #tpu.memory_space<vmem>>
      %dma_wait3A_300 = tpu.memref_squeeze %dma_wait3A_299 : memref<1x128xi32, #tpu.memory_space<vmem>> -> memref<128xi32, #tpu.memory_space<vmem>>
      %dma_wait3A_301 = arith.constant 0 : i32
      %dma_wait3A_302 = arith.constant 0 : i32
      %dma_wait3A_303 = tpu.memref_slice %arg2[%dma_wait3A_301, %dma_wait3A_302] : memref<10000x128xf32, #tpu.memory_space<hbm>> -> memref<10000x128xf32, #tpu.memory_space<hbm>>
      tpu.wait_indirect_dma semaphore(%arg11 : memref<!tpu.dma_semaphore, #tpu.memory_space<semaphore_mem>>) src(%dma_wait3A_303 : memref<10000x128xf32, #tpu.memory_space<hbm>>) dst(%dma_wait3A_297 : memref<128x128xf32, #tpu.memory_space<vmem>>)
      %add3A_304 = arith.constant 1 : i32
      %add3A_305 = arith.addi %mul3A_244, %add3A_304 : i32
      %dma_start3A_306 = arith.constant 1 : i32
      %dma_start3A_307 = arith.constant 0 : i32
      %dma_start3A_308 = arith.constant 0 : i32
      %dma_start3A_309 = tpu.memref_slice %arg8[%dma_start3A_306, %dma_start3A_307, %dma_start3A_308] : memref<2x128x128xf32, #tpu.memory_space<vmem>> -> memref<1x128x128xf32, #tpu.memory_space<vmem>>
      %dma_start3A_310 = tpu.memref_squeeze %dma_start3A_309 : memref<1x128x128xf32, #tpu.memory_space<vmem>> -> memref<128x128xf32, #tpu.memory_space<vmem>>
      %dma_start3A_311 = arith.constant 0 : i32
      %dma_start3A_312 = tpu.memref_slice %arg7[%add3A_305, %dma_start3A_311] : memref<40x128xi32, #tpu.memory_space<vmem>> -> memref<1x128xi32, #tpu.memory_space<vmem>>
      %dma_start3A_313 = tpu.memref_squeeze %dma_start3A_312 : memref<1x128xi32, #tpu.memory_space<vmem>> -> memref<128xi32, #tpu.memory_space<vmem>>
      %dma_start3A_314 = arith.constant 0 : i32
      %dma_start3A_315 = arith.constant 0 : i32
      %dma_start3A_316 = tpu.memref_slice %arg9[%dma_start3A_314, %dma_start3A_315] : memref<10240x128xf32, #tpu.memory_space<vmem_shared>> -> memref<10240x128xf32, #tpu.memory_space<vmem_shared>>
      tpu.enqueue_indirect_dma source(%dma_start3A_310 : memref<128x128xf32, #tpu.memory_space<vmem>>) target(%dma_start3A_316 : memref<10240x128xf32, #tpu.memory_space<vmem_shared>>) offsets(%dma_start3A_313 : memref<128xi32, #tpu.memory_space<vmem>>) semaphore(%arg13 : memref<!tpu.dma_semaphore, #tpu.memory_space<semaphore_mem>>) {add = true}
      %add3A_317 = arith.constant 1 : i32
      %add3A_318 = arith.addi %mul3A_244, %add3A_317 : i32
      %dma_wait3A_319 = arith.constant 1 : i32
      %dma_wait3A_320 = arith.constant 0 : i32
      %dma_wait3A_321 = arith.constant 0 : i32
      %dma_wait3A_322 = tpu.memref_slice %arg8[%dma_wait3A_319, %dma_wait3A_320, %dma_wait3A_321] : memref<2x128x128xf32, #tpu.memory_space<vmem>> -> memref<1x128x128xf32, #tpu.memory_space<vmem>>
      %dma_wait3A_323 = tpu.memref_squeeze %dma_wait3A_322 : memref<1x128x128xf32, #tpu.memory_space<vmem>> -> memref<128x128xf32, #tpu.memory_space<vmem>>
      %dma_wait3A_324 = arith.constant 0 : i32
      %dma_wait3A_325 = tpu.memref_slice %arg7[%add3A_318, %dma_wait3A_324] : memref<40x128xi32, #tpu.memory_space<vmem>> -> memref<1x128xi32, #tpu.memory_space<vmem>>
      %dma_wait3A_326 = tpu.memref_squeeze %dma_wait3A_325 : memref<1x128xi32, #tpu.memory_space<vmem>> -> memref<128xi32, #tpu.memory_space<vmem>>
      %dma_wait3A_327 = arith.constant 0 : i32
      %dma_wait3A_328 = arith.constant 0 : i32
      %dma_wait3A_329 = tpu.memref_slice %arg9[%dma_wait3A_327, %dma_wait3A_328] : memref<10240x128xf32, #tpu.memory_space<vmem_shared>> -> memref<10240x128xf32, #tpu.memory_space<vmem_shared>>
      tpu.wait_indirect_dma semaphore(%arg13 : memref<!tpu.dma_semaphore, #tpu.memory_space<semaphore_mem>>) src(%dma_wait3A_323 : memref<128x128xf32, #tpu.memory_space<vmem>>) dst(%dma_wait3A_329 : memref<10240x128xf32, #tpu.memory_space<vmem_shared>>)
      %add3A_330 = arith.constant 3 : i32
      %add3A_331 = arith.addi %mul3A_244, %add3A_330 : i32
      %dma_start3A_332 = arith.constant 1 : i32
      %dma_start3A_333 = arith.constant 0 : i32
      %dma_start3A_334 = arith.constant 0 : i32
      %dma_start3A_335 = tpu.memref_slice %arg8[%dma_start3A_332, %dma_start3A_333, %dma_start3A_334] : memref<2x128x128xf32, #tpu.memory_space<vmem>> -> memref<1x128x128xf32, #tpu.memory_space<vmem>>
      %dma_start3A_336 = tpu.memref_squeeze %dma_start3A_335 : memref<1x128x128xf32, #tpu.memory_space<vmem>> -> memref<128x128xf32, #tpu.memory_space<vmem>>
      %dma_start3A_337 = arith.constant 0 : i32
      %dma_start3A_338 = tpu.memref_slice %arg6[%add3A_331, %dma_start3A_337] : memref<40x128xi32, #tpu.memory_space<vmem>> -> memref<1x128xi32, #tpu.memory_space<vmem>>
      %dma_start3A_339 = tpu.memref_squeeze %dma_start3A_338 : memref<1x128xi32, #tpu.memory_space<vmem>> -> memref<128xi32, #tpu.memory_space<vmem>>
      %dma_start3A_340 = arith.constant 0 : i32
      %dma_start3A_341 = arith.constant 0 : i32
      %dma_start3A_342 = tpu.memref_slice %arg2[%dma_start3A_340, %dma_start3A_341] : memref<10000x128xf32, #tpu.memory_space<hbm>> -> memref<10000x128xf32, #tpu.memory_space<hbm>>
      tpu.enqueue_indirect_dma source(%dma_start3A_342 : memref<10000x128xf32, #tpu.memory_space<hbm>>) target(%dma_start3A_336 : memref<128x128xf32, #tpu.memory_space<vmem>>) offsets(%dma_start3A_339 : memref<128xi32, #tpu.memory_space<vmem>>) semaphore(%arg11 : memref<!tpu.dma_semaphore, #tpu.memory_space<semaphore_mem>>)
    }
    %scan3A_58 = arith.constant 19 : i32
    %dma_wait3A = arith.constant 38 : i32
    %dma_wait3A_59 = arith.constant 0 : i32
    %dma_wait3A_60 = arith.constant 0 : i32
    %dma_wait3A_61 = arith.constant 0 : i32
    %dma_wait3A_62 = tpu.memref_slice %arg8[%dma_wait3A_59, %dma_wait3A_60, %dma_wait3A_61] : memref<2x128x128xf32, #tpu.memory_space<vmem>> -> memref<1x128x128xf32, #tpu.memory_space<vmem>>
    %dma_wait3A_63 = tpu.memref_squeeze %dma_wait3A_62 : memref<1x128x128xf32, #tpu.memory_space<vmem>> -> memref<128x128xf32, #tpu.memory_space<vmem>>
    %dma_wait3A_64 = arith.constant 0 : i32
    %dma_wait3A_65 = tpu.memref_slice %arg6[%dma_wait3A, %dma_wait3A_64] : memref<40x128xi32, #tpu.memory_space<vmem>> -> memref<1x128xi32, #tpu.memory_space<vmem>>
    %dma_wait3A_66 = tpu.memref_squeeze %dma_wait3A_65 : memref<1x128xi32, #tpu.memory_space<vmem>> -> memref<128xi32, #tpu.memory_space<vmem>>
    %dma_wait3A_67 = arith.constant 0 : i32
    %dma_wait3A_68 = arith.constant 0 : i32
    %dma_wait3A_69 = tpu.memref_slice %arg2[%dma_wait3A_67, %dma_wait3A_68] : memref<10000x128xf32, #tpu.memory_space<hbm>> -> memref<10000x128xf32, #tpu.memory_space<hbm>>
    tpu.wait_indirect_dma semaphore(%arg10 : memref<!tpu.dma_semaphore, #tpu.memory_space<semaphore_mem>>) src(%dma_wait3A_69 : memref<10000x128xf32, #tpu.memory_space<hbm>>) dst(%dma_wait3A_63 : memref<128x128xf32, #tpu.memory_space<vmem>>)
    %dma_start3A_70 = arith.constant 0 : i32
    %dma_start3A_71 = arith.constant 38 : i32
    %dma_start3A_72 = arith.constant 0 : i32
    %dma_start3A_73 = arith.constant 0 : i32
    %dma_start3A_74 = tpu.memref_slice %arg8[%dma_start3A_70, %dma_start3A_72, %dma_start3A_73] : memref<2x128x128xf32, #tpu.memory_space<vmem>> -> memref<1x128x128xf32, #tpu.memory_space<vmem>>
    %dma_start3A_75 = tpu.memref_squeeze %dma_start3A_74 : memref<1x128x128xf32, #tpu.memory_space<vmem>> -> memref<128x128xf32, #tpu.memory_space<vmem>>
    %dma_start3A_76 = arith.constant 0 : i32
    %dma_start3A_77 = tpu.memref_slice %arg7[%dma_start3A_71, %dma_start3A_76] : memref<40x128xi32, #tpu.memory_space<vmem>> -> memref<1x128xi32, #tpu.memory_space<vmem>>
    %dma_start3A_78 = tpu.memref_squeeze %dma_start3A_77 : memref<1x128xi32, #tpu.memory_space<vmem>> -> memref<128xi32, #tpu.memory_space<vmem>>
    %dma_start3A_79 = arith.constant 0 : i32
    %dma_start3A_80 = arith.constant 0 : i32
    %dma_start3A_81 = tpu.memref_slice %arg9[%dma_start3A_79, %dma_start3A_80] : memref<10240x128xf32, #tpu.memory_space<vmem_shared>> -> memref<10240x128xf32, #tpu.memory_space<vmem_shared>>
    tpu.enqueue_indirect_dma source(%dma_start3A_75 : memref<128x128xf32, #tpu.memory_space<vmem>>) target(%dma_start3A_81 : memref<10240x128xf32, #tpu.memory_space<vmem_shared>>) offsets(%dma_start3A_78 : memref<128xi32, #tpu.memory_space<vmem>>) semaphore(%arg12 : memref<!tpu.dma_semaphore, #tpu.memory_space<semaphore_mem>>) {add = true}
    %dma_wait3A_82 = arith.constant 0 : i32
    %dma_wait3A_83 = arith.constant 38 : i32
    %dma_wait3A_84 = arith.constant 0 : i32
    %dma_wait3A_85 = arith.constant 0 : i32
    %dma_wait3A_86 = tpu.memref_slice %arg8[%dma_wait3A_82, %dma_wait3A_84, %dma_wait3A_85] : memref<2x128x128xf32, #tpu.memory_space<vmem>> -> memref<1x128x128xf32, #tpu.memory_space<vmem>>
    %dma_wait3A_87 = tpu.memref_squeeze %dma_wait3A_86 : memref<1x128x128xf32, #tpu.memory_space<vmem>> -> memref<128x128xf32, #tpu.memory_space<vmem>>
    %dma_wait3A_88 = arith.constant 0 : i32
    %dma_wait3A_89 = tpu.memref_slice %arg7[%dma_wait3A_83, %dma_wait3A_88] : memref<40x128xi32, #tpu.memory_space<vmem>> -> memref<1x128xi32, #tpu.memory_space<vmem>>
    %dma_wait3A_90 = tpu.memref_squeeze %dma_wait3A_89 : memref<1x128xi32, #tpu.memory_space<vmem>> -> memref<128xi32, #tpu.memory_space<vmem>>
    %dma_wait3A_91 = arith.constant 0 : i32
    %dma_wait3A_92 = arith.constant 0 : i32
    %dma_wait3A_93 = tpu.memref_slice %arg9[%dma_wait3A_91, %dma_wait3A_92] : memref<10240x128xf32, #tpu.memory_space<vmem_shared>> -> memref<10240x128xf32, #tpu.memory_space<vmem_shared>>
    tpu.wait_indirect_dma semaphore(%arg12 : memref<!tpu.dma_semaphore, #tpu.memory_space<semaphore_mem>>) src(%dma_wait3A_87 : memref<128x128xf32, #tpu.memory_space<vmem>>) dst(%dma_wait3A_93 : memref<10240x128xf32, #tpu.memory_space<vmem_shared>>)
    %dma_wait3A_94 = arith.constant 39 : i32
    %dma_wait3A_95 = arith.constant 1 : i32
    %dma_wait3A_96 = arith.constant 0 : i32
    %dma_wait3A_97 = arith.constant 0 : i32
    %dma_wait3A_98 = tpu.memref_slice %arg8[%dma_wait3A_95, %dma_wait3A_96, %dma_wait3A_97] : memref<2x128x128xf32, #tpu.memory_space<vmem>> -> memref<1x128x128xf32, #tpu.memory_space<vmem>>
    %dma_wait3A_99 = tpu.memref_squeeze %dma_wait3A_98 : memref<1x128x128xf32, #tpu.memory_space<vmem>> -> memref<128x128xf32, #tpu.memory_space<vmem>>
    %dma_wait3A_100 = arith.constant 0 : i32
    %dma_wait3A_101 = tpu.memref_slice %arg6[%dma_wait3A_94, %dma_wait3A_100] : memref<40x128xi32, #tpu.memory_space<vmem>> -> memref<1x128xi32, #tpu.memory_space<vmem>>
    %dma_wait3A_102 = tpu.memref_squeeze %dma_wait3A_101 : memref<1x128xi32, #tpu.memory_space<vmem>> -> memref<128xi32, #tpu.memory_space<vmem>>
    %dma_wait3A_103 = arith.constant 0 : i32
    %dma_wait3A_104 = arith.constant 0 : i32
    %dma_wait3A_105 = tpu.memref_slice %arg2[%dma_wait3A_103, %dma_wait3A_104] : memref<10000x128xf32, #tpu.memory_space<hbm>> -> memref<10000x128xf32, #tpu.memory_space<hbm>>
    tpu.wait_indirect_dma semaphore(%arg11 : memref<!tpu.dma_semaphore, #tpu.memory_space<semaphore_mem>>) src(%dma_wait3A_105 : memref<10000x128xf32, #tpu.memory_space<hbm>>) dst(%dma_wait3A_99 : memref<128x128xf32, #tpu.memory_space<vmem>>)
    %dma_start3A_106 = arith.constant 1 : i32
    %dma_start3A_107 = arith.constant 39 : i32
    %dma_start3A_108 = arith.constant 0 : i32
    %dma_start3A_109 = arith.constant 0 : i32
    %dma_start3A_110 = tpu.memref_slice %arg8[%dma_start3A_106, %dma_start3A_108, %dma_start3A_109] : memref<2x128x128xf32, #tpu.memory_space<vmem>> -> memref<1x128x128xf32, #tpu.memory_space<vmem>>
    %dma_start3A_111 = tpu.memref_squeeze %dma_start3A_110 : memref<1x128x128xf32, #tpu.memory_space<vmem>> -> memref<128x128xf32, #tpu.memory_space<vmem>>
    %dma_start3A_112 = arith.constant 0 : i32
    %dma_start3A_113 = tpu.memref_slice %arg7[%dma_start3A_107, %dma_start3A_112] : memref<40x128xi32, #tpu.memory_space<vmem>> -> memref<1x128xi32, #tpu.memory_space<vmem>>
    %dma_start3A_114 = tpu.memref_squeeze %dma_start3A_113 : memref<1x128xi32, #tpu.memory_space<vmem>> -> memref<128xi32, #tpu.memory_space<vmem>>
    %dma_start3A_115 = arith.constant 0 : i32
    %dma_start3A_116 = arith.constant 0 : i32
    %dma_start3A_117 = tpu.memref_slice %arg9[%dma_start3A_115, %dma_start3A_116] : memref<10240x128xf32, #tpu.memory_space<vmem_shared>> -> memref<10240x128xf32, #tpu.memory_space<vmem_shared>>
    tpu.enqueue_indirect_dma source(%dma_start3A_111 : memref<128x128xf32, #tpu.memory_space<vmem>>) target(%dma_start3A_117 : memref<10240x128xf32, #tpu.memory_space<vmem_shared>>) offsets(%dma_start3A_114 : memref<128xi32, #tpu.memory_space<vmem>>) semaphore(%arg13 : memref<!tpu.dma_semaphore, #tpu.memory_space<semaphore_mem>>) {add = true}
    %dma_wait3A_118 = arith.constant 1 : i32
    %dma_wait3A_119 = arith.constant 39 : i32
    %dma_wait3A_120 = arith.constant 0 : i32
    %dma_wait3A_121 = arith.constant 0 : i32
    %dma_wait3A_122 = tpu.memref_slice %arg8[%dma_wait3A_118, %dma_wait3A_120, %dma_wait3A_121] : memref<2x128x128xf32, #tpu.memory_space<vmem>> -> memref<1x128x128xf32, #tpu.memory_space<vmem>>
    %dma_wait3A_123 = tpu.memref_squeeze %dma_wait3A_122 : memref<1x128x128xf32, #tpu.memory_space<vmem>> -> memref<128x128xf32, #tpu.memory_space<vmem>>
    %dma_wait3A_124 = arith.constant 0 : i32
    %dma_wait3A_125 = tpu.memref_slice %arg7[%dma_wait3A_119, %dma_wait3A_124] : memref<40x128xi32, #tpu.memory_space<vmem>> -> memref<1x128xi32, #tpu.memory_space<vmem>>
    %dma_wait3A_126 = tpu.memref_squeeze %dma_wait3A_125 : memref<1x128xi32, #tpu.memory_space<vmem>> -> memref<128xi32, #tpu.memory_space<vmem>>
    %dma_wait3A_127 = arith.constant 0 : i32
    %dma_wait3A_128 = arith.constant 0 : i32
    %dma_wait3A_129 = tpu.memref_slice %arg9[%dma_wait3A_127, %dma_wait3A_128] : memref<10240x128xf32, #tpu.memory_space<vmem_shared>> -> memref<10240x128xf32, #tpu.memory_space<vmem_shared>>
    tpu.wait_indirect_dma semaphore(%arg13 : memref<!tpu.dma_semaphore, #tpu.memory_space<semaphore_mem>>) src(%dma_wait3A_123 : memref<128x128xf32, #tpu.memory_space<vmem>>) dst(%dma_wait3A_129 : memref<10240x128xf32, #tpu.memory_space<vmem_shared>>)
    %run_scoped3A_130 = arith.constant 1 : i32
    "tpu.region"() ({
      %run_scoped3A_238 = tpu.sem_alloc : memref<!tpu.dma_semaphore, #tpu.memory_space<semaphore_mem>>
      %dma_start3A_239 = arith.constant 0 : i32
      %dma_start3A_240 = arith.constant 0 : i32
      %dma_start3A_241 = tpu.memref_slice %arg3[%add3A, %run_scoped3A_130, %dma_start3A_239, %dma_start3A_240] : memref<32x2x40x128xi32, #tpu.memory_space<hbm>> -> memref<1x1x40x128xi32, #tpu.memory_space<hbm>>
      %dma_start3A_242 = tpu.memref_squeeze %dma_start3A_241 : memref<1x1x40x128xi32, #tpu.memory_space<hbm>> -> memref<40x128xi32, #tpu.memory_space<hbm>>
      %dma_start3A_243 = arith.constant 0 : i32
      %dma_start3A_244 = arith.constant 0 : i32
      %dma_start3A_245 = tpu.memref_slice %arg3[%add3A, %run_scoped3A_130, %dma_start3A_243, %dma_start3A_244] : memref<32x2x40x128xi32, #tpu.memory_space<hbm>> -> memref<1x1x40x128xi32, #tpu.memory_space<hbm>>
      %dma_start3A_246 = tpu.memref_squeeze %dma_start3A_245 : memref<1x1x40x128xi32, #tpu.memory_space<hbm>> -> memref<40x128xi32, #tpu.memory_space<hbm>>
      tpu.enqueue_dma source(%dma_start3A_246 : memref<40x128xi32, #tpu.memory_space<hbm>>) target(%arg6 : memref<40x128xi32, #tpu.memory_space<vmem>>) target_semaphore(%run_scoped3A_238 : memref<!tpu.dma_semaphore, #tpu.memory_space<semaphore_mem>>)
      %dma_wait3A_247 = arith.constant 0 : i32
      %dma_wait3A_248 = arith.constant 0 : i32
      %dma_wait3A_249 = tpu.memref_slice %arg3[%add3A, %run_scoped3A_130, %dma_wait3A_247, %dma_wait3A_248] : memref<32x2x40x128xi32, #tpu.memory_space<hbm>> -> memref<1x1x40x128xi32, #tpu.memory_space<hbm>>
      %dma_wait3A_250 = tpu.memref_squeeze %dma_wait3A_249 : memref<1x1x40x128xi32, #tpu.memory_space<hbm>> -> memref<40x128xi32, #tpu.memory_space<hbm>>
      %dma_wait3A_251 = arith.constant 0 : i32
      %dma_wait3A_252 = arith.constant 0 : i32
      %dma_wait3A_253 = tpu.memref_slice %arg3[%add3A, %run_scoped3A_130, %dma_wait3A_251, %dma_wait3A_252] : memref<32x2x40x128xi32, #tpu.memory_space<hbm>> -> memref<1x1x40x128xi32, #tpu.memory_space<hbm>>
      %dma_wait3A_254 = tpu.memref_squeeze %dma_wait3A_253 : memref<1x1x40x128xi32, #tpu.memory_space<hbm>> -> memref<40x128xi32, #tpu.memory_space<hbm>>
      tpu.wait_dma2 semaphore(%run_scoped3A_238 : memref<!tpu.dma_semaphore, #tpu.memory_space<semaphore_mem>>) src(%dma_wait3A_254 : memref<40x128xi32, #tpu.memory_space<hbm>>) dst(%arg6 : memref<40x128xi32, #tpu.memory_space<vmem>>)
      tpu.yield
    }) : () -> ()
    %run_scoped3A_131 = arith.constant 1 : i32
    "tpu.region"() ({
      %run_scoped3A_238 = tpu.sem_alloc : memref<!tpu.dma_semaphore, #tpu.memory_space<semaphore_mem>>
      %dma_start3A_239 = arith.constant 0 : i32
      %dma_start3A_240 = arith.constant 0 : i32
      %dma_start3A_241 = tpu.memref_slice %arg4[%add3A, %run_scoped3A_131, %dma_start3A_239, %dma_start3A_240] : memref<32x2x40x128xi32, #tpu.memory_space<hbm>> -> memref<1x1x40x128xi32, #tpu.memory_space<hbm>>
      %dma_start3A_242 = tpu.memref_squeeze %dma_start3A_241 : memref<1x1x40x128xi32, #tpu.memory_space<hbm>> -> memref<40x128xi32, #tpu.memory_space<hbm>>
      %dma_start3A_243 = arith.constant 0 : i32
      %dma_start3A_244 = arith.constant 0 : i32
      %dma_start3A_245 = tpu.memref_slice %arg4[%add3A, %run_scoped3A_131, %dma_start3A_243, %dma_start3A_244] : memref<32x2x40x128xi32, #tpu.memory_space<hbm>> -> memref<1x1x40x128xi32, #tpu.memory_space<hbm>>
      %dma_start3A_246 = tpu.memref_squeeze %dma_start3A_245 : memref<1x1x40x128xi32, #tpu.memory_space<hbm>> -> memref<40x128xi32, #tpu.memory_space<hbm>>
      tpu.enqueue_dma source(%dma_start3A_246 : memref<40x128xi32, #tpu.memory_space<hbm>>) target(%arg7 : memref<40x128xi32, #tpu.memory_space<vmem>>) target_semaphore(%run_scoped3A_238 : memref<!tpu.dma_semaphore, #tpu.memory_space<semaphore_mem>>)
      %dma_wait3A_247 = arith.constant 0 : i32
      %dma_wait3A_248 = arith.constant 0 : i32
      %dma_wait3A_249 = tpu.memref_slice %arg4[%add3A, %run_scoped3A_131, %dma_wait3A_247, %dma_wait3A_248] : memref<32x2x40x128xi32, #tpu.memory_space<hbm>> -> memref<1x1x40x128xi32, #tpu.memory_space<hbm>>
      %dma_wait3A_250 = tpu.memref_squeeze %dma_wait3A_249 : memref<1x1x40x128xi32, #tpu.memory_space<hbm>> -> memref<40x128xi32, #tpu.memory_space<hbm>>
      %dma_wait3A_251 = arith.constant 0 : i32
      %dma_wait3A_252 = arith.constant 0 : i32
      %dma_wait3A_253 = tpu.memref_slice %arg4[%add3A, %run_scoped3A_131, %dma_wait3A_251, %dma_wait3A_252] : memref<32x2x40x128xi32, #tpu.memory_space<hbm>> -> memref<1x1x40x128xi32, #tpu.memory_space<hbm>>
      %dma_wait3A_254 = tpu.memref_squeeze %dma_wait3A_253 : memref<1x1x40x128xi32, #tpu.memory_space<hbm>> -> memref<40x128xi32, #tpu.memory_space<hbm>>
      tpu.wait_dma2 semaphore(%run_scoped3A_238 : memref<!tpu.dma_semaphore, #tpu.memory_space<semaphore_mem>>) src(%dma_wait3A_254 : memref<40x128xi32, #tpu.memory_space<hbm>>) dst(%arg7 : memref<40x128xi32, #tpu.memory_space<vmem>>)
      tpu.yield
    }) : () -> ()
    %dma_start3A_132 = arith.constant 0 : i32
    %dma_start3A_133 = arith.constant 0 : i32
    %dma_start3A_134 = arith.constant 0 : i32
    %dma_start3A_135 = arith.constant 0 : i32
    %dma_start3A_136 = tpu.memref_slice %arg8[%dma_start3A_133, %dma_start3A_134, %dma_start3A_135] : memref<2x128x128xf32, #tpu.memory_space<vmem>> -> memref<1x128x128xf32, #tpu.memory_space<vmem>>
    %dma_start3A_137 = tpu.memref_squeeze %dma_start3A_136 : memref<1x128x128xf32, #tpu.memory_space<vmem>> -> memref<128x128xf32, #tpu.memory_space<vmem>>
    %dma_start3A_138 = arith.constant 0 : i32
    %dma_start3A_139 = tpu.memref_slice %arg6[%dma_start3A_132, %dma_start3A_138] : memref<40x128xi32, #tpu.memory_space<vmem>> -> memref<1x128xi32, #tpu.memory_space<vmem>>
    %dma_start3A_140 = tpu.memref_squeeze %dma_start3A_139 : memref<1x128xi32, #tpu.memory_space<vmem>> -> memref<128xi32, #tpu.memory_space<vmem>>
    %dma_start3A_141 = arith.constant 0 : i32
    %dma_start3A_142 = arith.constant 0 : i32
    %dma_start3A_143 = tpu.memref_slice %arg2[%dma_start3A_141, %dma_start3A_142] : memref<10000x128xf32, #tpu.memory_space<hbm>> -> memref<10000x128xf32, #tpu.memory_space<hbm>>
    tpu.enqueue_indirect_dma source(%dma_start3A_143 : memref<10000x128xf32, #tpu.memory_space<hbm>>) target(%dma_start3A_137 : memref<128x128xf32, #tpu.memory_space<vmem>>) offsets(%dma_start3A_140 : memref<128xi32, #tpu.memory_space<vmem>>) semaphore(%arg10 : memref<!tpu.dma_semaphore, #tpu.memory_space<semaphore_mem>>)
    %dma_start3A_144 = arith.constant 1 : i32
    %dma_start3A_145 = arith.constant 1 : i32
    %dma_start3A_146 = arith.constant 0 : i32
    %dma_start3A_147 = arith.constant 0 : i32
    %dma_start3A_148 = tpu.memref_slice %arg8[%dma_start3A_145, %dma_start3A_146, %dma_start3A_147] : memref<2x128x128xf32, #tpu.memory_space<vmem>> -> memref<1x128x128xf32, #tpu.memory_space<vmem>>
    %dma_start3A_149 = tpu.memref_squeeze %dma_start3A_148 : memref<1x128x128xf32, #tpu.memory_space<vmem>> -> memref<128x128xf32, #tpu.memory_space<vmem>>
    %dma_start3A_150 = arith.constant 0 : i32
    %dma_start3A_151 = tpu.memref_slice %arg6[%dma_start3A_144, %dma_start3A_150] : memref<40x128xi32, #tpu.memory_space<vmem>> -> memref<1x128xi32, #tpu.memory_space<vmem>>
    %dma_start3A_152 = tpu.memref_squeeze %dma_start3A_151 : memref<1x128xi32, #tpu.memory_space<vmem>> -> memref<128xi32, #tpu.memory_space<vmem>>
    %dma_start3A_153 = arith.constant 0 : i32
    %dma_start3A_154 = arith.constant 0 : i32
    %dma_start3A_155 = tpu.memref_slice %arg2[%dma_start3A_153, %dma_start3A_154] : memref<10000x128xf32, #tpu.memory_space<hbm>> -> memref<10000x128xf32, #tpu.memory_space<hbm>>
    tpu.enqueue_indirect_dma source(%dma_start3A_155 : memref<10000x128xf32, #tpu.memory_space<hbm>>) target(%dma_start3A_149 : memref<128x128xf32, #tpu.memory_space<vmem>>) offsets(%dma_start3A_152 : memref<128xi32, #tpu.memory_space<vmem>>) semaphore(%arg11 : memref<!tpu.dma_semaphore, #tpu.memory_space<semaphore_mem>>)
    %scan3A_156 = arith.constant 0 : i32
    %scan3A_157 = arith.constant 19 : i32
    %scan3A_158 = arith.addi %scan3A_156, %scan3A_157 : i32
    %scan3A_159 = arith.constant 1 : i32
    scf.for %scan3A_238 = %scan3A_156 to %scan3A_158 step %scan3A_159  : i32 {
      %mul3A_239 = arith.constant 1 : i32
      %mul3A_240 = arith.muli %scan3A_238, %mul3A_239 : i32
      %add3A_241 = arith.constant 0 : i32
      %add3A_242 = arith.addi %add3A_241, %mul3A_240 : i32
      %mul3A_243 = arith.constant 2 : i32
      %mul3A_244 = arith.muli %mul3A_243, %add3A_242 : i32
      %dma_wait3A_245 = arith.constant 0 : i32
      %dma_wait3A_246 = arith.constant 0 : i32
      %dma_wait3A_247 = arith.constant 0 : i32
      %dma_wait3A_248 = tpu.memref_slice %arg8[%dma_wait3A_245, %dma_wait3A_246, %dma_wait3A_247] : memref<2x128x128xf32, #tpu.memory_space<vmem>> -> memref<1x128x128xf32, #tpu.memory_space<vmem>>
      %dma_wait3A_249 = tpu.memref_squeeze %dma_wait3A_248 : memref<1x128x128xf32, #tpu.memory_space<vmem>> -> memref<128x128xf32, #tpu.memory_space<vmem>>
      %dma_wait3A_250 = arith.constant 0 : i32
      %dma_wait3A_251 = tpu.memref_slice %arg6[%mul3A_244, %dma_wait3A_250] : memref<40x128xi32, #tpu.memory_space<vmem>> -> memref<1x128xi32, #tpu.memory_space<vmem>>
      %dma_wait3A_252 = tpu.memref_squeeze %dma_wait3A_251 : memref<1x128xi32, #tpu.memory_space<vmem>> -> memref<128xi32, #tpu.memory_space<vmem>>
      %dma_wait3A_253 = arith.constant 0 : i32
      %dma_wait3A_254 = arith.constant 0 : i32
      %dma_wait3A_255 = tpu.memref_slice %arg2[%dma_wait3A_253, %dma_wait3A_254] : memref<10000x128xf32, #tpu.memory_space<hbm>> -> memref<10000x128xf32, #tpu.memory_space<hbm>>
      tpu.wait_indirect_dma semaphore(%arg10 : memref<!tpu.dma_semaphore, #tpu.memory_space<semaphore_mem>>) src(%dma_wait3A_255 : memref<10000x128xf32, #tpu.memory_space<hbm>>) dst(%dma_wait3A_249 : memref<128x128xf32, #tpu.memory_space<vmem>>)
      %dma_start3A_256 = arith.constant 0 : i32
      %dma_start3A_257 = arith.constant 0 : i32
      %dma_start3A_258 = arith.constant 0 : i32
      %dma_start3A_259 = tpu.memref_slice %arg8[%dma_start3A_256, %dma_start3A_257, %dma_start3A_258] : memref<2x128x128xf32, #tpu.memory_space<vmem>> -> memref<1x128x128xf32, #tpu.memory_space<vmem>>
      %dma_start3A_260 = tpu.memref_squeeze %dma_start3A_259 : memref<1x128x128xf32, #tpu.memory_space<vmem>> -> memref<128x128xf32, #tpu.memory_space<vmem>>
      %dma_start3A_261 = arith.constant 0 : i32
      %dma_start3A_262 = tpu.memref_slice %arg7[%mul3A_244, %dma_start3A_261] : memref<40x128xi32, #tpu.memory_space<vmem>> -> memref<1x128xi32, #tpu.memory_space<vmem>>
      %dma_start3A_263 = tpu.memref_squeeze %dma_start3A_262 : memref<1x128xi32, #tpu.memory_space<vmem>> -> memref<128xi32, #tpu.memory_space<vmem>>
      %dma_start3A_264 = arith.constant 0 : i32
      %dma_start3A_265 = arith.constant 0 : i32
      %dma_start3A_266 = tpu.memref_slice %arg9[%dma_start3A_264, %dma_start3A_265] : memref<10240x128xf32, #tpu.memory_space<vmem_shared>> -> memref<10240x128xf32, #tpu.memory_space<vmem_shared>>
      tpu.enqueue_indirect_dma source(%dma_start3A_260 : memref<128x128xf32, #tpu.memory_space<vmem>>) target(%dma_start3A_266 : memref<10240x128xf32, #tpu.memory_space<vmem_shared>>) offsets(%dma_start3A_263 : memref<128xi32, #tpu.memory_space<vmem>>) semaphore(%arg12 : memref<!tpu.dma_semaphore, #tpu.memory_space<semaphore_mem>>) {add = true}
      %dma_wait3A_267 = arith.constant 0 : i32
      %dma_wait3A_268 = arith.constant 0 : i32
      %dma_wait3A_269 = arith.constant 0 : i32
      %dma_wait3A_270 = tpu.memref_slice %arg8[%dma_wait3A_267, %dma_wait3A_268, %dma_wait3A_269] : memref<2x128x128xf32, #tpu.memory_space<vmem>> -> memref<1x128x128xf32, #tpu.memory_space<vmem>>
      %dma_wait3A_271 = tpu.memref_squeeze %dma_wait3A_270 : memref<1x128x128xf32, #tpu.memory_space<vmem>> -> memref<128x128xf32, #tpu.memory_space<vmem>>
      %dma_wait3A_272 = arith.constant 0 : i32
      %dma_wait3A_273 = tpu.memref_slice %arg7[%mul3A_244, %dma_wait3A_272] : memref<40x128xi32, #tpu.memory_space<vmem>> -> memref<1x128xi32, #tpu.memory_space<vmem>>
      %dma_wait3A_274 = tpu.memref_squeeze %dma_wait3A_273 : memref<1x128xi32, #tpu.memory_space<vmem>> -> memref<128xi32, #tpu.memory_space<vmem>>
      %dma_wait3A_275 = arith.constant 0 : i32
      %dma_wait3A_276 = arith.constant 0 : i32
      %dma_wait3A_277 = tpu.memref_slice %arg9[%dma_wait3A_275, %dma_wait3A_276] : memref<10240x128xf32, #tpu.memory_space<vmem_shared>> -> memref<10240x128xf32, #tpu.memory_space<vmem_shared>>
      tpu.wait_indirect_dma semaphore(%arg12 : memref<!tpu.dma_semaphore, #tpu.memory_space<semaphore_mem>>) src(%dma_wait3A_271 : memref<128x128xf32, #tpu.memory_space<vmem>>) dst(%dma_wait3A_277 : memref<10240x128xf32, #tpu.memory_space<vmem_shared>>)
      %add3A_278 = arith.constant 2 : i32
      %add3A_279 = arith.addi %mul3A_244, %add3A_278 : i32
      %dma_start3A_280 = arith.constant 0 : i32
      %dma_start3A_281 = arith.constant 0 : i32
      %dma_start3A_282 = arith.constant 0 : i32
      %dma_start3A_283 = tpu.memref_slice %arg8[%dma_start3A_280, %dma_start3A_281, %dma_start3A_282] : memref<2x128x128xf32, #tpu.memory_space<vmem>> -> memref<1x128x128xf32, #tpu.memory_space<vmem>>
      %dma_start3A_284 = tpu.memref_squeeze %dma_start3A_283 : memref<1x128x128xf32, #tpu.memory_space<vmem>> -> memref<128x128xf32, #tpu.memory_space<vmem>>
      %dma_start3A_285 = arith.constant 0 : i32
      %dma_start3A_286 = tpu.memref_slice %arg6[%add3A_279, %dma_start3A_285] : memref<40x128xi32, #tpu.memory_space<vmem>> -> memref<1x128xi32, #tpu.memory_space<vmem>>
      %dma_start3A_287 = tpu.memref_squeeze %dma_start3A_286 : memref<1x128xi32, #tpu.memory_space<vmem>> -> memref<128xi32, #tpu.memory_space<vmem>>
      %dma_start3A_288 = arith.constant 0 : i32
      %dma_start3A_289 = arith.constant 0 : i32
      %dma_start3A_290 = tpu.memref_slice %arg2[%dma_start3A_288, %dma_start3A_289] : memref<10000x128xf32, #tpu.memory_space<hbm>> -> memref<10000x128xf32, #tpu.memory_space<hbm>>
      tpu.enqueue_indirect_dma source(%dma_start3A_290 : memref<10000x128xf32, #tpu.memory_space<hbm>>) target(%dma_start3A_284 : memref<128x128xf32, #tpu.memory_space<vmem>>) offsets(%dma_start3A_287 : memref<128xi32, #tpu.memory_space<vmem>>) semaphore(%arg10 : memref<!tpu.dma_semaphore, #tpu.memory_space<semaphore_mem>>)
      %add3A_291 = arith.constant 1 : i32
      %add3A_292 = arith.addi %mul3A_244, %add3A_291 : i32
      %dma_wait3A_293 = arith.constant 1 : i32
      %dma_wait3A_294 = arith.constant 0 : i32
      %dma_wait3A_295 = arith.constant 0 : i32
      %dma_wait3A_296 = tpu.memref_slice %arg8[%dma_wait3A_293, %dma_wait3A_294, %dma_wait3A_295] : memref<2x128x128xf32, #tpu.memory_space<vmem>> -> memref<1x128x128xf32, #tpu.memory_space<vmem>>
      %dma_wait3A_297 = tpu.memref_squeeze %dma_wait3A_296 : memref<1x128x128xf32, #tpu.memory_space<vmem>> -> memref<128x128xf32, #tpu.memory_space<vmem>>
      %dma_wait3A_298 = arith.constant 0 : i32
      %dma_wait3A_299 = tpu.memref_slice %arg6[%add3A_292, %dma_wait3A_298] : memref<40x128xi32, #tpu.memory_space<vmem>> -> memref<1x128xi32, #tpu.memory_space<vmem>>
      %dma_wait3A_300 = tpu.memref_squeeze %dma_wait3A_299 : memref<1x128xi32, #tpu.memory_space<vmem>> -> memref<128xi32, #tpu.memory_space<vmem>>
      %dma_wait3A_301 = arith.constant 0 : i32
      %dma_wait3A_302 = arith.constant 0 : i32
      %dma_wait3A_303 = tpu.memref_slice %arg2[%dma_wait3A_301, %dma_wait3A_302] : memref<10000x128xf32, #tpu.memory_space<hbm>> -> memref<10000x128xf32, #tpu.memory_space<hbm>>
      tpu.wait_indirect_dma semaphore(%arg11 : memref<!tpu.dma_semaphore, #tpu.memory_space<semaphore_mem>>) src(%dma_wait3A_303 : memref<10000x128xf32, #tpu.memory_space<hbm>>) dst(%dma_wait3A_297 : memref<128x128xf32, #tpu.memory_space<vmem>>)
      %add3A_304 = arith.constant 1 : i32
      %add3A_305 = arith.addi %mul3A_244, %add3A_304 : i32
      %dma_start3A_306 = arith.constant 1 : i32
      %dma_start3A_307 = arith.constant 0 : i32
      %dma_start3A_308 = arith.constant 0 : i32
      %dma_start3A_309 = tpu.memref_slice %arg8[%dma_start3A_306, %dma_start3A_307, %dma_start3A_308] : memref<2x128x128xf32, #tpu.memory_space<vmem>> -> memref<1x128x128xf32, #tpu.memory_space<vmem>>
      %dma_start3A_310 = tpu.memref_squeeze %dma_start3A_309 : memref<1x128x128xf32, #tpu.memory_space<vmem>> -> memref<128x128xf32, #tpu.memory_space<vmem>>
      %dma_start3A_311 = arith.constant 0 : i32
      %dma_start3A_312 = tpu.memref_slice %arg7[%add3A_305, %dma_start3A_311] : memref<40x128xi32, #tpu.memory_space<vmem>> -> memref<1x128xi32, #tpu.memory_space<vmem>>
      %dma_start3A_313 = tpu.memref_squeeze %dma_start3A_312 : memref<1x128xi32, #tpu.memory_space<vmem>> -> memref<128xi32, #tpu.memory_space<vmem>>
      %dma_start3A_314 = arith.constant 0 : i32
      %dma_start3A_315 = arith.constant 0 : i32
      %dma_start3A_316 = tpu.memref_slice %arg9[%dma_start3A_314, %dma_start3A_315] : memref<10240x128xf32, #tpu.memory_space<vmem_shared>> -> memref<10240x128xf32, #tpu.memory_space<vmem_shared>>
      tpu.enqueue_indirect_dma source(%dma_start3A_310 : memref<128x128xf32, #tpu.memory_space<vmem>>) target(%dma_start3A_316 : memref<10240x128xf32, #tpu.memory_space<vmem_shared>>) offsets(%dma_start3A_313 : memref<128xi32, #tpu.memory_space<vmem>>) semaphore(%arg13 : memref<!tpu.dma_semaphore, #tpu.memory_space<semaphore_mem>>) {add = true}
      %add3A_317 = arith.constant 1 : i32
      %add3A_318 = arith.addi %mul3A_244, %add3A_317 : i32
      %dma_wait3A_319 = arith.constant 1 : i32
      %dma_wait3A_320 = arith.constant 0 : i32
      %dma_wait3A_321 = arith.constant 0 : i32
      %dma_wait3A_322 = tpu.memref_slice %arg8[%dma_wait3A_319, %dma_wait3A_320, %dma_wait3A_321] : memref<2x128x128xf32, #tpu.memory_space<vmem>> -> memref<1x128x128xf32, #tpu.memory_space<vmem>>
      %dma_wait3A_323 = tpu.memref_squeeze %dma_wait3A_322 : memref<1x128x128xf32, #tpu.memory_space<vmem>> -> memref<128x128xf32, #tpu.memory_space<vmem>>
      %dma_wait3A_324 = arith.constant 0 : i32
      %dma_wait3A_325 = tpu.memref_slice %arg7[%add3A_318, %dma_wait3A_324] : memref<40x128xi32, #tpu.memory_space<vmem>> -> memref<1x128xi32, #tpu.memory_space<vmem>>
      %dma_wait3A_326 = tpu.memref_squeeze %dma_wait3A_325 : memref<1x128xi32, #tpu.memory_space<vmem>> -> memref<128xi32, #tpu.memory_space<vmem>>
      %dma_wait3A_327 = arith.constant 0 : i32
      %dma_wait3A_328 = arith.constant 0 : i32
      %dma_wait3A_329 = tpu.memref_slice %arg9[%dma_wait3A_327, %dma_wait3A_328] : memref<10240x128xf32, #tpu.memory_space<vmem_shared>> -> memref<10240x128xf32, #tpu.memory_space<vmem_shared>>
      tpu.wait_indirect_dma semaphore(%arg13 : memref<!tpu.dma_semaphore, #tpu.memory_space<semaphore_mem>>) src(%dma_wait3A_323 : memref<128x128xf32, #tpu.memory_space<vmem>>) dst(%dma_wait3A_329 : memref<10240x128xf32, #tpu.memory_space<vmem_shared>>)
      %add3A_330 = arith.constant 3 : i32
      %add3A_331 = arith.addi %mul3A_244, %add3A_330 : i32
      %dma_start3A_332 = arith.constant 1 : i32
      %dma_start3A_333 = arith.constant 0 : i32
      %dma_start3A_334 = arith.constant 0 : i32
      %dma_start3A_335 = tpu.memref_slice %arg8[%dma_start3A_332, %dma_start3A_333, %dma_start3A_334] : memref<2x128x128xf32, #tpu.memory_space<vmem>> -> memref<1x128x128xf32, #tpu.memory_space<vmem>>
      %dma_start3A_336 = tpu.memref_squeeze %dma_start3A_335 : memref<1x128x128xf32, #tpu.memory_space<vmem>> -> memref<128x128xf32, #tpu.memory_space<vmem>>
      %dma_start3A_337 = arith.constant 0 : i32
      %dma_start3A_338 = tpu.memref_slice %arg6[%add3A_331, %dma_start3A_337] : memref<40x128xi32, #tpu.memory_space<vmem>> -> memref<1x128xi32, #tpu.memory_space<vmem>>
      %dma_start3A_339 = tpu.memref_squeeze %dma_start3A_338 : memref<1x128xi32, #tpu.memory_space<vmem>> -> memref<128xi32, #tpu.memory_space<vmem>>
      %dma_start3A_340 = arith.constant 0 : i32
      %dma_start3A_341 = arith.constant 0 : i32
      %dma_start3A_342 = tpu.memref_slice %arg2[%dma_start3A_340, %dma_start3A_341] : memref<10000x128xf32, #tpu.memory_space<hbm>> -> memref<10000x128xf32, #tpu.memory_space<hbm>>
      tpu.enqueue_indirect_dma source(%dma_start3A_342 : memref<10000x128xf32, #tpu.memory_space<hbm>>) target(%dma_start3A_336 : memref<128x128xf32, #tpu.memory_space<vmem>>) offsets(%dma_start3A_339 : memref<128xi32, #tpu.memory_space<vmem>>) semaphore(%arg11 : memref<!tpu.dma_semaphore, #tpu.memory_space<semaphore_mem>>)
    }
    %scan3A_160 = arith.constant 19 : i32
    %dma_wait3A_161 = arith.constant 38 : i32
    %dma_wait3A_162 = arith.constant 0 : i32
    %dma_wait3A_163 = arith.constant 0 : i32
    %dma_wait3A_164 = arith.constant 0 : i32
    %dma_wait3A_165 = tpu.memref_slice %arg8[%dma_wait3A_162, %dma_wait3A_163, %dma_wait3A_164] : memref<2x128x128xf32, #tpu.memory_space<vmem>> -> memref<1x128x128xf32, #tpu.memory_space<vmem>>
    %dma_wait3A_166 = tpu.memref_squeeze %dma_wait3A_165 : memref<1x128x128xf32, #tpu.memory_space<vmem>> -> memref<128x128xf32, #tpu.memory_space<vmem>>
    %dma_wait3A_167 = arith.constant 0 : i32
    %dma_wait3A_168 = tpu.memref_slice %arg6[%dma_wait3A_161, %dma_wait3A_167] : memref<40x128xi32, #tpu.memory_space<vmem>> -> memref<1x128xi32, #tpu.memory_space<vmem>>
    %dma_wait3A_169 = tpu.memref_squeeze %dma_wait3A_168 : memref<1x128xi32, #tpu.memory_space<vmem>> -> memref<128xi32, #tpu.memory_space<vmem>>
    %dma_wait3A_170 = arith.constant 0 : i32
    %dma_wait3A_171 = arith.constant 0 : i32
    %dma_wait3A_172 = tpu.memref_slice %arg2[%dma_wait3A_170, %dma_wait3A_171] : memref<10000x128xf32, #tpu.memory_space<hbm>> -> memref<10000x128xf32, #tpu.memory_space<hbm>>
    tpu.wait_indirect_dma semaphore(%arg10 : memref<!tpu.dma_semaphore, #tpu.memory_space<semaphore_mem>>) src(%dma_wait3A_172 : memref<10000x128xf32, #tpu.memory_space<hbm>>) dst(%dma_wait3A_166 : memref<128x128xf32, #tpu.memory_space<vmem>>)
    %dma_start3A_173 = arith.constant 0 : i32
    %dma_start3A_174 = arith.constant 38 : i32
    %dma_start3A_175 = arith.constant 0 : i32
    %dma_start3A_176 = arith.constant 0 : i32
    %dma_start3A_177 = tpu.memref_slice %arg8[%dma_start3A_173, %dma_start3A_175, %dma_start3A_176] : memref<2x128x128xf32, #tpu.memory_space<vmem>> -> memref<1x128x128xf32, #tpu.memory_space<vmem>>
    %dma_start3A_178 = tpu.memref_squeeze %dma_start3A_177 : memref<1x128x128xf32, #tpu.memory_space<vmem>> -> memref<128x128xf32, #tpu.memory_space<vmem>>
    %dma_start3A_179 = arith.constant 0 : i32
    %dma_start3A_180 = tpu.memref_slice %arg7[%dma_start3A_174, %dma_start3A_179] : memref<40x128xi32, #tpu.memory_space<vmem>> -> memref<1x128xi32, #tpu.memory_space<vmem>>
    %dma_start3A_181 = tpu.memref_squeeze %dma_start3A_180 : memref<1x128xi32, #tpu.memory_space<vmem>> -> memref<128xi32, #tpu.memory_space<vmem>>
    %dma_start3A_182 = arith.constant 0 : i32
    %dma_start3A_183 = arith.constant 0 : i32
    %dma_start3A_184 = tpu.memref_slice %arg9[%dma_start3A_182, %dma_start3A_183] : memref<10240x128xf32, #tpu.memory_space<vmem_shared>> -> memref<10240x128xf32, #tpu.memory_space<vmem_shared>>
    tpu.enqueue_indirect_dma source(%dma_start3A_178 : memref<128x128xf32, #tpu.memory_space<vmem>>) target(%dma_start3A_184 : memref<10240x128xf32, #tpu.memory_space<vmem_shared>>) offsets(%dma_start3A_181 : memref<128xi32, #tpu.memory_space<vmem>>) semaphore(%arg12 : memref<!tpu.dma_semaphore, #tpu.memory_space<semaphore_mem>>) {add = true}
    %dma_wait3A_185 = arith.constant 0 : i32
    %dma_wait3A_186 = arith.constant 38 : i32
    %dma_wait3A_187 = arith.constant 0 : i32
    %dma_wait3A_188 = arith.constant 0 : i32
    %dma_wait3A_189 = tpu.memref_slice %arg8[%dma_wait3A_185, %dma_wait3A_187, %dma_wait3A_188] : memref<2x128x128xf32, #tpu.memory_space<vmem>> -> memref<1x128x128xf32, #tpu.memory_space<vmem>>
    %dma_wait3A_190 = tpu.memref_squeeze %dma_wait3A_189 : memref<1x128x128xf32, #tpu.memory_space<vmem>> -> memref<128x128xf32, #tpu.memory_space<vmem>>
    %dma_wait3A_191 = arith.constant 0 : i32
    %dma_wait3A_192 = tpu.memref_slice %arg7[%dma_wait3A_186, %dma_wait3A_191] : memref<40x128xi32, #tpu.memory_space<vmem>> -> memref<1x128xi32, #tpu.memory_space<vmem>>
    %dma_wait3A_193 = tpu.memref_squeeze %dma_wait3A_192 : memref<1x128xi32, #tpu.memory_space<vmem>> -> memref<128xi32, #tpu.memory_space<vmem>>
    %dma_wait3A_194 = arith.constant 0 : i32
    %dma_wait3A_195 = arith.constant 0 : i32
    %dma_wait3A_196 = tpu.memref_slice %arg9[%dma_wait3A_194, %dma_wait3A_195] : memref<10240x128xf32, #tpu.memory_space<vmem_shared>> -> memref<10240x128xf32, #tpu.memory_space<vmem_shared>>
    tpu.wait_indirect_dma semaphore(%arg12 : memref<!tpu.dma_semaphore, #tpu.memory_space<semaphore_mem>>) src(%dma_wait3A_190 : memref<128x128xf32, #tpu.memory_space<vmem>>) dst(%dma_wait3A_196 : memref<10240x128xf32, #tpu.memory_space<vmem_shared>>)
    %dma_wait3A_197 = arith.constant 39 : i32
    %dma_wait3A_198 = arith.constant 1 : i32
    %dma_wait3A_199 = arith.constant 0 : i32
    %dma_wait3A_200 = arith.constant 0 : i32
    %dma_wait3A_201 = tpu.memref_slice %arg8[%dma_wait3A_198, %dma_wait3A_199, %dma_wait3A_200] : memref<2x128x128xf32, #tpu.memory_space<vmem>> -> memref<1x128x128xf32, #tpu.memory_space<vmem>>
    %dma_wait3A_202 = tpu.memref_squeeze %dma_wait3A_201 : memref<1x128x128xf32, #tpu.memory_space<vmem>> -> memref<128x128xf32, #tpu.memory_space<vmem>>
    %dma_wait3A_203 = arith.constant 0 : i32
    %dma_wait3A_204 = tpu.memref_slice %arg6[%dma_wait3A_197, %dma_wait3A_203] : memref<40x128xi32, #tpu.memory_space<vmem>> -> memref<1x128xi32, #tpu.memory_space<vmem>>
    %dma_wait3A_205 = tpu.memref_squeeze %dma_wait3A_204 : memref<1x128xi32, #tpu.memory_space<vmem>> -> memref<128xi32, #tpu.memory_space<vmem>>
    %dma_wait3A_206 = arith.constant 0 : i32
    %dma_wait3A_207 = arith.constant 0 : i32
    %dma_wait3A_208 = tpu.memref_slice %arg2[%dma_wait3A_206, %dma_wait3A_207] : memref<10000x128xf32, #tpu.memory_space<hbm>> -> memref<10000x128xf32, #tpu.memory_space<hbm>>
    tpu.wait_indirect_dma semaphore(%arg11 : memref<!tpu.dma_semaphore, #tpu.memory_space<semaphore_mem>>) src(%dma_wait3A_208 : memref<10000x128xf32, #tpu.memory_space<hbm>>) dst(%dma_wait3A_202 : memref<128x128xf32, #tpu.memory_space<vmem>>)
    %dma_start3A_209 = arith.constant 1 : i32
    %dma_start3A_210 = arith.constant 39 : i32
    %dma_start3A_211 = arith.constant 0 : i32
    %dma_start3A_212 = arith.constant 0 : i32
    %dma_start3A_213 = tpu.memref_slice %arg8[%dma_start3A_209, %dma_start3A_211, %dma_start3A_212] : memref<2x128x128xf32, #tpu.memory_space<vmem>> -> memref<1x128x128xf32, #tpu.memory_space<vmem>>
    %dma_start3A_214 = tpu.memref_squeeze %dma_start3A_213 : memref<1x128x128xf32, #tpu.memory_space<vmem>> -> memref<128x128xf32, #tpu.memory_space<vmem>>
    %dma_start3A_215 = arith.constant 0 : i32
    %dma_start3A_216 = tpu.memref_slice %arg7[%dma_start3A_210, %dma_start3A_215] : memref<40x128xi32, #tpu.memory_space<vmem>> -> memref<1x128xi32, #tpu.memory_space<vmem>>
    %dma_start3A_217 = tpu.memref_squeeze %dma_start3A_216 : memref<1x128xi32, #tpu.memory_space<vmem>> -> memref<128xi32, #tpu.memory_space<vmem>>
    %dma_start3A_218 = arith.constant 0 : i32
    %dma_start3A_219 = arith.constant 0 : i32
    %dma_start3A_220 = tpu.memref_slice %arg9[%dma_start3A_218, %dma_start3A_219] : memref<10240x128xf32, #tpu.memory_space<vmem_shared>> -> memref<10240x128xf32, #tpu.memory_space<vmem_shared>>
    tpu.enqueue_indirect_dma source(%dma_start3A_214 : memref<128x128xf32, #tpu.memory_space<vmem>>) target(%dma_start3A_220 : memref<10240x128xf32, #tpu.memory_space<vmem_shared>>) offsets(%dma_start3A_217 : memref<128xi32, #tpu.memory_space<vmem>>) semaphore(%arg13 : memref<!tpu.dma_semaphore, #tpu.memory_space<semaphore_mem>>) {add = true}
    %dma_wait3A_221 = arith.constant 1 : i32
    %dma_wait3A_222 = arith.constant 39 : i32
    %dma_wait3A_223 = arith.constant 0 : i32
    %dma_wait3A_224 = arith.constant 0 : i32
    %dma_wait3A_225 = tpu.memref_slice %arg8[%dma_wait3A_221, %dma_wait3A_223, %dma_wait3A_224] : memref<2x128x128xf32, #tpu.memory_space<vmem>> -> memref<1x128x128xf32, #tpu.memory_space<vmem>>
    %dma_wait3A_226 = tpu.memref_squeeze %dma_wait3A_225 : memref<1x128x128xf32, #tpu.memory_space<vmem>> -> memref<128x128xf32, #tpu.memory_space<vmem>>
    %dma_wait3A_227 = arith.constant 0 : i32
    %dma_wait3A_228 = tpu.memref_slice %arg7[%dma_wait3A_222, %dma_wait3A_227] : memref<40x128xi32, #tpu.memory_space<vmem>> -> memref<1x128xi32, #tpu.memory_space<vmem>>
    %dma_wait3A_229 = tpu.memref_squeeze %dma_wait3A_228 : memref<1x128xi32, #tpu.memory_space<vmem>> -> memref<128xi32, #tpu.memory_space<vmem>>
    %dma_wait3A_230 = arith.constant 0 : i32
    %dma_wait3A_231 = arith.constant 0 : i32
    %dma_wait3A_232 = tpu.memref_slice %arg9[%dma_wait3A_230, %dma_wait3A_231] : memref<10240x128xf32, #tpu.memory_space<vmem_shared>> -> memref<10240x128xf32, #tpu.memory_space<vmem_shared>>
    tpu.wait_indirect_dma semaphore(%arg13 : memref<!tpu.dma_semaphore, #tpu.memory_space<semaphore_mem>>) src(%dma_wait3A_226 : memref<128x128xf32, #tpu.memory_space<vmem>>) dst(%dma_wait3A_232 : memref<10240x128xf32, #tpu.memory_space<vmem_shared>>)
    %barrier3A_233 = arith.constant 0 : index
    tpu.barrier barrier_id(%barrier3A_233)
    %mul3A_234 = arith.constant 640 : i32
    %mul3A_235 = arith.muli %arg1, %mul3A_234 : i32
    %mul3A_236 = arith.constant 640 : i32
    %mul3A_237 = arith.muli %arg1, %mul3A_236 : i32
    "tpu.region"() ({
      %run_scoped3A_238 = tpu.sem_alloc : memref<!tpu.dma_semaphore, #tpu.memory_space<semaphore_mem>>
      %dma_start3A_239 = arith.constant 0 : i32
      %dma_start3A_240 = tpu.memref_slice %arg5[%arg0, %mul3A_237, %dma_start3A_239] : memref<2x10240x128xf32, #tpu.memory_space<hbm>> -> memref<1x640x128xf32, #tpu.memory_space<hbm>>
      %dma_start3A_241 = tpu.memref_squeeze %dma_start3A_240 : memref<1x640x128xf32, #tpu.memory_space<hbm>> -> memref<640x128xf32, #tpu.memory_space<hbm>>
      %dma_start3A_242 = arith.constant 0 : i32
      %dma_start3A_243 = tpu.memref_slice %arg9[%mul3A_235, %dma_start3A_242] : memref<10240x128xf32, #tpu.memory_space<vmem_shared>> -> memref<640x128xf32, #tpu.memory_space<vmem_shared>>
      tpu.enqueue_dma source(%dma_start3A_243 : memref<640x128xf32, #tpu.memory_space<vmem_shared>>) target(%dma_start3A_241 : memref<640x128xf32, #tpu.memory_space<hbm>>) target_semaphore(%run_scoped3A_238 : memref<!tpu.dma_semaphore, #tpu.memory_space<semaphore_mem>>)
      %dma_wait3A_244 = arith.constant 0 : i32
      %dma_wait3A_245 = tpu.memref_slice %arg5[%arg0, %mul3A_237, %dma_wait3A_244] : memref<2x10240x128xf32, #tpu.memory_space<hbm>> -> memref<1x640x128xf32, #tpu.memory_space<hbm>>
      %dma_wait3A_246 = tpu.memref_squeeze %dma_wait3A_245 : memref<1x640x128xf32, #tpu.memory_space<hbm>> -> memref<640x128xf32, #tpu.memory_space<hbm>>
      %dma_wait3A_247 = arith.constant 0 : i32
      %dma_wait3A_248 = tpu.memref_slice %arg9[%mul3A_235, %dma_wait3A_247] : memref<10240x128xf32, #tpu.memory_space<vmem_shared>> -> memref<640x128xf32, #tpu.memory_space<vmem_shared>>
      tpu.wait_dma2 semaphore(%run_scoped3A_238 : memref<!tpu.dma_semaphore, #tpu.memory_space<semaphore_mem>>) src(%dma_wait3A_248 : memref<640x128xf32, #tpu.memory_space<vmem_shared>>) dst(%dma_wait3A_246 : memref<640x128xf32, #tpu.memory_space<hbm>>)
      tpu.yield
    }) : () -> ()
    return
  }
}

module attributes {stable_mosaic.version = 14 : i64} {
  func.func @_pre_body(%arg0: i32, %arg1: memref<2000x128xf32, #tpu.memory_space<vmem>>, %arg2: memref<128x128xf32, #tpu.memory_space<vmem>>, %arg3: memref<2x2000x1xf32, #tpu.memory_space<vmem>>, %arg4: memref<2000x128xf32, #tpu.memory_space<vmem>>) attributes {dimension_semantics = [#tpu.dimension_semantics<arbitrary>], iteration_bounds = array<i64: 5>, scalar_prefetch = 0 : i64, scratch_operands = 0 : i64, tpu.core_type = #tpu.core_type<tc>, window_params = [{transform_indices = @transform_0, window_bounds = array<i64: 2000, 128>}, {pipeline_mode = #tpu.pipeline_mode<synchronous>, transform_indices = @transform_1, window_bounds = array<i64: 128, 128>}, {transform_indices = @transform_2, window_bounds = array<i64: 2, 2000, 1>}, {transform_indices = @transform_3, window_bounds = array<i64: 2000, 128>}]} {
    %get3A = arith.constant 0 : index
    %get3A_0 = arith.constant 0 : index
    %get3A_1 = vector.load %arg1[%get3A, %get3A_0] : memref<2000x128xf32, #tpu.memory_space<vmem>>, vector<2000x128xf32>
    %get3A_2 = arith.constant 0 : index
    %get3A_3 = arith.constant 0 : index
    %get3A_4 = vector.load %arg2[%get3A_2, %get3A_3] : memref<128x128xf32, #tpu.memory_space<vmem>>, vector<128x128xf32>
    %dot_general3A = arith.constant dense<0.000000e+00> : vector<2000x128xf32>
    %dot_general3A_5 = tpu.matmul %get3A_1, %get3A_4, %dot_general3A {dimension_numbers = #tpu.dot_dimension_numbers<[1], [0], [0], [1], [0, 0, 1, 1], [], []>, transpose_lhs_hint = false} : vector<2000x128xf32>, vector<128x128xf32>, vector<2000x128xf32> -> vector<2000x128xf32>
    %get3A_6 = arith.constant 0 : index
    %get3A_7 = arith.constant 0 : index
    %get3A_8 = arith.constant 0 : index
    %get3A_9 = vector.load %arg3[%get3A_6, %get3A_7, %get3A_8] : memref<2x2000x1xf32, #tpu.memory_space<vmem>>, vector<1x2000x1xf32>
    %get3A_10 = vector.shape_cast %get3A_9 : vector<1x2000x1xf32> to vector<2000x1xf32>
    %get3A_11 = arith.constant 1 : index
    %get3A_12 = arith.constant 0 : index
    %get3A_13 = arith.constant 0 : index
    %get3A_14 = vector.load %arg3[%get3A_11, %get3A_12, %get3A_13] : memref<2x2000x1xf32, #tpu.memory_space<vmem>>, vector<1x2000x1xf32>
    %get3A_15 = vector.shape_cast %get3A_14 : vector<1x2000x1xf32> to vector<2000x1xf32>
    %add3A = arith.addf %get3A_10, %get3A_15 : vector<2000x1xf32>
    %add3A_16 = arith.constant 1.000000e+00 : f32
    %add3A_17 = vector.broadcast %add3A_16 : f32 to vector<2000x1xf32>
    %add3A_18 = arith.addf %add3A, %add3A_17 : vector<2000x1xf32>
    %rsqrt3A = math.rsqrt %add3A_18 : vector<2000x1xf32>
    %mul3A = vector.broadcast %rsqrt3A : vector<2000x1xf32> to vector<2000x128xf32>
    %mul3A_19 = arith.mulf %dot_general3A_5, %mul3A : vector<2000x128xf32>
    %swap3A = arith.constant 0 : index
    %swap3A_20 = arith.constant 0 : index
    %swap3A_21 = vector.load %arg4[%swap3A, %swap3A_20] : memref<2000x128xf32, #tpu.memory_space<vmem>>, vector<2000x128xf32>
    tpu.vector_store %arg4[%swap3A, %swap3A_20], %mul3A_19 {strides = array<i32>} : memref<2000x128xf32, #tpu.memory_space<vmem>>, vector<2000x128xf32>,
    return
  }
  func.func @transform_0(%arg0: i32) -> (i32, i32) {
    %c0_i32 = arith.constant 0 : i32
    %c0_i32_0 = arith.constant 0 : i32
    return %arg0, %c0_i32 : i32, i32
  }
  func.func @transform_1(%arg0: i32) -> (i32, i32) {
    %c0_i32 = arith.constant 0 : i32
    %c0_i32_0 = arith.constant 0 : i32
    %c0_i32_1 = arith.constant 0 : i32
    return %c0_i32, %c0_i32_0 : i32, i32
  }
  func.func @transform_2(%arg0: i32) -> (i32, i32, i32) {
    %c0_i32 = arith.constant 0 : i32
    %c0_i32_0 = arith.constant 0 : i32
    %c0_i32_1 = arith.constant 0 : i32
    return %c0_i32, %arg0, %c0_i32_0 : i32, i32, i32
  }
  func.func @transform_3(%arg0: i32) -> (i32, i32) {
    %c0_i32 = arith.constant 0 : i32
    %c0_i32_0 = arith.constant 0 : i32
    return %arg0, %c0_i32 : i32, i32
  }
}

module attributes {stable_mosaic.version = 14 : i64} {
  func.func @_mid_body(%arg0: i32, %arg1: memref<2x2000x128xf32, #tpu.memory_space<vmem>>, %arg2: memref<2000x128xf32, #tpu.memory_space<vmem>>, %arg3: memref<2x2000x1xf32, #tpu.memory_space<vmem>>, %arg4: memref<1x128xf32, #tpu.memory_space<vmem>>, %arg5: memref<128x128xf32, #tpu.memory_space<vmem>>, %arg6: memref<2000x128xf32, #tpu.memory_space<vmem>>) attributes {dimension_semantics = [#tpu.dimension_semantics<arbitrary>], iteration_bounds = array<i64: 5>, scalar_prefetch = 0 : i64, scratch_operands = 0 : i64, tpu.core_type = #tpu.core_type<tc>, window_params = [{transform_indices = @transform_0, window_bounds = array<i64: 2, 2000, 128>}, {transform_indices = @transform_1, window_bounds = array<i64: 2000, 128>}, {transform_indices = @transform_2, window_bounds = array<i64: 2, 2000, 1>}, {pipeline_mode = #tpu.pipeline_mode<synchronous>, transform_indices = @transform_3, window_bounds = array<i64: 1, 128>}, {pipeline_mode = #tpu.pipeline_mode<synchronous>, transform_indices = @transform_4, window_bounds = array<i64: 128, 128>}, {transform_indices = @transform_5, window_bounds = array<i64: 2000, 128>}]} {
    %get3A = arith.constant 0 : index
    %get3A_0 = arith.constant 0 : index
    %get3A_1 = arith.constant 0 : index
    %get3A_2 = vector.load %arg3[%get3A, %get3A_0, %get3A_1] : memref<2x2000x1xf32, #tpu.memory_space<vmem>>, vector<1x2000x1xf32>
    %get3A_3 = vector.shape_cast %get3A_2 : vector<1x2000x1xf32> to vector<2000x1xf32>
    %get3A_4 = arith.constant 1 : index
    %get3A_5 = arith.constant 0 : index
    %get3A_6 = arith.constant 0 : index
    %get3A_7 = vector.load %arg3[%get3A_4, %get3A_5, %get3A_6] : memref<2x2000x1xf32, #tpu.memory_space<vmem>>, vector<1x2000x1xf32>
    %get3A_8 = vector.shape_cast %get3A_7 : vector<1x2000x1xf32> to vector<2000x1xf32>
    %add3A = arith.addf %get3A_3, %get3A_8 : vector<2000x1xf32>
    %add3A_9 = arith.constant 1.000000e+00 : f32
    %add3A_10 = vector.broadcast %add3A_9 : f32 to vector<2000x1xf32>
    %add3A_11 = arith.addf %add3A, %add3A_10 : vector<2000x1xf32>
    %rsqrt3A = math.rsqrt %add3A_11 : vector<2000x1xf32>
    %get3A_12 = arith.constant 0 : index
    %get3A_13 = arith.constant 0 : index
    %get3A_14 = arith.constant 0 : index
    %get3A_15 = vector.load %arg1[%get3A_12, %get3A_13, %get3A_14] : memref<2x2000x128xf32, #tpu.memory_space<vmem>>, vector<1x2000x128xf32>
    %get3A_16 = vector.shape_cast %get3A_15 : vector<1x2000x128xf32> to vector<2000x128xf32>
    %get3A_17 = arith.constant 1 : index
    %get3A_18 = arith.constant 0 : index
    %get3A_19 = arith.constant 0 : index
    %get3A_20 = vector.load %arg1[%get3A_17, %get3A_18, %get3A_19] : memref<2x2000x128xf32, #tpu.memory_space<vmem>>, vector<1x2000x128xf32>
    %get3A_21 = vector.shape_cast %get3A_20 : vector<1x2000x128xf32> to vector<2000x128xf32>
    %add3A_22 = arith.addf %get3A_16, %get3A_21 : vector<2000x128xf32>
    %get3A_23 = arith.constant 0 : index
    %get3A_24 = arith.constant 0 : index
    %get3A_25 = vector.load %arg2[%get3A_23, %get3A_24] : memref<2000x128xf32, #tpu.memory_space<vmem>>, vector<2000x128xf32>
    %add3A_26 = arith.addf %add3A_22, %get3A_25 : vector<2000x128xf32>
    %mul3A = vector.broadcast %rsqrt3A : vector<2000x1xf32> to vector<2000x128xf32>
    %mul3A_27 = arith.mulf %add3A_26, %mul3A : vector<2000x128xf32>
    %get3A_28 = arith.constant 0 : index
    %get3A_29 = arith.constant 0 : index
    %get3A_30 = vector.load %arg4[%get3A_28, %get3A_29] : memref<1x128xf32, #tpu.memory_space<vmem>>, vector<1x128xf32>
    %add3A_31 = vector.broadcast %get3A_30 : vector<1x128xf32> to vector<2000x128xf32>
    %add3A_32 = arith.addf %mul3A_27, %add3A_31 : vector<2000x128xf32>
    %max3A = arith.constant 0.000000e+00 : f32
    %max3A_33 = vector.broadcast %max3A : f32 to vector<2000x128xf32>
    %max3A_34 = arith.maximumf %add3A_32, %max3A_33 : vector<2000x128xf32>
    %get3A_35 = arith.constant 0 : index
    %get3A_36 = arith.constant 0 : index
    %get3A_37 = vector.load %arg5[%get3A_35, %get3A_36] : memref<128x128xf32, #tpu.memory_space<vmem>>, vector<128x128xf32>
    %dot_general3A = arith.constant dense<0.000000e+00> : vector<2000x128xf32>
    %dot_general3A_38 = tpu.matmul %max3A_34, %get3A_37, %dot_general3A {dimension_numbers = #tpu.dot_dimension_numbers<[1], [0], [0], [1], [0, 0, 1, 1], [], []>, transpose_lhs_hint = false} : vector<2000x128xf32>, vector<128x128xf32>, vector<2000x128xf32> -> vector<2000x128xf32>
    %mul3A_39 = vector.broadcast %rsqrt3A : vector<2000x1xf32> to vector<2000x128xf32>
    %mul3A_40 = arith.mulf %dot_general3A_38, %mul3A_39 : vector<2000x128xf32>
    %swap3A = arith.constant 0 : index
    %swap3A_41 = arith.constant 0 : index
    %swap3A_42 = vector.load %arg6[%swap3A, %swap3A_41] : memref<2000x128xf32, #tpu.memory_space<vmem>>, vector<2000x128xf32>
    tpu.vector_store %arg6[%swap3A, %swap3A_41], %mul3A_40 {strides = array<i32>} : memref<2000x128xf32, #tpu.memory_space<vmem>>, vector<2000x128xf32>,
    return
  }
  func.func @transform_0(%arg0: i32) -> (i32, i32, i32) {
    %c0_i32 = arith.constant 0 : i32
    %c0_i32_0 = arith.constant 0 : i32
    %c0_i32_1 = arith.constant 0 : i32
    return %c0_i32, %arg0, %c0_i32_0 : i32, i32, i32
  }
  func.func @transform_1(%arg0: i32) -> (i32, i32) {
    %c0_i32 = arith.constant 0 : i32
    %c0_i32_0 = arith.constant 0 : i32
    return %arg0, %c0_i32 : i32, i32
  }
  func.func @transform_2(%arg0: i32) -> (i32, i32, i32) {
    %c0_i32 = arith.constant 0 : i32
    %c0_i32_0 = arith.constant 0 : i32
    %c0_i32_1 = arith.constant 0 : i32
    return %c0_i32, %arg0, %c0_i32_0 : i32, i32, i32
  }
  func.func @transform_3(%arg0: i32) -> (i32, i32) {
    %c0_i32 = arith.constant 0 : i32
    %c0_i32_0 = arith.constant 0 : i32
    %c0_i32_1 = arith.constant 0 : i32
    return %c0_i32, %c0_i32_0 : i32, i32
  }
  func.func @transform_4(%arg0: i32) -> (i32, i32) {
    %c0_i32 = arith.constant 0 : i32
    %c0_i32_0 = arith.constant 0 : i32
    %c0_i32_1 = arith.constant 0 : i32
    return %c0_i32, %c0_i32_0 : i32, i32
  }
  func.func @transform_5(%arg0: i32) -> (i32, i32) {
    %c0_i32 = arith.constant 0 : i32
    %c0_i32_0 = arith.constant 0 : i32
    return %arg0, %c0_i32 : i32, i32
  }
}

module attributes {stable_mosaic.version = 14 : i64} {
  func.func @_fin_body(%arg0: i32, %arg1: memref<2x2000x128xf32, #tpu.memory_space<vmem>>, %arg2: memref<2000x128xf32, #tpu.memory_space<vmem>>, %arg3: memref<2x2000x1xf32, #tpu.memory_space<vmem>>, %arg4: memref<1x128xf32, #tpu.memory_space<vmem>>, %arg5: memref<2000x128xf32, #tpu.memory_space<vmem>>) attributes {dimension_semantics = [#tpu.dimension_semantics<arbitrary>], iteration_bounds = array<i64: 5>, scalar_prefetch = 0 : i64, scratch_operands = 0 : i64, tpu.core_type = #tpu.core_type<tc>, window_params = [{transform_indices = @transform_0, window_bounds = array<i64: 2, 2000, 128>}, {transform_indices = @transform_1, window_bounds = array<i64: 2000, 128>}, {transform_indices = @transform_2, window_bounds = array<i64: 2, 2000, 1>}, {pipeline_mode = #tpu.pipeline_mode<synchronous>, transform_indices = @transform_3, window_bounds = array<i64: 1, 128>}, {transform_indices = @transform_4, window_bounds = array<i64: 2000, 128>}]} {
    %get3A = arith.constant 0 : index
    %get3A_0 = arith.constant 0 : index
    %get3A_1 = arith.constant 0 : index
    %get3A_2 = vector.load %arg1[%get3A, %get3A_0, %get3A_1] : memref<2x2000x128xf32, #tpu.memory_space<vmem>>, vector<1x2000x128xf32>
    %get3A_3 = vector.shape_cast %get3A_2 : vector<1x2000x128xf32> to vector<2000x128xf32>
    %get3A_4 = arith.constant 1 : index
    %get3A_5 = arith.constant 0 : index
    %get3A_6 = arith.constant 0 : index
    %get3A_7 = vector.load %arg1[%get3A_4, %get3A_5, %get3A_6] : memref<2x2000x128xf32, #tpu.memory_space<vmem>>, vector<1x2000x128xf32>
    %get3A_8 = vector.shape_cast %get3A_7 : vector<1x2000x128xf32> to vector<2000x128xf32>
    %add3A = arith.addf %get3A_3, %get3A_8 : vector<2000x128xf32>
    %get3A_9 = arith.constant 0 : index
    %get3A_10 = arith.constant 0 : index
    %get3A_11 = vector.load %arg2[%get3A_9, %get3A_10] : memref<2000x128xf32, #tpu.memory_space<vmem>>, vector<2000x128xf32>
    %add3A_12 = arith.addf %add3A, %get3A_11 : vector<2000x128xf32>
    %get3A_13 = arith.constant 0 : index
    %get3A_14 = arith.constant 0 : index
    %get3A_15 = arith.constant 0 : index
    %get3A_16 = vector.load %arg3[%get3A_13, %get3A_14, %get3A_15] : memref<2x2000x1xf32, #tpu.memory_space<vmem>>, vector<1x2000x1xf32>
    %get3A_17 = vector.shape_cast %get3A_16 : vector<1x2000x1xf32> to vector<2000x1xf32>
    %get3A_18 = arith.constant 1 : index
    %get3A_19 = arith.constant 0 : index
    %get3A_20 = arith.constant 0 : index
    %get3A_21 = vector.load %arg3[%get3A_18, %get3A_19, %get3A_20] : memref<2x2000x1xf32, #tpu.memory_space<vmem>>, vector<1x2000x1xf32>
    %get3A_22 = vector.shape_cast %get3A_21 : vector<1x2000x1xf32> to vector<2000x1xf32>
    %add3A_23 = arith.addf %get3A_17, %get3A_22 : vector<2000x1xf32>
    %add3A_24 = arith.constant 1.000000e+00 : f32
    %add3A_25 = vector.broadcast %add3A_24 : f32 to vector<2000x1xf32>
    %add3A_26 = arith.addf %add3A_23, %add3A_25 : vector<2000x1xf32>
    %rsqrt3A = math.rsqrt %add3A_26 : vector<2000x1xf32>
    %mul3A = vector.broadcast %rsqrt3A : vector<2000x1xf32> to vector<2000x128xf32>
    %mul3A_27 = arith.mulf %add3A_12, %mul3A : vector<2000x128xf32>
    %get3A_28 = arith.constant 0 : index
    %get3A_29 = arith.constant 0 : index
    %get3A_30 = vector.load %arg4[%get3A_28, %get3A_29] : memref<1x128xf32, #tpu.memory_space<vmem>>, vector<1x128xf32>
    %add3A_31 = vector.broadcast %get3A_30 : vector<1x128xf32> to vector<2000x128xf32>
    %add3A_32 = arith.addf %mul3A_27, %add3A_31 : vector<2000x128xf32>
    %swap3A = arith.constant 0 : index
    %swap3A_33 = arith.constant 0 : index
    %swap3A_34 = vector.load %arg5[%swap3A, %swap3A_33] : memref<2000x128xf32, #tpu.memory_space<vmem>>, vector<2000x128xf32>
    tpu.vector_store %arg5[%swap3A, %swap3A_33], %add3A_32 {strides = array<i32>} : memref<2000x128xf32, #tpu.memory_space<vmem>>, vector<2000x128xf32>,
    return
  }
  func.func @transform_0(%arg0: i32) -> (i32, i32, i32) {
    %c0_i32 = arith.constant 0 : i32
    %c0_i32_0 = arith.constant 0 : i32
    %c0_i32_1 = arith.constant 0 : i32
    return %c0_i32, %arg0, %c0_i32_0 : i32, i32, i32
  }
  func.func @transform_1(%arg0: i32) -> (i32, i32) {
    %c0_i32 = arith.constant 0 : i32
    %c0_i32_0 = arith.constant 0 : i32
    return %arg0, %c0_i32 : i32, i32
  }
  func.func @transform_2(%arg0: i32) -> (i32, i32, i32) {
    %c0_i32 = arith.constant 0 : i32
    %c0_i32_0 = arith.constant 0 : i32
    %c0_i32_1 = arith.constant 0 : i32
    return %c0_i32, %arg0, %c0_i32_0 : i32, i32, i32
  }
  func.func @transform_3(%arg0: i32) -> (i32, i32) {
    %c0_i32 = arith.constant 0 : i32
    %c0_i32_0 = arith.constant 0 : i32
    %c0_i32_1 = arith.constant 0 : i32
    return %c0_i32, %c0_i32_0 : i32, i32
  }
  func.func @transform_4(%arg0: i32) -> (i32, i32) {
    %c0_i32 = arith.constant 0 : i32
    %c0_i32_0 = arith.constant 0 : i32
    return %arg0, %c0_i32 : i32, i32
  }
}

</mosaic_0001>

<sc_bundles>
// kernel: kernel.11.cloned.1.call-start
scs
__scs_entry_jumppad:
0x0: {  	(pc) =	sbr.rel $0x88, $3  }
0x1: {  	(tag) =	ssettag $0x0;
	lr =	simm.s32 $0x1  }
0x2: {  	[smem:$0x3F9B] =	sst lr;
	_ =	strace $0xD0000000  }
0x3: {  	_ = 	snop  }
0x4: {  	_ = 	snop  }
0x5: {  	_ = 	snop  }
0x6: {  	_ = 	snop  }
0x7: {  	_ = 	snop  }
__scs_overlays_trampoline_lowered:
0x8: {  	[smem:$0x3FAA] =	sst s0  }
0x9: {  	[smem:$0x3FAB] =	sst s1  }
0xa: {  	[smem:$0x3FAC] =	sst s2  }
0xb: {  	[smem:$0x3FAD] =	sst s3  }
0xc: {  	[smem:$0x3FAE] =	sst s4  }
0xd: {  	[smem:$0x3FAF] =	sst s5  }
0xe: {  	[smem:$0x3FB0] =	sst s6  }
0xf: {  	[smem:$0x3FB1] =	sst s7  }
0x10: {  	[smem:$0x3FB2] =	sst s8  }
0x11: {  	[smem:$0x3FB3] =	sst s9;
	s0 =	simm.s32 @!p0 $0x0  }
0x12: {  	s1 =	sld [smem:$0x3F99];
	s0 =	simm.s32 @p0 $0x1  }
0x13: {  	[smem:$0x3FB4] =	sst s0;
	s0 =	simm.s32 @!p1 $0x0  }
0x14: {  	s2 =	sld [smem:$0x3F98];
	s0 =	simm.s32 @p1 $0x1  }
0x15: {  	[smem:$0x3FB5] =	sst s0;
	s0 =	simm.s32 @!p2 $0x0  }
0x16: {  	s3 =	sld [smem:$0x3FDB];
	s0 =	simm.s32 @p2 $0x1  }
0x17: {  	s4 =	simm.s32 $0x1BF5;
	[smem:$0x3FB7] =	sst s0  }
0x18: {  	s0 =	sld [smem:$0x3F9A];
	_ =	swait.ge [sflag:s4], $0x0  }
0x19: {  	s7 =	sld [smem:$0x3F9B]  }
0x1a: {  	s8 =	sadd.s32 $0xFFFFE003, lr  }
0x1b: {  	s9 =	sadd.s32 $0xFFFFFEF7, lr;
	s5 =	simm.s32 $0xFFFFFFFF;
	p2 =	slt.u32 s8, $0xFFFFF086  }
0x1c: {  	p1 =	slt.u32 s9, $0xF7A;
	s5 =	simm.s32 @!p2 $0x0  }
0x1d: {  	s5 =	simm.s32 @p1 $0x1;
	p0 =	seq.s32 s7, s2  }
0x1e: {  	s7 =	smul.u32 @!p0 $0xF7A, s2;
	p2 =	seq.s32 @!p0 s5, $0x0  }
0x1f: {  	s9 =	smul.u32 $0xF7A, s1;
	s8 =	simm.s32 @!p0 $0x1BF5;
	p2 =	por !p2, p0  }
0x20: {  	[sflag:s8] =	ssyncset.s32 @!p0 $0xFFFFF086;
	s6 =	sadd.s32 @!p0 s3, s7;
	s7 =	simm.s32 @!p0 $0x108  }
0x21: {  	s3 =	sadd.s32 s3, s9;
	s6 =	sadd.s32 @!p0 $0x88, s6;
	s7 =	simm.s32 @p2 $0x1082  }
0x22: {  	[simem:s7], [sflag:s8] =	dma.local @!p0 [hbm:s6], $0xF7A  }
0x23: {  	s9 =	sor.u32 $0xD0000000, s2;
	s6 =	simm.s32 $0x108;
	_ =	swait.ge @!p0 [sflag:s8], $0x0  }
0x24: {  	s3 =	sadd.s32 $0x88, s3;
	s6 =	simm.s32 @!p1 $0x1082;
	[sflag:s4] =	ssyncset.s32 $0xFFFFF086  }
0x25: {  	[simem:s6], [sflag:s4] =	dma.local [hbm:s3], $0xF7A  }
0x26: {  	[smem:$0x3F9B] =	sst s1;
	(tag) =	ssettag s2;
	_ =	strace s9  }
0x27: {  	s1 =	sld [smem:$0x3FAB]  }
0x28: {  	s2 =	sld [smem:$0x3FAC]  }
0x29: {  	s4 =	sld [smem:$0x3FAE]  }
0x2a: {  	p0 =	seq.s32 s5, $0x0;
	s5 =	sld [smem:$0x3FAF]  }
0x2b: {  	s6 =	sld [smem:$0x3FB0]  }
0x2c: {  	s7 =	sld [smem:$0x3FB1]  }
0x2d: {  	s3 =	simm.s32 $0x108;
	s8 =	sld [smem:$0x3FB2]  }
0x2e: {  	s3 =	simm.s32 @!p0 $0x1082;
	s9 =	sld [smem:$0x3FB3]  }
0x2f: {  	lr =	sadd.s32 s0, s3;
	s0 =	sld [smem:$0x3FAA]  }
0x30: {  	s3 =	sld [smem:$0x3FAD]  }
0x31: {  	[smem:$0x3FB6] =	sst s10  }
0x32: {  	s10 =	sld [smem:$0x3FB4];
	_ =	sdelay $0x3  }
0x33: {  	p0 =	seq.s32 s10, $0x1;
	s10 =	sld [smem:$0x3FB6];
	_ =	sdelay $0x3  }
0x34: {  	[smem:$0x3FB6] =	sst s10  }
0x35: {  	s10 =	sld [smem:$0x3FB5];
	_ =	sdelay $0x3  }
0x36: {  	p1 =	seq.s32 s10, $0x1;
	s10 =	sld [smem:$0x3FB6];
	_ =	sdelay $0x3  }
0x37: {  	[smem:$0x3FB6] =	sst s10  }
0x38: {  	s10 =	sld [smem:$0x3FB7]  }
0x39: {  	_ = 	snop;
	(pc) =	sbr.ind lr, $3  }
0x3a: {  	_ = 	snop  }
0x3b: {  	_ = 	snop  }
0x3c: {  	p2 =	seq.s32 s10, $0x1;
	s10 =	sld [smem:$0x3FB6]  }
0x3d: {  	_ =	shalt  }
0x3e: {  	_ =	shalt  }
0x3f: {  	_ =	shalt  }
0x40: {  	_ =	shalt  }
0x41: {  	_ =	shalt  }
0x42: {  	_ =	shalt  }
0x43: {  	_ =	shalt  }
0x44: {  	_ =	shalt  }
0x45: {  	_ =	shalt  }
0x46: {  	_ =	shalt  }
0x47: {  	_ =	shalt  }
0x48: {  	_ =	shalt  }
0x49: {  	_ =	shalt  }
0x4a: {  	_ =	shalt  }
0x4b: {  	_ =	shalt  }
0x4c: {  	_ =	shalt  }
0x4d: {  	_ =	shalt  }
0x4e: {  	_ =	shalt  }
0x4f: {  	_ =	shalt  }
0x50: {  	_ =	shalt  }
0x51: {  	_ =	shalt  }
0x52: {  	_ =	shalt  }
0x53: {  	_ =	shalt  }
0x54: {  	_ =	shalt  }
0x55: {  	_ =	shalt  }
0x56: {  	_ =	shalt  }
0x57: {  	_ =	shalt  }
0x58: {  	_ =	shalt  }
0x59: {  	_ =	shalt  }
0x5a: {  	_ =	shalt  }
0x5b: {  	_ =	shalt  }
0x5c: {  	_ =	shalt  }
0x5d: {  	_ =	shalt  }
0x5e: {  	_ =	shalt  }
0x5f: {  	_ =	shalt  }
0x60: {  	_ =	shalt  }
0x61: {  	_ =	shalt  }
0x62: {  	_ =	shalt  }
0x63: {  	_ =	shalt  }
0x64: {  	_ =	shalt  }
0x65: {  	_ =	shalt  }
0x66: {  	_ =	shalt  }
0x67: {  	_ =	shalt  }
0x68: {  	_ =	shalt  }
0x69: {  	_ =	shalt  }
0x6a: {  	_ =	shalt  }
0x6b: {  	_ =	shalt  }
0x6c: {  	_ =	shalt  }
0x6d: {  	_ =	shalt  }
0x6e: {  	_ =	shalt  }
0x6f: {  	_ =	shalt  }
0x70: {  	_ =	shalt  }
0x71: {  	_ =	shalt  }
0x72: {  	_ =	shalt  }
0x73: {  	_ =	shalt  }
0x74: {  	_ =	shalt  }
0x75: {  	_ =	shalt  }
0x76: {  	_ =	shalt  }
0x77: {  	_ =	shalt  }
0x78: {  	_ =	shalt  }
0x79: {  	_ =	shalt  }
0x7a: {  	_ =	shalt  }
0x7b: {  	_ =	shalt  }
0x7c: {  	_ =	shalt  }
0x7d: {  	_ =	shalt  }
0x7e: {  	_ =	shalt  }
0x7f: {  	_ =	shalt  }
0x80: {  	_ =	shalt  }
0x81: {  	_ =	shalt  }
0x82: {  	_ =	shalt  }
0x83: {  	_ =	shalt  }
0x84: {  	_ =	shalt  }
0x85: {  	_ =	shalt  }
0x86: {  	_ =	shalt  }
0x87: {  	_ =	shalt  }
.Lfunc_end0:
.L_simem_size_0:
called_computation.1_lowered:
.L_overlay_start_0:
0x88: {  	s2 =	sld [smem:$0x3FD9]  }
0x89: {  	s3 =	sld [smem:$0x3FFE];
	_ =	sdelay $0x1  }
0x8a: {  	s1 =	srdreg.scid  }
0x8b: {  	s0 =	sand.u32 $0x1, s1  }
0x8c: {  	s17 =	sshll.u32 s0, $0xA;
	s2 =	sadd.s32 s3, s2  }
0x8d: {  	s2 =	sadd.s32 s2, s17  }
0x8e: {  	[smem:$0x3FC2] =	sst s2  }
0x8f: {  	_ = 	snop  }
0x90: {  	s2 =	sld [smem:$0x3FD0];
	(tm) =	ssettm $0x1  }
0x91: {  	s18 =	sld [smem:$0x3FFB];
	_ =	sdelay $0x3  }
0x92: {  	_ =	strace s18  }
0x93: {  	s3 =	sld [smem:$0x3FFC];
	_ =	sdelay $0x3  }
0x94: {  	_ =	strace s3  }
0x95: {  	s3 =	sld [smem:$0x3FFD];
	_ =	sdelay $0x3  }
0x96: {  	_ =	strace s3  }
0x97: {  	_ =	strace $0x8FFFFFFF  }
0x98: {  	s19 =	sld [smem:$0x3FDB];
	_ =	sdelay $0x1  }
0x99: {  	s4 =	simm.s32 $_scs_section_size  }
0x9a: {  	s5 =	simm.s32 $_size__tile_overlayer_lowered;
	s6 =	simm.s32 $_tile_overlayer_lowered  }
0x9b: {  	s22 =	simm.s32 $0x1BFF;
	s21 =	sshll.u32 s6, $0x1;
	s3 =	sadd.s32 s4, s19  }
0x9c: {  	s7 =	simm.s32 $0x0;
	s20 =	sshll.u32 s5, $0x1;
	s5 =	sadd.s32 s21, s3  }
0x9d: {  	[timem:s7], [sflag:s22] =	dma.local [hbm:s5], s20  }
0x9e: {  	_ =	swait.ge [sflag:s22], s20  }
0x9f: {  	s4 =	ssub.s32 $0x0, s20;
	[sflag:s22] =	ssyncset.done $0x0  }
0xa0: {  	[sflag:s22] =	ssyncadd.s32 s4;
	_ =	sdelay $0x1  }
0xa1: {  	s23 =	simm.s32 $0x1B8B  }
0xa2: {  	_ =	swait.ge [sflag:s23], $0x1  }
0xa3: {  	[sflag:s23] =	ssyncset.done $0x0  }
0xa4: {  	s25 =	simm.s32 $0x1B8E;
	s24 =	sld [smem:$0x3FFE];
	[sflag:s23] =	ssyncadd.s32 $0xFFFFFFFF  }
0xa5: {  	s26 =	simm.s32 $execute0_lowered;
	[smem:$0x3FD2] =	sst s25  }
0xa6: {  	s5 =	sshll.u32 s26, $0x1;
	_ =	strace $0x80000049;
	[dreg:$0x1] =	wrdreg $0xFFFFFFFF  }
0xa7: {  	s28 =	simm.s32 $_size_execute0_lowered;
	s3 =	sadd.s32 s3, s5;
	[dreg:$0x0] =	wrdreg $0x0  }
0xa8: {  	s5 =	sshll.u32 s28, $0x1;
	[dreg:$0x2] =	wrdreg s3  }
0xa9: {  	[dreg:$0x3] =	wrdreg s5  }
0xaa: {  	[dreg:$0x4] =	wrdreg $0xC0  }
0xab: {  	_ =	task [dreg:s7], $0x5FFFF  }
0xac: {  	[dreg:$0x1] =	wrdreg $0xFFFFFFFF  }
0xad: {  	[dreg:$0x0] =	wrdreg $0x60  }
0xae: {  	[dreg:$0x2] =	wrdreg s2  }
0xaf: {  	[dreg:$0x3] =	wrdreg s24  }
0xb0: {  	[dreg:$0x4] =	wrdreg $0xA8000  }
0xb1: {  	[dreg:$0x5] =	wrdreg $0x9  }
0xb2: {  	_ =	task.clear_ibuf [dreg:s7], $0x6FFFF;
	_ =	strace $0x90000049  }
0xb3: {  	s29 =	simm.s32 $0x9;
	_ =	strace $0x8000004B  }
0xb4: {  	_ =	swait.ge [sflag:s29], $0x1  }
0xb5: {  	[sflag:s29] =	ssyncadd.s32 $0xFFFFFFFF  }
0xb6: {  	_ =	strace $0x9000004B  }
0xb7: {  	_ =	sfence  }
0xb8: {  	s30 =	sld [smem:$0x0];
	_ =	sdelay $0x2  }
0xb9: {  	s31 =	sshll.u32 s1, $0xD;
	s1 =	sshrl.u32 s1, $0x2  }
0xba: {  	s3 =	sand.u32 $0x4000, s31;
	s1 =	sadd.s32 s1, s30  }
0xbb: {  	s0 =	sor.u32 s3, s0;
	s1 =	sshll.u32 s1, $0x11  }
0xbc: {  	s0 =	sor.u32 s1, s0  }
0xbd: {  	s0 =	sadd.s32 $0x8F2B, s0  }
0xbe: {  	[sflag:s0] =	ssyncadd.remote.s32 $0x1  }
0xbf: {  	_ =	sfence.sel $0xFFFF  }
0xc0: {  	[dreg:$0x0] =	wrdreg $0xFFFFFFFF;
	(pc) =	sbr.abs _section_cstart, $3  }
0xc1: {  	[dreg:$0x1] =	wrdreg $0xFFFFFFFF  }
0xc2: {  	_ =	task.clear_ibuf [dreg:s7], $0x2FFFF;
	_ =	strace $0x9FFFFFFF  }
0xc3: {  	(tm) =	ssettm $0x7FFFFFFF  }
tec
execute0_lowered:
.L_overlay_start_1:
0x0: {  	(tag) =	ssettag $0x1  }
0x1: {  	s0 =	rddreg [dreg:$0x0]  }
0x2: {  	s5 =	rddreg [dreg:$0x1]  }
0x3: {  	s1 =	srdreg.scid;
	s3 =	rddreg [dreg:$0x2]  }
0x4: {  	s2 =	stileid.u32;
	s4 =	simm.s32 $0x0;
	s17 =	simm.s32 $0x5  }
0x5: {  	s18 =	simm.s32 $0x1400;
	s19 =	simm.s32 $0x80;
	s20 =	simm.s32 $0x6800  }
0x6: {  	s21 =	simm.s32 $0x1;
	s22 =	simm.s32 $0x3;
	s23 =	simm.s32 $0x2  }
0x7: {  	s24 =	simm.s32 $0x4;
	s6 =	sand.u32 $0x1, s1;
	s1 =	rddreg [dreg:$0x3]  }
0x8: {  	s25 =	simm.s32 $0x2700;
	s8 =	smul.u32 $0x14000, s2;
	[smem:$0x7FF] =	sst s4  }
0x9: {  	s12 =	sadd.s32 $0xC800, s5;
	s26 =	smul.u32 $0x50000, s2;
	s13 =	sadd.s32 $0x2800, s5  }
0xa: {  	s28 =	sshll.u32 s2, $0x1;
	s7 =	smul.u32 $0x140000, s6;
	_ =	strace $0x8000004A  }
0xb: {  	s29 =	ssub.s32 $0x2, s6;
	s6 =	sor.u32 s6, s28;
	s30 =	sshrl.u32 s26, $0x2  }
0xc: {  	s31 =	sshrl.u32 s29, $0x1;
	s10 =	smul.u32 $0x2800, s6;
	s7 =	sadd.s32 s8, s7  }
0xd: {  	s26 =	simm.s32 $0x2780;
	s15 =	ssub.s32 s29, s31;
	s7 =	sshrl.u32 s7, $0x3  }
0xe: {  	s16 =	sshrl.u32 s10, $0x3;
	s15 =	smax.u32 s15, $0x1;
	s14 =	sadd.s32 s7, s5  }
0xf: {  	s5 =	sadd.s32 s30, s3;
	s10 =	sadd.s32 s12, s16;
	s11 =	sadd.s32 s13, s16  }
0x10: {  	s16 =	sadd.s32 $0x280, s16;
	s6 =	sadd.s32 $0x4000, s5;
	s7 =	sadd.s32 $0x8000, s5  }
0x11: {  	s8 =	sadd.s32 $0xC000, s5;
	s9 =	sadd.s32 $0x10000, s5;
	s12 =	sadd.s32 s12, s16  }
0x12: {  	v0 =	vimm.f32 $0.0e+00;
	s13 =	sadd.s32 s13, s16;
	s14 =	sadd.s32 $0x66800, s14;
	s16 =	simm.s32 $0x2800  }
.LBB2_1:
0x13: {  	s28 =	simm.s32 $0x0;
	s29 =	simm.s32 $0x200  }
.LBB2_2:
0x14: {  	p0 =	sne.s32 s29, $0xFE00;
	[tilespmem:s28+$0x2870] =	vst v0  }
0x15: {  	[tilespmem:s28+$0x2800] =	vst v0  }
0x16: {  	[tilespmem:s28+$0x2810] =	vst v0  }
.Ltmp0:
0x17: {  	[tilespmem:s28+$0x2820] =	vst v0;
	(pc) =	sbr.rel @p0 .LBB2_2-.Ltmp0, $4  }
0x18: {  	[tilespmem:s28+$0x2830] =	vst v0  }
0x19: {  	[tilespmem:s28+$0x2840] =	vst v0  }
0x1a: {  	[tilespmem:s28+$0x2850] =	vst v0  }
0x1b: {  	[tilespmem:s28+$0x2860] =	vst v0;
	s28 =	sshra.s32 s29, $0x2;
	s29 =	sadd.s32 $0x200, s29  }
0x1c: {  	[tilespmem:s28+$0x2870] =	vst v0  }
0x1d: {  	[tilespmem:s28+$0x2800] =	vst v0  }
0x1e: {  	[tilespmem:s28+$0x2810] =	vst v0  }
0x1f: {  	[tilespmem:s28+$0x2820] =	vst v0  }
0x20: {  	[tilespmem:s28+$0x2830] =	vst v0  }
0x21: {  	[tilespmem:s28+$0x2840] =	vst v0  }
0x22: {  	[tilespmem:s28+$0x2850] =	vst v0  }
0x23: {  	[tilespmem:s28+$0x2860] =	vst v0  }
0x24: {  	[spmem:s5] =	stream.linear.scatter [tilespmem:s16], [sflag:$0x5], $0x4000, $0x38;
	[tilespmem:$0x1E800] =	vst v63  }
0x25: {  	_ =	swait.ge [sflag:s17], $0x4000  }
0x26: {  	[sflag:s17] =	ssyncset.done $0x0  }
0x27: {  	[sflag:s17] =	ssyncadd.s32 $0xFFFFC000  }
0x28: {  	[spmem:s6] =	stream.linear.scatter [tilespmem:s16], [sflag:$0x5], $0x4000, $0x38;
	[tilespmem:$0x1E800] =	vst v63  }
0x29: {  	_ =	swait.ge [sflag:s17], $0x4000  }
0x2a: {  	[sflag:s17] =	ssyncset.done $0x0  }
0x2b: {  	[sflag:s17] =	ssyncadd.s32 $0xFFFFC000  }
0x2c: {  	[spmem:s7] =	stream.linear.scatter [tilespmem:s16], [sflag:$0x5], $0x4000, $0x38;
	[tilespmem:$0x1E800] =	vst v63  }
0x2d: {  	_ =	swait.ge [sflag:s17], $0x4000  }
0x2e: {  	[sflag:s17] =	ssyncset.done $0x0  }
0x2f: {  	[sflag:s17] =	ssyncadd.s32 $0xFFFFC000  }
0x30: {  	[spmem:s8] =	stream.linear.scatter [tilespmem:s16], [sflag:$0x5], $0x4000, $0x38;
	[tilespmem:$0x1E800] =	vst v63  }
0x31: {  	_ =	swait.ge [sflag:s17], $0x4000  }
0x32: {  	[sflag:s17] =	ssyncset.done $0x0  }
0x33: {  	[sflag:s17] =	ssyncadd.s32 $0xFFFFC000  }
0x34: {  	[spmem:s9] =	stream.linear.scatter [tilespmem:s16], [sflag:$0x5], $0x4000, $0x38;
	[tilespmem:$0x1E800] =	vst v63  }
0x35: {  	_ =	swait.ge [sflag:s17], $0x4000  }
0x36: {  	[sflag:s17] =	ssyncset.done $0x0  }
0x37: {  	[sflag:s17] =	ssyncadd.s32 $0xFFFFC000  }
0x38: {  	s28 =	simm.s32 $0x0;
	[bflag:$0x0] =	sbarrier.arrive $0xFFFF  }
0x39: {  	[tilespmem:s28], [sflag:$0x5] =	stream.linear.gather [hbm4b:s10+s28], $0x1400, $0x38;
	[tilespmem:$0x1E800] =	vst v63  }
0x3a: {  	_ =	swait.ge [sflag:s17], $0x1400  }
0x3b: {  	[sflag:s17] =	ssyncset.done $0x0  }
0x3c: {  	[sflag:s17] =	ssyncadd.s32 $0xFFFFEC00  }
0x3d: {  	[tilespmem:s18], [sflag:$0x5] =	stream.linear.gather [hbm4b:s11+s28], $0x1400, $0x38;
	[tilespmem:$0x1E800] =	vst v63  }
0x3e: {  	_ =	swait.ge [sflag:s17], $0x1400  }
0x3f: {  	[sflag:s17] =	ssyncset.done $0x0  }
0x40: {  	[sflag:s17] =	ssyncadd.s32 $0xFFFFEC00  }
0x41: {  	[tilespmem:s16], [sflag:$0x1] =	stream.indirect.gather [hbm4b:s0+s19], $0x80, s28, s19, $0xb8;
	[tilespmem:$0x1E800] =	vst v63  }
0x42: {  	_ = 	snop  }
0x43: {  	[tilespmem:s20], [sflag:$0x2] =	stream.indirect.gather [hbm4b:s0+s19], $0x80, s19, s19, $0xb8;
	[tilespmem:$0x1E800] =	vst v63  }
0x44: {  	_ =	swait.ge [sflag:s21], $0x4000  }
0x45: {  	[sflag:s21] =	ssyncset.done $0x0  }
0x46: {  	s28 =	simm.s32 $0x1400;
	[sflag:s21] =	ssyncadd.s32 $0xFFFFC000  }
0x47: {  	[spmem:s3] =	stream.indirect.scatter.add.f32 [tilespmem:s16], [sflag:$0x3], $0x80, s28, s19, $0xb8;
	[tilespmem:$0x1E800] =	vst v63  }
0x48: {  	_ =	swait.ge [sflag:s22], $0x4000  }
0x49: {  	[sflag:s22] =	ssyncset.done $0x0  }
0x4a: {  	s28 =	simm.s32 $0x100;
	[sflag:s22] =	ssyncadd.s32 $0xFFFFC000  }
0x4b: {  	[tilespmem:s16], [sflag:$0x1] =	stream.indirect.gather [hbm4b:s0+s19], $0x80, s28, s19, $0xb8;
	[tilespmem:$0x1E800] =	vst v63  }
0x4c: {  	_ =	swait.ge [sflag:s23], $0x4000  }
0x4d: {  	[sflag:s23] =	ssyncset.done $0x0  }
0x4e: {  	s28 =	simm.s32 $0x1480;
	[sflag:s23] =	ssyncadd.s32 $0xFFFFC000  }
0x4f: {  	[spmem:s3] =	stream.indirect.scatter.add.f32 [tilespmem:s20], [sflag:$0x4], $0x80, s28, s19, $0xb8;
	[tilespmem:$0x1E800] =	vst v63  }
0x50: {  	_ =	swait.ge [sflag:s24], $0x4000  }
0x51: {  	[sflag:s24] =	ssyncset.done $0x0  }
0x52: {  	s29 =	simm.s32 $0x180;
	s28 =	simm.s32 $0x400;
	[sflag:s24] =	ssyncadd.s32 $0xFFFFC000  }
.LBB2_4:
0x53: {  	[tilespmem:s20], [sflag:$0x2] =	stream.indirect.gather [hbm4b:s0+s19], $0x80, s29, s19, $0xb8;
	[tilespmem:$0x1E800] =	vst v63  }
0x54: {  	s29 =	smov.u32 s28  }
0x55: {  	p0 =	sne.s32 s28, $0x4800;
	s28 =	sadd.s32 $0x400, s28;
	_ =	swait.ge [sflag:s21], $0x4000  }
0x56: {  	s29 =	sshra.s32 s29, $0x2;
	[sflag:s21] =	ssyncset.done $0x0  }
0x57: {  	s30 =	sadd.s32 $0x1400, s29;
	[sflag:s21] =	ssyncadd.s32 $0xFFFFC000  }
0x58: {  	[spmem:s3] =	stream.indirect.scatter.add.f32 [tilespmem:s16], [sflag:$0x3], $0x80, s30, s19, $0xb8;
	[tilespmem:$0x1E800] =	vst v63  }
0x59: {  	_ =	swait.ge [sflag:s22], $0x4000  }
0x5a: {  	[sflag:s22] =	ssyncset.done $0x0  }
0x5b: {  	s30 =	sadd.s32 $0x100, s29;
	[sflag:s22] =	ssyncadd.s32 $0xFFFFC000  }
0x5c: {  	[tilespmem:s16], [sflag:$0x1] =	stream.indirect.gather [hbm4b:s0+s19], $0x80, s30, s19, $0xb8;
	[tilespmem:$0x1E800] =	vst v63  }
0x5d: {  	_ =	swait.ge [sflag:s23], $0x4000  }
0x5e: {  	[sflag:s23] =	ssyncset.done $0x0  }
.Ltmp1:
0x5f: {  	s30 =	sadd.s32 $0x1480, s29;
	[sflag:s23] =	ssyncadd.s32 $0xFFFFC000;
	(pc) =	sbr.rel @p0 .LBB2_4-.Ltmp1, $4  }
0x60: {  	[spmem:s3] =	stream.indirect.scatter.add.f32 [tilespmem:s20], [sflag:$0x4], $0x80, s30, s19, $0xb8;
	[tilespmem:$0x1E800] =	vst v63  }
0x61: {  	_ =	swait.ge [sflag:s24], $0x4000  }
0x62: {  	[sflag:s24] =	ssyncset.done $0x0  }
0x63: {  	s29 =	sadd.s32 $0x180, s29;
	[sflag:s24] =	ssyncadd.s32 $0xFFFFC000  }
0x64: {  	[tilespmem:s20], [sflag:$0x2] =	stream.indirect.gather [hbm4b:s0+s19], $0x80, s29, s19, $0xb8;
	[tilespmem:$0x1E800] =	vst v63  }
0x65: {  	_ =	swait.ge [sflag:s21], $0x4000  }
0x66: {  	[sflag:s21] =	ssyncset.done $0x0  }
0x67: {  	[sflag:s21] =	ssyncadd.s32 $0xFFFFC000  }
0x68: {  	[spmem:s3] =	stream.indirect.scatter.add.f32 [tilespmem:s16], [sflag:$0x3], $0x80, s25, s19, $0xb8;
	[tilespmem:$0x1E800] =	vst v63  }
0x69: {  	_ =	swait.ge [sflag:s22], $0x4000  }
0x6a: {  	[sflag:s22] =	ssyncset.done $0x0  }
0x6b: {  	[sflag:s22] =	ssyncadd.s32 $0xFFFFC000  }
0x6c: {  	_ =	swait.ge [sflag:s23], $0x4000  }
0x6d: {  	[sflag:s23] =	ssyncset.done $0x0  }
0x6e: {  	[sflag:s23] =	ssyncadd.s32 $0xFFFFC000  }
0x6f: {  	[spmem:s3] =	stream.indirect.scatter.add.f32 [tilespmem:s20], [sflag:$0x4], $0x80, s26, s19, $0xb8;
	[tilespmem:$0x1E800] =	vst v63  }
0x70: {  	_ =	swait.ge [sflag:s24], $0x4000  }
0x71: {  	[sflag:s24] =	ssyncset.done $0x0  }
0x72: {  	s28 =	simm.s32 $0x0;
	[sflag:s24] =	ssyncadd.s32 $0xFFFFC000  }
0x73: {  	[tilespmem:s28], [sflag:$0x5] =	stream.linear.gather [hbm4b:s12+s28], $0x1400, $0x38;
	[tilespmem:$0x1E800] =	vst v63  }
0x74: {  	_ =	swait.ge [sflag:s17], $0x1400  }
0x75: {  	[sflag:s17] =	ssyncset.done $0x0  }
0x76: {  	[sflag:s17] =	ssyncadd.s32 $0xFFFFEC00  }
0x77: {  	[tilespmem:s18], [sflag:$0x5] =	stream.linear.gather [hbm4b:s13+s28], $0x1400, $0x38;
	[tilespmem:$0x1E800] =	vst v63  }
0x78: {  	_ =	swait.ge [sflag:s17], $0x1400  }
0x79: {  	[sflag:s17] =	ssyncset.done $0x0  }
0x7a: {  	[sflag:s17] =	ssyncadd.s32 $0xFFFFEC00  }
0x7b: {  	[tilespmem:s16], [sflag:$0x1] =	stream.indirect.gather [hbm4b:s0+s19], $0x80, s28, s19, $0xb8;
	[tilespmem:$0x1E800] =	vst v63  }
0x7c: {  	_ = 	snop  }
0x7d: {  	[tilespmem:s20], [sflag:$0x2] =	stream.indirect.gather [hbm4b:s0+s19], $0x80, s19, s19, $0xb8;
	[tilespmem:$0x1E800] =	vst v63  }
0x7e: {  	_ =	swait.ge [sflag:s21], $0x4000  }
0x7f: {  	[sflag:s21] =	ssyncset.done $0x0  }
0x80: {  	s28 =	simm.s32 $0x1400;
	[sflag:s21] =	ssyncadd.s32 $0xFFFFC000  }
0x81: {  	[spmem:s3] =	stream.indirect.scatter.add.f32 [tilespmem:s16], [sflag:$0x3], $0x80, s28, s19, $0xb8;
	[tilespmem:$0x1E800] =	vst v63  }
0x82: {  	_ =	swait.ge [sflag:s22], $0x4000  }
0x83: {  	[sflag:s22] =	ssyncset.done $0x0  }
0x84: {  	s28 =	simm.s32 $0x100;
	[sflag:s22] =	ssyncadd.s32 $0xFFFFC000  }
0x85: {  	[tilespmem:s16], [sflag:$0x1] =	stream.indirect.gather [hbm4b:s0+s19], $0x80, s28, s19, $0xb8;
	[tilespmem:$0x1E800] =	vst v63  }
0x86: {  	_ =	swait.ge [sflag:s23], $0x4000  }
0x87: {  	[sflag:s23] =	ssyncset.done $0x0  }
0x88: {  	s28 =	simm.s32 $0x1480;
	[sflag:s23] =	ssyncadd.s32 $0xFFFFC000  }
0x89: {  	[spmem:s3] =	stream.indirect.scatter.add.f32 [tilespmem:s20], [sflag:$0x4], $0x80, s28, s19, $0xb8;
	[tilespmem:$0x1E800] =	vst v63  }
0x8a: {  	_ =	swait.ge [sflag:s24], $0x4000  }
0x8b: {  	[sflag:s24] =	ssyncset.done $0x0  }
0x8c: {  	s29 =	simm.s32 $0x180;
	s28 =	simm.s32 $0x400;
	[sflag:s24] =	ssyncadd.s32 $0xFFFFC000  }
.LBB2_6:
0x8d: {  	[tilespmem:s20], [sflag:$0x2] =	stream.indirect.gather [hbm4b:s0+s19], $0x80, s29, s19, $0xb8;
	[tilespmem:$0x1E800] =	vst v63  }
0x8e: {  	s29 =	smov.u32 s28  }
0x8f: {  	p0 =	sne.s32 s28, $0x4800;
	s28 =	sadd.s32 $0x400, s28;
	_ =	swait.ge [sflag:s21], $0x4000  }
0x90: {  	s29 =	sshra.s32 s29, $0x2;
	[sflag:s21] =	ssyncset.done $0x0  }
0x91: {  	s30 =	sadd.s32 $0x1400, s29;
	[sflag:s21] =	ssyncadd.s32 $0xFFFFC000  }
0x92: {  	[spmem:s3] =	stream.indirect.scatter.add.f32 [tilespmem:s16], [sflag:$0x3], $0x80, s30, s19, $0xb8;
	[tilespmem:$0x1E800] =	vst v63  }
0x93: {  	_ =	swait.ge [sflag:s22], $0x4000  }
0x94: {  	[sflag:s22] =	ssyncset.done $0x0  }
0x95: {  	s30 =	sadd.s32 $0x100, s29;
	[sflag:s22] =	ssyncadd.s32 $0xFFFFC000  }
0x96: {  	[tilespmem:s16], [sflag:$0x1] =	stream.indirect.gather [hbm4b:s0+s19], $0x80, s30, s19, $0xb8;
	[tilespmem:$0x1E800] =	vst v63  }
0x97: {  	_ =	swait.ge [sflag:s23], $0x4000  }
0x98: {  	[sflag:s23] =	ssyncset.done $0x0  }
.Ltmp2:
0x99: {  	s30 =	sadd.s32 $0x1480, s29;
	[sflag:s23] =	ssyncadd.s32 $0xFFFFC000;
	(pc) =	sbr.rel @p0 .LBB2_6-.Ltmp2, $4  }
0x9a: {  	[spmem:s3] =	stream.indirect.scatter.add.f32 [tilespmem:s20], [sflag:$0x4], $0x80, s30, s19, $0xb8;
	[tilespmem:$0x1E800] =	vst v63  }
0x9b: {  	_ =	swait.ge [sflag:s24], $0x4000  }
0x9c: {  	[sflag:s24] =	ssyncset.done $0x0  }
0x9d: {  	s29 =	sadd.s32 $0x180, s29;
	[sflag:s24] =	ssyncadd.s32 $0xFFFFC000  }
0x9e: {  	[tilespmem:s20], [sflag:$0x2] =	stream.indirect.gather [hbm4b:s0+s19], $0x80, s29, s19, $0xb8;
	[tilespmem:$0x1E800] =	vst v63  }
0x9f: {  	_ =	swait.ge [sflag:s21], $0x4000  }
0xa0: {  	[sflag:s21] =	ssyncset.done $0x0  }
0xa1: {  	[sflag:s21] =	ssyncadd.s32 $0xFFFFC000  }
0xa2: {  	[spmem:s3] =	stream.indirect.scatter.add.f32 [tilespmem:s16], [sflag:$0x3], $0x80, s25, s19, $0xb8;
	[tilespmem:$0x1E800] =	vst v63  }
0xa3: {  	_ =	swait.ge [sflag:s22], $0x4000  }
0xa4: {  	[sflag:s22] =	ssyncset.done $0x0  }
0xa5: {  	[sflag:s22] =	ssyncadd.s32 $0xFFFFC000  }
0xa6: {  	_ =	swait.ge [sflag:s23], $0x4000  }
0xa7: {  	[sflag:s23] =	ssyncset.done $0x0  }
0xa8: {  	[sflag:s23] =	ssyncadd.s32 $0xFFFFC000  }
0xa9: {  	[spmem:s3] =	stream.indirect.scatter.add.f32 [tilespmem:s20], [sflag:$0x4], $0x80, s26, s19, $0xb8;
	[tilespmem:$0x1E800] =	vst v63  }
0xaa: {  	_ =	swait.ge [sflag:s24], $0x4000  }
0xab: {  	s28 =	sshll.u32 s2, $0x6;
	s4 =	sadd.s32 $0x1, s4;
	[sflag:s24] =	ssyncset.done $0x0  }
0xac: {  	s31 =	sshrl.u32 s5, $0x3;
	p0 =	sne.s32 s4, s15;
	[sflag:s24] =	ssyncadd.s32 $0xFFFFC000  }
.Ltmp3:
0xad: {  	s28 =	sor.u32 $0x1C05, s28;
	[bflag:$0x0] =	sbarrier.arrive $0xFFFF;
	(pc) =	sbr.rel @p0 .LBB2_1-.Ltmp3, $4  }
0xae: {  	[hbm:s14], [sflag:s28] =	dma.local [spmem:s31], $0x2800  }
0xaf: {  	_ =	swait.ge [sflag:s17], $0x2800  }
0xb0: {  	[sflag:s17] =	ssyncset.done $0x0  }
0xb1: {  	[sflag:s17] =	ssyncadd.s32 $0xFFFFD800  }
0xb2: {  	_ =	sfence.sel $0x180000  }
0xb3: {  	[bflag:$0x0] =	sbarrier.arrive $0xFFFF  }
0xb4: {  	p0 =	sne.s32 s2, $0x0;
	_ =	strace $0x9000004A  }
0xb5: {  	s0 =	sadd.s32 @!p0 $0x100000, s1;
	[bflag:$0x2] =	sbarrier.arrive $0xFFFF  }
0xb6: {  	[sflag:s0] =	ssyncadd.tile.s32 @!p0 $0x1;
	_ =	shalt  }
.Lfunc_end2:
_tile_overlayer_lowered:
.L_overlay_start_2:
0xb7: {  	(tag) =	ssettag $0x2  }
0xb8: {  	s0 =	rddreg [dreg:$0x0];
	s2 =	stileid.u32  }
0xb9: {  	s1 =	rddreg [dreg:$0x1];
	p0 =	sne.s32 s2, $0x0  }
0xba: {  	s3 =	rddreg [dreg:$0x2];
	[bflag:$0x3] =	sbarrier.arrive $0xFFFF;
	s2 =	simm.s32 @!p0 $0x1C05  }
0xbb: {  	[timem:s3], [sflag:s2] =	dma.local @!p0 [hbm:s0], s1  }
0xbc: {  	s0 =	simm.s32 @!p0 $0x5  }
0xbd: {  	_ =	swait.ge @!p0 [sflag:s0], s1  }
0xbe: {  	s1 =	ssub.s32 @!p0 $0x0, s1;
	[sflag:s0] =	ssyncset.done @!p0 $0x0  }
0xbf: {  	[sflag:s0] =	ssyncadd.s32 @!p0 s1  }
0xc0: {  	[bflag:$0x3] =	sbarrier.arrive $0xFFFF  }
0xc1: {  	_ =	shalt  }

// kernel: kernel.14.cloned.1.call-start
scs
__scs_entry_jumppad:
0x0: {  	(pc) =	sbr.rel $0x88, $3  }
0x1: {  	(tag) =	ssettag $0x0;
	lr =	simm.s32 $0x1  }
0x2: {  	[smem:$0x3F9B] =	sst lr;
	_ =	strace $0xD0000000  }
0x3: {  	_ = 	snop  }
0x4: {  	_ = 	snop  }
0x5: {  	_ = 	snop  }
0x6: {  	_ = 	snop  }
0x7: {  	_ = 	snop  }
__scs_overlays_trampoline_lowered:
0x8: {  	[smem:$0x3FAA] =	sst s0  }
0x9: {  	[smem:$0x3FAB] =	sst s1  }
0xa: {  	[smem:$0x3FAC] =	sst s2  }
0xb: {  	[smem:$0x3FAD] =	sst s3  }
0xc: {  	[smem:$0x3FAE] =	sst s4  }
0xd: {  	[smem:$0x3FAF] =	sst s5  }
0xe: {  	[smem:$0x3FB0] =	sst s6  }
0xf: {  	[smem:$0x3FB1] =	sst s7  }
0x10: {  	[smem:$0x3FB2] =	sst s8  }
0x11: {  	[smem:$0x3FB3] =	sst s9;
	s0 =	simm.s32 @!p0 $0x0  }
0x12: {  	s1 =	sld [smem:$0x3F99];
	s0 =	simm.s32 @p0 $0x1  }
0x13: {  	[smem:$0x3FB4] =	sst s0;
	s0 =	simm.s32 @!p1 $0x0  }
0x14: {  	s2 =	sld [smem:$0x3F98];
	s0 =	simm.s32 @p1 $0x1  }
0x15: {  	[smem:$0x3FB5] =	sst s0;
	s0 =	simm.s32 @!p2 $0x0  }
0x16: {  	s3 =	sld [smem:$0x3FDB];
	s0 =	simm.s32 @p2 $0x1  }
0x17: {  	s4 =	simm.s32 $0x1BF5;
	[smem:$0x3FB7] =	sst s0  }
0x18: {  	s0 =	sld [smem:$0x3F9A];
	_ =	swait.ge [sflag:s4], $0x0  }
0x19: {  	s7 =	sld [smem:$0x3F9B]  }
0x1a: {  	s8 =	sadd.s32 $0xFFFFE003, lr  }
0x1b: {  	s9 =	sadd.s32 $0xFFFFFEF7, lr;
	s5 =	simm.s32 $0xFFFFFFFF;
	p2 =	slt.u32 s8, $0xFFFFF086  }
0x1c: {  	p1 =	slt.u32 s9, $0xF7A;
	s5 =	simm.s32 @!p2 $0x0  }
0x1d: {  	s5 =	simm.s32 @p1 $0x1;
	p0 =	seq.s32 s7, s2  }
0x1e: {  	s7 =	smul.u32 @!p0 $0xF7A, s2;
	p2 =	seq.s32 @!p0 s5, $0x0  }
0x1f: {  	s9 =	smul.u32 $0xF7A, s1;
	s8 =	simm.s32 @!p0 $0x1BF5;
	p2 =	por !p2, p0  }
0x20: {  	[sflag:s8] =	ssyncset.s32 @!p0 $0xFFFFF086;
	s6 =	sadd.s32 @!p0 s3, s7;
	s7 =	simm.s32 @!p0 $0x108  }
0x21: {  	s3 =	sadd.s32 s3, s9;
	s6 =	sadd.s32 @!p0 $0x88, s6;
	s7 =	simm.s32 @p2 $0x1082  }
0x22: {  	[simem:s7], [sflag:s8] =	dma.local @!p0 [hbm:s6], $0xF7A  }
0x23: {  	s9 =	sor.u32 $0xD0000000, s2;
	s6 =	simm.s32 $0x108;
	_ =	swait.ge @!p0 [sflag:s8], $0x0  }
0x24: {  	s3 =	sadd.s32 $0x88, s3;
	s6 =	simm.s32 @!p1 $0x1082;
	[sflag:s4] =	ssyncset.s32 $0xFFFFF086  }
0x25: {  	[simem:s6], [sflag:s4] =	dma.local [hbm:s3], $0xF7A  }
0x26: {  	[smem:$0x3F9B] =	sst s1;
	(tag) =	ssettag s2;
	_ =	strace s9  }
0x27: {  	s1 =	sld [smem:$0x3FAB]  }
0x28: {  	s2 =	sld [smem:$0x3FAC]  }
0x29: {  	s4 =	sld [smem:$0x3FAE]  }
0x2a: {  	p0 =	seq.s32 s5, $0x0;
	s5 =	sld [smem:$0x3FAF]  }
0x2b: {  	s6 =	sld [smem:$0x3FB0]  }
0x2c: {  	s7 =	sld [smem:$0x3FB1]  }
0x2d: {  	s3 =	simm.s32 $0x108;
	s8 =	sld [smem:$0x3FB2]  }
0x2e: {  	s3 =	simm.s32 @!p0 $0x1082;
	s9 =	sld [smem:$0x3FB3]  }
0x2f: {  	lr =	sadd.s32 s0, s3;
	s0 =	sld [smem:$0x3FAA]  }
0x30: {  	s3 =	sld [smem:$0x3FAD]  }
0x31: {  	[smem:$0x3FB6] =	sst s10  }
0x32: {  	s10 =	sld [smem:$0x3FB4];
	_ =	sdelay $0x3  }
0x33: {  	p0 =	seq.s32 s10, $0x1;
	s10 =	sld [smem:$0x3FB6];
	_ =	sdelay $0x3  }
0x34: {  	[smem:$0x3FB6] =	sst s10  }
0x35: {  	s10 =	sld [smem:$0x3FB5];
	_ =	sdelay $0x3  }
0x36: {  	p1 =	seq.s32 s10, $0x1;
	s10 =	sld [smem:$0x3FB6];
	_ =	sdelay $0x3  }
0x37: {  	[smem:$0x3FB6] =	sst s10  }
0x38: {  	s10 =	sld [smem:$0x3FB7]  }
0x39: {  	_ = 	snop;
	(pc) =	sbr.ind lr, $3  }
0x3a: {  	_ = 	snop  }
0x3b: {  	_ = 	snop  }
0x3c: {  	p2 =	seq.s32 s10, $0x1;
	s10 =	sld [smem:$0x3FB6]  }
0x3d: {  	_ =	shalt  }
0x3e: {  	_ =	shalt  }
0x3f: {  	_ =	shalt  }
0x40: {  	_ =	shalt  }
0x41: {  	_ =	shalt  }
0x42: {  	_ =	shalt  }
0x43: {  	_ =	shalt  }
0x44: {  	_ =	shalt  }
0x45: {  	_ =	shalt  }
0x46: {  	_ =	shalt  }
0x47: {  	_ =	shalt  }
0x48: {  	_ =	shalt  }
0x49: {  	_ =	shalt  }
0x4a: {  	_ =	shalt  }
0x4b: {  	_ =	shalt  }
0x4c: {  	_ =	shalt  }
0x4d: {  	_ =	shalt  }
0x4e: {  	_ =	shalt  }
0x4f: {  	_ =	shalt  }
0x50: {  	_ =	shalt  }
0x51: {  	_ =	shalt  }
0x52: {  	_ =	shalt  }
0x53: {  	_ =	shalt  }
0x54: {  	_ =	shalt  }
0x55: {  	_ =	shalt  }
0x56: {  	_ =	shalt  }
0x57: {  	_ =	shalt  }
0x58: {  	_ =	shalt  }
0x59: {  	_ =	shalt  }
0x5a: {  	_ =	shalt  }
0x5b: {  	_ =	shalt  }
0x5c: {  	_ =	shalt  }
0x5d: {  	_ =	shalt  }
0x5e: {  	_ =	shalt  }
0x5f: {  	_ =	shalt  }
0x60: {  	_ =	shalt  }
0x61: {  	_ =	shalt  }
0x62: {  	_ =	shalt  }
0x63: {  	_ =	shalt  }
0x64: {  	_ =	shalt  }
0x65: {  	_ =	shalt  }
0x66: {  	_ =	shalt  }
0x67: {  	_ =	shalt  }
0x68: {  	_ =	shalt  }
0x69: {  	_ =	shalt  }
0x6a: {  	_ =	shalt  }
0x6b: {  	_ =	shalt  }
0x6c: {  	_ =	shalt  }
0x6d: {  	_ =	shalt  }
0x6e: {  	_ =	shalt  }
0x6f: {  	_ =	shalt  }
0x70: {  	_ =	shalt  }
0x71: {  	_ =	shalt  }
0x72: {  	_ =	shalt  }
0x73: {  	_ =	shalt  }
0x74: {  	_ =	shalt  }
0x75: {  	_ =	shalt  }
0x76: {  	_ =	shalt  }
0x77: {  	_ =	shalt  }
0x78: {  	_ =	shalt  }
0x79: {  	_ =	shalt  }
0x7a: {  	_ =	shalt  }
0x7b: {  	_ =	shalt  }
0x7c: {  	_ =	shalt  }
0x7d: {  	_ =	shalt  }
0x7e: {  	_ =	shalt  }
0x7f: {  	_ =	shalt  }
0x80: {  	_ =	shalt  }
0x81: {  	_ =	shalt  }
0x82: {  	_ =	shalt  }
0x83: {  	_ =	shalt  }
0x84: {  	_ =	shalt  }
0x85: {  	_ =	shalt  }
0x86: {  	_ =	shalt  }
0x87: {  	_ =	shalt  }
.Lfunc_end0:
.L_simem_size_0:
called_computation.2_lowered:
.L_overlay_start_0:
0x88: {  	s2 =	sld [smem:$0x3FD9]  }
0x89: {  	s3 =	sld [smem:$0x3FFE];
	_ =	sdelay $0x1  }
0x8a: {  	s1 =	srdreg.scid  }
0x8b: {  	s0 =	sand.u32 $0x1, s1  }
0x8c: {  	s17 =	sshll.u32 s0, $0xA;
	s2 =	sadd.s32 s3, s2  }
0x8d: {  	s2 =	sadd.s32 s2, s17  }
0x8e: {  	[smem:$0x3FC2] =	sst s2  }
0x8f: {  	_ = 	snop  }
0x90: {  	s2 =	sld [smem:$0x3FD0];
	(tm) =	ssettm $0x1  }
0x91: {  	s18 =	sld [smem:$0x3FFB];
	_ =	sdelay $0x3  }
0x92: {  	_ =	strace s18  }
0x93: {  	s3 =	sld [smem:$0x3FFC];
	_ =	sdelay $0x3  }
0x94: {  	_ =	strace s3  }
0x95: {  	s3 =	sld [smem:$0x3FFD];
	_ =	sdelay $0x3  }
0x96: {  	_ =	strace s3  }
0x97: {  	_ =	strace $0x8FFFFFFF  }
0x98: {  	s19 =	sld [smem:$0x3FDB];
	_ =	sdelay $0x1  }
0x99: {  	s4 =	simm.s32 $_scs_section_size  }
0x9a: {  	s5 =	simm.s32 $_size__tile_overlayer_lowered;
	s6 =	simm.s32 $_tile_overlayer_lowered  }
0x9b: {  	s22 =	simm.s32 $0x1BFF;
	s21 =	sshll.u32 s6, $0x1;
	s3 =	sadd.s32 s4, s19  }
0x9c: {  	s7 =	simm.s32 $0x0;
	s20 =	sshll.u32 s5, $0x1;
	s5 =	sadd.s32 s21, s3  }
0x9d: {  	[timem:s7], [sflag:s22] =	dma.local [hbm:s5], s20  }
0x9e: {  	_ =	swait.ge [sflag:s22], s20  }
0x9f: {  	s4 =	ssub.s32 $0x0, s20;
	[sflag:s22] =	ssyncset.done $0x0  }
0xa0: {  	[sflag:s22] =	ssyncadd.s32 s4;
	_ =	sdelay $0x1  }
0xa1: {  	s23 =	simm.s32 $0x1B8B  }
0xa2: {  	_ =	swait.ge [sflag:s23], $0x1  }
0xa3: {  	[sflag:s23] =	ssyncset.done $0x0  }
0xa4: {  	s25 =	simm.s32 $0x1B8E;
	s24 =	sld [smem:$0x3FFE];
	[sflag:s23] =	ssyncadd.s32 $0xFFFFFFFF  }
0xa5: {  	s26 =	simm.s32 $execute0_lowered;
	[smem:$0x3FD2] =	sst s25  }
0xa6: {  	s5 =	sshll.u32 s26, $0x1;
	_ =	strace $0x8000004C;
	[dreg:$0x1] =	wrdreg $0xFFFFFFFF  }
0xa7: {  	s28 =	simm.s32 $_size_execute0_lowered;
	s3 =	sadd.s32 s3, s5;
	[dreg:$0x0] =	wrdreg $0x0  }
0xa8: {  	s5 =	sshll.u32 s28, $0x1;
	[dreg:$0x2] =	wrdreg s3  }
0xa9: {  	[dreg:$0x3] =	wrdreg s5  }
0xaa: {  	[dreg:$0x4] =	wrdreg $0xC0  }
0xab: {  	_ =	task [dreg:s7], $0x5FFFF  }
0xac: {  	[dreg:$0x1] =	wrdreg $0xFFFFFFFF  }
0xad: {  	[dreg:$0x0] =	wrdreg $0x60  }
0xae: {  	[dreg:$0x2] =	wrdreg s2  }
0xaf: {  	[dreg:$0x3] =	wrdreg s24  }
0xb0: {  	[dreg:$0x4] =	wrdreg $0xA8000  }
0xb1: {  	[dreg:$0x5] =	wrdreg $0x9  }
0xb2: {  	_ =	task.clear_ibuf [dreg:s7], $0x6FFFF;
	_ =	strace $0x9000004C  }
0xb3: {  	s29 =	simm.s32 $0x9;
	_ =	strace $0x8000004E  }
0xb4: {  	_ =	swait.ge [sflag:s29], $0x1  }
0xb5: {  	[sflag:s29] =	ssyncadd.s32 $0xFFFFFFFF  }
0xb6: {  	_ =	strace $0x9000004E  }
0xb7: {  	_ =	sfence  }
0xb8: {  	s30 =	sld [smem:$0x0];
	_ =	sdelay $0x2  }
0xb9: {  	s31 =	sshll.u32 s1, $0xD;
	s1 =	sshrl.u32 s1, $0x2  }
0xba: {  	s3 =	sand.u32 $0x4000, s31;
	s1 =	sadd.s32 s1, s30  }
0xbb: {  	s0 =	sor.u32 s3, s0;
	s1 =	sshll.u32 s1, $0x11  }
0xbc: {  	s0 =	sor.u32 s1, s0  }
0xbd: {  	s0 =	sadd.s32 $0x8F2B, s0  }
0xbe: {  	[sflag:s0] =	ssyncadd.remote.s32 $0x1  }
0xbf: {  	_ =	sfence.sel $0xFFFF  }
0xc0: {  	[dreg:$0x0] =	wrdreg $0xFFFFFFFF;
	(pc) =	sbr.abs _section_cstart, $3  }
0xc1: {  	[dreg:$0x1] =	wrdreg $0xFFFFFFFF  }
0xc2: {  	_ =	task.clear_ibuf [dreg:s7], $0x2FFFF;
	_ =	strace $0x9FFFFFFF  }
0xc3: {  	(tm) =	ssettm $0x7FFFFFFF  }
tec
execute0_lowered:
.L_overlay_start_1:
0x0: {  	(tag) =	ssettag $0x1  }
0x1: {  	s0 =	rddreg [dreg:$0x0]  }
0x2: {  	s5 =	rddreg [dreg:$0x1]  }
0x3: {  	s1 =	srdreg.scid;
	s3 =	rddreg [dreg:$0x2]  }
0x4: {  	s2 =	stileid.u32;
	s4 =	simm.s32 $0x0;
	s17 =	simm.s32 $0x5  }
0x5: {  	s18 =	simm.s32 $0x1400;
	s19 =	simm.s32 $0x80;
	s20 =	simm.s32 $0x6800  }
0x6: {  	s21 =	simm.s32 $0x1;
	s22 =	simm.s32 $0x3;
	s23 =	simm.s32 $0x2  }
0x7: {  	s24 =	simm.s32 $0x4;
	s6 =	sand.u32 $0x1, s1;
	s1 =	rddreg [dreg:$0x3]  }
0x8: {  	s25 =	simm.s32 $0x2700;
	s8 =	smul.u32 $0x14000, s2;
	[smem:$0x7FF] =	sst s4  }
0x9: {  	s12 =	sadd.s32 $0xC800, s5;
	s26 =	smul.u32 $0x50000, s2;
	s13 =	sadd.s32 $0x2800, s5  }
0xa: {  	s28 =	sshll.u32 s2, $0x1;
	s7 =	smul.u32 $0x140000, s6;
	_ =	strace $0x8000004D  }
0xb: {  	s29 =	ssub.s32 $0x2, s6;
	s6 =	sor.u32 s6, s28;
	s30 =	sshrl.u32 s26, $0x2  }
0xc: {  	s31 =	sshrl.u32 s29, $0x1;
	s10 =	smul.u32 $0x2800, s6;
	s7 =	sadd.s32 s8, s7  }
0xd: {  	s26 =	simm.s32 $0x2780;
	s15 =	ssub.s32 s29, s31;
	s7 =	sshrl.u32 s7, $0x3  }
0xe: {  	s16 =	sshrl.u32 s10, $0x3;
	s15 =	smax.u32 s15, $0x1;
	s14 =	sadd.s32 s7, s5  }
0xf: {  	s5 =	sadd.s32 s30, s3;
	s10 =	sadd.s32 s12, s16;
	s11 =	sadd.s32 s13, s16  }
0x10: {  	s16 =	sadd.s32 $0x280, s16;
	s6 =	sadd.s32 $0x4000, s5;
	s7 =	sadd.s32 $0x8000, s5  }
0x11: {  	s8 =	sadd.s32 $0xC000, s5;
	s9 =	sadd.s32 $0x10000, s5;
	s12 =	sadd.s32 s12, s16  }
0x12: {  	v0 =	vimm.f32 $0.0e+00;
	s13 =	sadd.s32 s13, s16;
	s14 =	sadd.s32 $0x66800, s14;
	s16 =	simm.s32 $0x2800  }
.LBB2_1:
0x13: {  	s28 =	simm.s32 $0x0;
	s29 =	simm.s32 $0x200  }
.LBB2_2:
0x14: {  	p0 =	sne.s32 s29, $0xFE00;
	[tilespmem:s28+$0x2870] =	vst v0  }
0x15: {  	[tilespmem:s28+$0x2800] =	vst v0  }
0x16: {  	[tilespmem:s28+$0x2810] =	vst v0  }
.Ltmp0:
0x17: {  	[tilespmem:s28+$0x2820] =	vst v0;
	(pc) =	sbr.rel @p0 .LBB2_2-.Ltmp0, $4  }
0x18: {  	[tilespmem:s28+$0x2830] =	vst v0  }
0x19: {  	[tilespmem:s28+$0x2840] =	vst v0  }
0x1a: {  	[tilespmem:s28+$0x2850] =	vst v0  }
0x1b: {  	[tilespmem:s28+$0x2860] =	vst v0;
	s28 =	sshra.s32 s29, $0x2;
	s29 =	sadd.s32 $0x200, s29  }
0x1c: {  	[tilespmem:s28+$0x2870] =	vst v0  }
0x1d: {  	[tilespmem:s28+$0x2800] =	vst v0  }
0x1e: {  	[tilespmem:s28+$0x2810] =	vst v0  }
0x1f: {  	[tilespmem:s28+$0x2820] =	vst v0  }
0x20: {  	[tilespmem:s28+$0x2830] =	vst v0  }
0x21: {  	[tilespmem:s28+$0x2840] =	vst v0  }
0x22: {  	[tilespmem:s28+$0x2850] =	vst v0  }
0x23: {  	[tilespmem:s28+$0x2860] =	vst v0  }
0x24: {  	[spmem:s5] =	stream.linear.scatter [tilespmem:s16], [sflag:$0x5], $0x4000, $0x38;
	[tilespmem:$0x1E800] =	vst v63  }
0x25: {  	_ =	swait.ge [sflag:s17], $0x4000  }
0x26: {  	[sflag:s17] =	ssyncset.done $0x0  }
0x27: {  	[sflag:s17] =	ssyncadd.s32 $0xFFFFC000  }
0x28: {  	[spmem:s6] =	stream.linear.scatter [tilespmem:s16], [sflag:$0x5], $0x4000, $0x38;
	[tilespmem:$0x1E800] =	vst v63  }
0x29: {  	_ =	swait.ge [sflag:s17], $0x4000  }
0x2a: {  	[sflag:s17] =	ssyncset.done $0x0  }
0x2b: {  	[sflag:s17] =	ssyncadd.s32 $0xFFFFC000  }
0x2c: {  	[spmem:s7] =	stream.linear.scatter [tilespmem:s16], [sflag:$0x5], $0x4000, $0x38;
	[tilespmem:$0x1E800] =	vst v63  }
0x2d: {  	_ =	swait.ge [sflag:s17], $0x4000  }
0x2e: {  	[sflag:s17] =	ssyncset.done $0x0  }
0x2f: {  	[sflag:s17] =	ssyncadd.s32 $0xFFFFC000  }
0x30: {  	[spmem:s8] =	stream.linear.scatter [tilespmem:s16], [sflag:$0x5], $0x4000, $0x38;
	[tilespmem:$0x1E800] =	vst v63  }
0x31: {  	_ =	swait.ge [sflag:s17], $0x4000  }
0x32: {  	[sflag:s17] =	ssyncset.done $0x0  }
0x33: {  	[sflag:s17] =	ssyncadd.s32 $0xFFFFC000  }
0x34: {  	[spmem:s9] =	stream.linear.scatter [tilespmem:s16], [sflag:$0x5], $0x4000, $0x38;
	[tilespmem:$0x1E800] =	vst v63  }
0x35: {  	_ =	swait.ge [sflag:s17], $0x4000  }
0x36: {  	[sflag:s17] =	ssyncset.done $0x0  }
0x37: {  	[sflag:s17] =	ssyncadd.s32 $0xFFFFC000  }
0x38: {  	s28 =	simm.s32 $0x0;
	[bflag:$0x0] =	sbarrier.arrive $0xFFFF  }
0x39: {  	[tilespmem:s28], [sflag:$0x5] =	stream.linear.gather [hbm4b:s10+s28], $0x1400, $0x38;
	[tilespmem:$0x1E800] =	vst v63  }
0x3a: {  	_ =	swait.ge [sflag:s17], $0x1400  }
0x3b: {  	[sflag:s17] =	ssyncset.done $0x0  }
0x3c: {  	[sflag:s17] =	ssyncadd.s32 $0xFFFFEC00  }
0x3d: {  	[tilespmem:s18], [sflag:$0x5] =	stream.linear.gather [hbm4b:s11+s28], $0x1400, $0x38;
	[tilespmem:$0x1E800] =	vst v63  }
0x3e: {  	_ =	swait.ge [sflag:s17], $0x1400  }
0x3f: {  	[sflag:s17] =	ssyncset.done $0x0  }
0x40: {  	[sflag:s17] =	ssyncadd.s32 $0xFFFFEC00  }
0x41: {  	[tilespmem:s16], [sflag:$0x1] =	stream.indirect.gather [hbm4b:s0+s19], $0x80, s28, s19, $0xb8;
	[tilespmem:$0x1E800] =	vst v63  }
0x42: {  	_ = 	snop  }
0x43: {  	[tilespmem:s20], [sflag:$0x2] =	stream.indirect.gather [hbm4b:s0+s19], $0x80, s19, s19, $0xb8;
	[tilespmem:$0x1E800] =	vst v63  }
0x44: {  	_ =	swait.ge [sflag:s21], $0x4000  }
0x45: {  	[sflag:s21] =	ssyncset.done $0x0  }
0x46: {  	s28 =	simm.s32 $0x1400;
	[sflag:s21] =	ssyncadd.s32 $0xFFFFC000  }
0x47: {  	[spmem:s3] =	stream.indirect.scatter.add.f32 [tilespmem:s16], [sflag:$0x3], $0x80, s28, s19, $0xb8;
	[tilespmem:$0x1E800] =	vst v63  }
0x48: {  	_ =	swait.ge [sflag:s22], $0x4000  }
0x49: {  	[sflag:s22] =	ssyncset.done $0x0  }
0x4a: {  	s28 =	simm.s32 $0x100;
	[sflag:s22] =	ssyncadd.s32 $0xFFFFC000  }
0x4b: {  	[tilespmem:s16], [sflag:$0x1] =	stream.indirect.gather [hbm4b:s0+s19], $0x80, s28, s19, $0xb8;
	[tilespmem:$0x1E800] =	vst v63  }
0x4c: {  	_ =	swait.ge [sflag:s23], $0x4000  }
0x4d: {  	[sflag:s23] =	ssyncset.done $0x0  }
0x4e: {  	s28 =	simm.s32 $0x1480;
	[sflag:s23] =	ssyncadd.s32 $0xFFFFC000  }
0x4f: {  	[spmem:s3] =	stream.indirect.scatter.add.f32 [tilespmem:s20], [sflag:$0x4], $0x80, s28, s19, $0xb8;
	[tilespmem:$0x1E800] =	vst v63  }
0x50: {  	_ =	swait.ge [sflag:s24], $0x4000  }
0x51: {  	[sflag:s24] =	ssyncset.done $0x0  }
0x52: {  	s29 =	simm.s32 $0x180;
	s28 =	simm.s32 $0x400;
	[sflag:s24] =	ssyncadd.s32 $0xFFFFC000  }
.LBB2_4:
0x53: {  	[tilespmem:s20], [sflag:$0x2] =	stream.indirect.gather [hbm4b:s0+s19], $0x80, s29, s19, $0xb8;
	[tilespmem:$0x1E800] =	vst v63  }
0x54: {  	s29 =	smov.u32 s28  }
0x55: {  	p0 =	sne.s32 s28, $0x4800;
	s28 =	sadd.s32 $0x400, s28;
	_ =	swait.ge [sflag:s21], $0x4000  }
0x56: {  	s29 =	sshra.s32 s29, $0x2;
	[sflag:s21] =	ssyncset.done $0x0  }
0x57: {  	s30 =	sadd.s32 $0x1400, s29;
	[sflag:s21] =	ssyncadd.s32 $0xFFFFC000  }
0x58: {  	[spmem:s3] =	stream.indirect.scatter.add.f32 [tilespmem:s16], [sflag:$0x3], $0x80, s30, s19, $0xb8;
	[tilespmem:$0x1E800] =	vst v63  }
0x59: {  	_ =	swait.ge [sflag:s22], $0x4000  }
0x5a: {  	[sflag:s22] =	ssyncset.done $0x0  }
0x5b: {  	s30 =	sadd.s32 $0x100, s29;
	[sflag:s22] =	ssyncadd.s32 $0xFFFFC000  }
0x5c: {  	[tilespmem:s16], [sflag:$0x1] =	stream.indirect.gather [hbm4b:s0+s19], $0x80, s30, s19, $0xb8;
	[tilespmem:$0x1E800] =	vst v63  }
0x5d: {  	_ =	swait.ge [sflag:s23], $0x4000  }
0x5e: {  	[sflag:s23] =	ssyncset.done $0x0  }
.Ltmp1:
0x5f: {  	s30 =	sadd.s32 $0x1480, s29;
	[sflag:s23] =	ssyncadd.s32 $0xFFFFC000;
	(pc) =	sbr.rel @p0 .LBB2_4-.Ltmp1, $4  }
0x60: {  	[spmem:s3] =	stream.indirect.scatter.add.f32 [tilespmem:s20], [sflag:$0x4], $0x80, s30, s19, $0xb8;
	[tilespmem:$0x1E800] =	vst v63  }
0x61: {  	_ =	swait.ge [sflag:s24], $0x4000  }
0x62: {  	[sflag:s24] =	ssyncset.done $0x0  }
0x63: {  	s29 =	sadd.s32 $0x180, s29;
	[sflag:s24] =	ssyncadd.s32 $0xFFFFC000  }
0x64: {  	[tilespmem:s20], [sflag:$0x2] =	stream.indirect.gather [hbm4b:s0+s19], $0x80, s29, s19, $0xb8;
	[tilespmem:$0x1E800] =	vst v63  }
0x65: {  	_ =	swait.ge [sflag:s21], $0x4000  }
0x66: {  	[sflag:s21] =	ssyncset.done $0x0  }
0x67: {  	[sflag:s21] =	ssyncadd.s32 $0xFFFFC000  }
0x68: {  	[spmem:s3] =	stream.indirect.scatter.add.f32 [tilespmem:s16], [sflag:$0x3], $0x80, s25, s19, $0xb8;
	[tilespmem:$0x1E800] =	vst v63  }
0x69: {  	_ =	swait.ge [sflag:s22], $0x4000  }
0x6a: {  	[sflag:s22] =	ssyncset.done $0x0  }
0x6b: {  	[sflag:s22] =	ssyncadd.s32 $0xFFFFC000  }
0x6c: {  	_ =	swait.ge [sflag:s23], $0x4000  }
0x6d: {  	[sflag:s23] =	ssyncset.done $0x0  }
0x6e: {  	[sflag:s23] =	ssyncadd.s32 $0xFFFFC000  }
0x6f: {  	[spmem:s3] =	stream.indirect.scatter.add.f32 [tilespmem:s20], [sflag:$0x4], $0x80, s26, s19, $0xb8;
	[tilespmem:$0x1E800] =	vst v63  }
0x70: {  	_ =	swait.ge [sflag:s24], $0x4000  }
0x71: {  	[sflag:s24] =	ssyncset.done $0x0  }
0x72: {  	s28 =	simm.s32 $0x0;
	[sflag:s24] =	ssyncadd.s32 $0xFFFFC000  }
0x73: {  	[tilespmem:s28], [sflag:$0x5] =	stream.linear.gather [hbm4b:s12+s28], $0x1400, $0x38;
	[tilespmem:$0x1E800] =	vst v63  }
0x74: {  	_ =	swait.ge [sflag:s17], $0x1400  }
0x75: {  	[sflag:s17] =	ssyncset.done $0x0  }
0x76: {  	[sflag:s17] =	ssyncadd.s32 $0xFFFFEC00  }
0x77: {  	[tilespmem:s18], [sflag:$0x5] =	stream.linear.gather [hbm4b:s13+s28], $0x1400, $0x38;
	[tilespmem:$0x1E800] =	vst v63  }
0x78: {  	_ =	swait.ge [sflag:s17], $0x1400  }
0x79: {  	[sflag:s17] =	ssyncset.done $0x0  }
0x7a: {  	[sflag:s17] =	ssyncadd.s32 $0xFFFFEC00  }
0x7b: {  	[tilespmem:s16], [sflag:$0x1] =	stream.indirect.gather [hbm4b:s0+s19], $0x80, s28, s19, $0xb8;
	[tilespmem:$0x1E800] =	vst v63  }
0x7c: {  	_ = 	snop  }
0x7d: {  	[tilespmem:s20], [sflag:$0x2] =	stream.indirect.gather [hbm4b:s0+s19], $0x80, s19, s19, $0xb8;
	[tilespmem:$0x1E800] =	vst v63  }
0x7e: {  	_ =	swait.ge [sflag:s21], $0x4000  }
0x7f: {  	[sflag:s21] =	ssyncset.done $0x0  }
0x80: {  	s28 =	simm.s32 $0x1400;
	[sflag:s21] =	ssyncadd.s32 $0xFFFFC000  }
0x81: {  	[spmem:s3] =	stream.indirect.scatter.add.f32 [tilespmem:s16], [sflag:$0x3], $0x80, s28, s19, $0xb8;
	[tilespmem:$0x1E800] =	vst v63  }
0x82: {  	_ =	swait.ge [sflag:s22], $0x4000  }
0x83: {  	[sflag:s22] =	ssyncset.done $0x0  }
0x84: {  	s28 =	simm.s32 $0x100;
	[sflag:s22] =	ssyncadd.s32 $0xFFFFC000  }
0x85: {  	[tilespmem:s16], [sflag:$0x1] =	stream.indirect.gather [hbm4b:s0+s19], $0x80, s28, s19, $0xb8;
	[tilespmem:$0x1E800] =	vst v63  }
0x86: {  	_ =	swait.ge [sflag:s23], $0x4000  }
0x87: {  	[sflag:s23] =	ssyncset.done $0x0  }
0x88: {  	s28 =	simm.s32 $0x1480;
	[sflag:s23] =	ssyncadd.s32 $0xFFFFC000  }
0x89: {  	[spmem:s3] =	stream.indirect.scatter.add.f32 [tilespmem:s20], [sflag:$0x4], $0x80, s28, s19, $0xb8;
	[tilespmem:$0x1E800] =	vst v63  }
0x8a: {  	_ =	swait.ge [sflag:s24], $0x4000  }
0x8b: {  	[sflag:s24] =	ssyncset.done $0x0  }
0x8c: {  	s29 =	simm.s32 $0x180;
	s28 =	simm.s32 $0x400;
	[sflag:s24] =	ssyncadd.s32 $0xFFFFC000  }
.LBB2_6:
0x8d: {  	[tilespmem:s20], [sflag:$0x2] =	stream.indirect.gather [hbm4b:s0+s19], $0x80, s29, s19, $0xb8;
	[tilespmem:$0x1E800] =	vst v63  }
0x8e: {  	s29 =	smov.u32 s28  }
0x8f: {  	p0 =	sne.s32 s28, $0x4800;
	s28 =	sadd.s32 $0x400, s28;
	_ =	swait.ge [sflag:s21], $0x4000  }
0x90: {  	s29 =	sshra.s32 s29, $0x2;
	[sflag:s21] =	ssyncset.done $0x0  }
0x91: {  	s30 =	sadd.s32 $0x1400, s29;
	[sflag:s21] =	ssyncadd.s32 $0xFFFFC000  }
0x92: {  	[spmem:s3] =	stream.indirect.scatter.add.f32 [tilespmem:s16], [sflag:$0x3], $0x80, s30, s19, $0xb8;
	[tilespmem:$0x1E800] =	vst v63  }
0x93: {  	_ =	swait.ge [sflag:s22], $0x4000  }
0x94: {  	[sflag:s22] =	ssyncset.done $0x0  }
0x95: {  	s30 =	sadd.s32 $0x100, s29;
	[sflag:s22] =	ssyncadd.s32 $0xFFFFC000  }
0x96: {  	[tilespmem:s16], [sflag:$0x1] =	stream.indirect.gather [hbm4b:s0+s19], $0x80, s30, s19, $0xb8;
	[tilespmem:$0x1E800] =	vst v63  }
0x97: {  	_ =	swait.ge [sflag:s23], $0x4000  }
0x98: {  	[sflag:s23] =	ssyncset.done $0x0  }
.Ltmp2:
0x99: {  	s30 =	sadd.s32 $0x1480, s29;
	[sflag:s23] =	ssyncadd.s32 $0xFFFFC000;
	(pc) =	sbr.rel @p0 .LBB2_6-.Ltmp2, $4  }
0x9a: {  	[spmem:s3] =	stream.indirect.scatter.add.f32 [tilespmem:s20], [sflag:$0x4], $0x80, s30, s19, $0xb8;
	[tilespmem:$0x1E800] =	vst v63  }
0x9b: {  	_ =	swait.ge [sflag:s24], $0x4000  }
0x9c: {  	[sflag:s24] =	ssyncset.done $0x0  }
0x9d: {  	s29 =	sadd.s32 $0x180, s29;
	[sflag:s24] =	ssyncadd.s32 $0xFFFFC000  }
0x9e: {  	[tilespmem:s20], [sflag:$0x2] =	stream.indirect.gather [hbm4b:s0+s19], $0x80, s29, s19, $0xb8;
	[tilespmem:$0x1E800] =	vst v63  }
0x9f: {  	_ =	swait.ge [sflag:s21], $0x4000  }
0xa0: {  	[sflag:s21] =	ssyncset.done $0x0  }
0xa1: {  	[sflag:s21] =	ssyncadd.s32 $0xFFFFC000  }
0xa2: {  	[spmem:s3] =	stream.indirect.scatter.add.f32 [tilespmem:s16], [sflag:$0x3], $0x80, s25, s19, $0xb8;
	[tilespmem:$0x1E800] =	vst v63  }
0xa3: {  	_ =	swait.ge [sflag:s22], $0x4000  }
0xa4: {  	[sflag:s22] =	ssyncset.done $0x0  }
0xa5: {  	[sflag:s22] =	ssyncadd.s32 $0xFFFFC000  }
0xa6: {  	_ =	swait.ge [sflag:s23], $0x4000  }
0xa7: {  	[sflag:s23] =	ssyncset.done $0x0  }
0xa8: {  	[sflag:s23] =	ssyncadd.s32 $0xFFFFC000  }
0xa9: {  	[spmem:s3] =	stream.indirect.scatter.add.f32 [tilespmem:s20], [sflag:$0x4], $0x80, s26, s19, $0xb8;
	[tilespmem:$0x1E800] =	vst v63  }
0xaa: {  	_ =	swait.ge [sflag:s24], $0x4000  }
0xab: {  	s28 =	sshll.u32 s2, $0x6;
	s4 =	sadd.s32 $0x1, s4;
	[sflag:s24] =	ssyncset.done $0x0  }
0xac: {  	s31 =	sshrl.u32 s5, $0x3;
	p0 =	sne.s32 s4, s15;
	[sflag:s24] =	ssyncadd.s32 $0xFFFFC000  }
.Ltmp3:
0xad: {  	s28 =	sor.u32 $0x1C05, s28;
	[bflag:$0x0] =	sbarrier.arrive $0xFFFF;
	(pc) =	sbr.rel @p0 .LBB2_1-.Ltmp3, $4  }
0xae: {  	[hbm:s14], [sflag:s28] =	dma.local [spmem:s31], $0x2800  }
0xaf: {  	_ =	swait.ge [sflag:s17], $0x2800  }
0xb0: {  	[sflag:s17] =	ssyncset.done $0x0  }
0xb1: {  	[sflag:s17] =	ssyncadd.s32 $0xFFFFD800  }
0xb2: {  	_ =	sfence.sel $0x180000  }
0xb3: {  	[bflag:$0x0] =	sbarrier.arrive $0xFFFF  }
0xb4: {  	p0 =	sne.s32 s2, $0x0;
	_ =	strace $0x9000004D  }
0xb5: {  	s0 =	sadd.s32 @!p0 $0x100000, s1;
	[bflag:$0x2] =	sbarrier.arrive $0xFFFF  }
0xb6: {  	[sflag:s0] =	ssyncadd.tile.s32 @!p0 $0x1;
	_ =	shalt  }
.Lfunc_end2:
_tile_overlayer_lowered:
.L_overlay_start_2:
0xb7: {  	(tag) =	ssettag $0x2  }
0xb8: {  	s0 =	rddreg [dreg:$0x0];
	s2 =	stileid.u32  }
0xb9: {  	s1 =	rddreg [dreg:$0x1];
	p0 =	sne.s32 s2, $0x0  }
0xba: {  	s3 =	rddreg [dreg:$0x2];
	[bflag:$0x3] =	sbarrier.arrive $0xFFFF;
	s2 =	simm.s32 @!p0 $0x1C05  }
0xbb: {  	[timem:s3], [sflag:s2] =	dma.local @!p0 [hbm:s0], s1  }
0xbc: {  	s0 =	simm.s32 @!p0 $0x5  }
0xbd: {  	_ =	swait.ge @!p0 [sflag:s0], s1  }
0xbe: {  	s1 =	ssub.s32 @!p0 $0x0, s1;
	[sflag:s0] =	ssyncset.done @!p0 $0x0  }
0xbf: {  	[sflag:s0] =	ssyncadd.s32 @!p0 s1  }
0xc0: {  	[bflag:$0x3] =	sbarrier.arrive $0xFFFF  }
0xc1: {  	_ =	shalt  }

// kernel: kernel.8.cloned.1.call-start
scs
__scs_entry_jumppad:
0x0: {  	(pc) =	sbr.rel $0x88, $3  }
0x1: {  	(tag) =	ssettag $0x0;
	lr =	simm.s32 $0x1  }
0x2: {  	[smem:$0x3F9B] =	sst lr;
	_ =	strace $0xD0000000  }
0x3: {  	_ = 	snop  }
0x4: {  	_ = 	snop  }
0x5: {  	_ = 	snop  }
0x6: {  	_ = 	snop  }
0x7: {  	_ = 	snop  }
__scs_overlays_trampoline_lowered:
0x8: {  	[smem:$0x3FAA] =	sst s0  }
0x9: {  	[smem:$0x3FAB] =	sst s1  }
0xa: {  	[smem:$0x3FAC] =	sst s2  }
0xb: {  	[smem:$0x3FAD] =	sst s3  }
0xc: {  	[smem:$0x3FAE] =	sst s4  }
0xd: {  	[smem:$0x3FAF] =	sst s5  }
0xe: {  	[smem:$0x3FB0] =	sst s6  }
0xf: {  	[smem:$0x3FB1] =	sst s7  }
0x10: {  	[smem:$0x3FB2] =	sst s8  }
0x11: {  	[smem:$0x3FB3] =	sst s9;
	s0 =	simm.s32 @!p0 $0x0  }
0x12: {  	s1 =	sld [smem:$0x3F99];
	s0 =	simm.s32 @p0 $0x1  }
0x13: {  	[smem:$0x3FB4] =	sst s0;
	s0 =	simm.s32 @!p1 $0x0  }
0x14: {  	s2 =	sld [smem:$0x3F98];
	s0 =	simm.s32 @p1 $0x1  }
0x15: {  	[smem:$0x3FB5] =	sst s0;
	s0 =	simm.s32 @!p2 $0x0  }
0x16: {  	s3 =	sld [smem:$0x3FDB];
	s0 =	simm.s32 @p2 $0x1  }
0x17: {  	s4 =	simm.s32 $0x1BF5;
	[smem:$0x3FB7] =	sst s0  }
0x18: {  	s0 =	sld [smem:$0x3F9A];
	_ =	swait.ge [sflag:s4], $0x0  }
0x19: {  	s7 =	sld [smem:$0x3F9B]  }
0x1a: {  	s8 =	sadd.s32 $0xFFFFE003, lr  }
0x1b: {  	s9 =	sadd.s32 $0xFFFFFEF7, lr;
	s5 =	simm.s32 $0xFFFFFFFF;
	p2 =	slt.u32 s8, $0xFFFFF086  }
0x1c: {  	p1 =	slt.u32 s9, $0xF7A;
	s5 =	simm.s32 @!p2 $0x0  }
0x1d: {  	s5 =	simm.s32 @p1 $0x1;
	p0 =	seq.s32 s7, s2  }
0x1e: {  	s7 =	smul.u32 @!p0 $0xF7A, s2;
	p2 =	seq.s32 @!p0 s5, $0x0  }
0x1f: {  	s9 =	smul.u32 $0xF7A, s1;
	s8 =	simm.s32 @!p0 $0x1BF5;
	p2 =	por !p2, p0  }
0x20: {  	[sflag:s8] =	ssyncset.s32 @!p0 $0xFFFFF086;
	s6 =	sadd.s32 @!p0 s3, s7;
	s7 =	simm.s32 @!p0 $0x108  }
0x21: {  	s3 =	sadd.s32 s3, s9;
	s6 =	sadd.s32 @!p0 $0x88, s6;
	s7 =	simm.s32 @p2 $0x1082  }
0x22: {  	[simem:s7], [sflag:s8] =	dma.local @!p0 [hbm:s6], $0xF7A  }
0x23: {  	s9 =	sor.u32 $0xD0000000, s2;
	s6 =	simm.s32 $0x108;
	_ =	swait.ge @!p0 [sflag:s8], $0x0  }
0x24: {  	s3 =	sadd.s32 $0x88, s3;
	s6 =	simm.s32 @!p1 $0x1082;
	[sflag:s4] =	ssyncset.s32 $0xFFFFF086  }
0x25: {  	[simem:s6], [sflag:s4] =	dma.local [hbm:s3], $0xF7A  }
0x26: {  	[smem:$0x3F9B] =	sst s1;
	(tag) =	ssettag s2;
	_ =	strace s9  }
0x27: {  	s1 =	sld [smem:$0x3FAB]  }
0x28: {  	s2 =	sld [smem:$0x3FAC]  }
0x29: {  	s4 =	sld [smem:$0x3FAE]  }
0x2a: {  	p0 =	seq.s32 s5, $0x0;
	s5 =	sld [smem:$0x3FAF]  }
0x2b: {  	s6 =	sld [smem:$0x3FB0]  }
0x2c: {  	s7 =	sld [smem:$0x3FB1]  }
0x2d: {  	s3 =	simm.s32 $0x108;
	s8 =	sld [smem:$0x3FB2]  }
0x2e: {  	s3 =	simm.s32 @!p0 $0x1082;
	s9 =	sld [smem:$0x3FB3]  }
0x2f: {  	lr =	sadd.s32 s0, s3;
	s0 =	sld [smem:$0x3FAA]  }
0x30: {  	s3 =	sld [smem:$0x3FAD]  }
0x31: {  	[smem:$0x3FB6] =	sst s10  }
0x32: {  	s10 =	sld [smem:$0x3FB4];
	_ =	sdelay $0x3  }
0x33: {  	p0 =	seq.s32 s10, $0x1;
	s10 =	sld [smem:$0x3FB6];
	_ =	sdelay $0x3  }
0x34: {  	[smem:$0x3FB6] =	sst s10  }
0x35: {  	s10 =	sld [smem:$0x3FB5];
	_ =	sdelay $0x3  }
0x36: {  	p1 =	seq.s32 s10, $0x1;
	s10 =	sld [smem:$0x3FB6];
	_ =	sdelay $0x3  }
0x37: {  	[smem:$0x3FB6] =	sst s10  }
0x38: {  	s10 =	sld [smem:$0x3FB7]  }
0x39: {  	_ = 	snop;
	(pc) =	sbr.ind lr, $3  }
0x3a: {  	_ = 	snop  }
0x3b: {  	_ = 	snop  }
0x3c: {  	p2 =	seq.s32 s10, $0x1;
	s10 =	sld [smem:$0x3FB6]  }
0x3d: {  	_ =	shalt  }
0x3e: {  	_ =	shalt  }
0x3f: {  	_ =	shalt  }
0x40: {  	_ =	shalt  }
0x41: {  	_ =	shalt  }
0x42: {  	_ =	shalt  }
0x43: {  	_ =	shalt  }
0x44: {  	_ =	shalt  }
0x45: {  	_ =	shalt  }
0x46: {  	_ =	shalt  }
0x47: {  	_ =	shalt  }
0x48: {  	_ =	shalt  }
0x49: {  	_ =	shalt  }
0x4a: {  	_ =	shalt  }
0x4b: {  	_ =	shalt  }
0x4c: {  	_ =	shalt  }
0x4d: {  	_ =	shalt  }
0x4e: {  	_ =	shalt  }
0x4f: {  	_ =	shalt  }
0x50: {  	_ =	shalt  }
0x51: {  	_ =	shalt  }
0x52: {  	_ =	shalt  }
0x53: {  	_ =	shalt  }
0x54: {  	_ =	shalt  }
0x55: {  	_ =	shalt  }
0x56: {  	_ =	shalt  }
0x57: {  	_ =	shalt  }
0x58: {  	_ =	shalt  }
0x59: {  	_ =	shalt  }
0x5a: {  	_ =	shalt  }
0x5b: {  	_ =	shalt  }
0x5c: {  	_ =	shalt  }
0x5d: {  	_ =	shalt  }
0x5e: {  	_ =	shalt  }
0x5f: {  	_ =	shalt  }
0x60: {  	_ =	shalt  }
0x61: {  	_ =	shalt  }
0x62: {  	_ =	shalt  }
0x63: {  	_ =	shalt  }
0x64: {  	_ =	shalt  }
0x65: {  	_ =	shalt  }
0x66: {  	_ =	shalt  }
0x67: {  	_ =	shalt  }
0x68: {  	_ =	shalt  }
0x69: {  	_ =	shalt  }
0x6a: {  	_ =	shalt  }
0x6b: {  	_ =	shalt  }
0x6c: {  	_ =	shalt  }
0x6d: {  	_ =	shalt  }
0x6e: {  	_ =	shalt  }
0x6f: {  	_ =	shalt  }
0x70: {  	_ =	shalt  }
0x71: {  	_ =	shalt  }
0x72: {  	_ =	shalt  }
0x73: {  	_ =	shalt  }
0x74: {  	_ =	shalt  }
0x75: {  	_ =	shalt  }
0x76: {  	_ =	shalt  }
0x77: {  	_ =	shalt  }
0x78: {  	_ =	shalt  }
0x79: {  	_ =	shalt  }
0x7a: {  	_ =	shalt  }
0x7b: {  	_ =	shalt  }
0x7c: {  	_ =	shalt  }
0x7d: {  	_ =	shalt  }
0x7e: {  	_ =	shalt  }
0x7f: {  	_ =	shalt  }
0x80: {  	_ =	shalt  }
0x81: {  	_ =	shalt  }
0x82: {  	_ =	shalt  }
0x83: {  	_ =	shalt  }
0x84: {  	_ =	shalt  }
0x85: {  	_ =	shalt  }
0x86: {  	_ =	shalt  }
0x87: {  	_ =	shalt  }
.Lfunc_end0:
.L_simem_size_0:
called_computation_lowered:
.L_overlay_start_0:
0x88: {  	s2 =	sld [smem:$0x3FD9]  }
0x89: {  	s3 =	sld [smem:$0x3FFE];
	_ =	sdelay $0x1  }
0x8a: {  	s1 =	srdreg.scid  }
0x8b: {  	s0 =	sand.u32 $0x1, s1  }
0x8c: {  	s17 =	sshll.u32 s0, $0xA;
	s2 =	sadd.s32 s3, s2  }
0x8d: {  	s2 =	sadd.s32 s2, s17  }
0x8e: {  	[smem:$0x3FC2] =	sst s2  }
0x8f: {  	_ = 	snop  }
0x90: {  	s2 =	sld [smem:$0x3FD0];
	(tm) =	ssettm $0x1  }
0x91: {  	s18 =	sld [smem:$0x3FFB];
	_ =	sdelay $0x3  }
0x92: {  	_ =	strace s18  }
0x93: {  	s3 =	sld [smem:$0x3FFC];
	_ =	sdelay $0x3  }
0x94: {  	_ =	strace s3  }
0x95: {  	s3 =	sld [smem:$0x3FFD];
	_ =	sdelay $0x3  }
0x96: {  	_ =	strace s3  }
0x97: {  	_ =	strace $0x8FFFFFFF  }
0x98: {  	s19 =	sld [smem:$0x3FDB];
	_ =	sdelay $0x1  }
0x99: {  	s4 =	simm.s32 $_scs_section_size  }
0x9a: {  	s5 =	simm.s32 $_size__tile_overlayer_lowered;
	s6 =	simm.s32 $_tile_overlayer_lowered  }
0x9b: {  	s22 =	simm.s32 $0x1BFF;
	s21 =	sshll.u32 s6, $0x1;
	s3 =	sadd.s32 s4, s19  }
0x9c: {  	s7 =	simm.s32 $0x0;
	s20 =	sshll.u32 s5, $0x1;
	s5 =	sadd.s32 s21, s3  }
0x9d: {  	[timem:s7], [sflag:s22] =	dma.local [hbm:s5], s20  }
0x9e: {  	_ =	swait.ge [sflag:s22], s20  }
0x9f: {  	s4 =	ssub.s32 $0x0, s20;
	[sflag:s22] =	ssyncset.done $0x0  }
0xa0: {  	[sflag:s22] =	ssyncadd.s32 s4;
	_ =	sdelay $0x1  }
0xa1: {  	s23 =	simm.s32 $0x1B8B  }
0xa2: {  	_ =	swait.ge [sflag:s23], $0x1  }
0xa3: {  	[sflag:s23] =	ssyncset.done $0x0  }
0xa4: {  	s25 =	simm.s32 $0x1B8E;
	s24 =	sld [smem:$0x3FFE];
	[sflag:s23] =	ssyncadd.s32 $0xFFFFFFFF  }
0xa5: {  	s26 =	simm.s32 $execute0_lowered;
	[smem:$0x3FD2] =	sst s25  }
0xa6: {  	s5 =	sshll.u32 s26, $0x1;
	_ =	strace $0x80000046;
	[dreg:$0x1] =	wrdreg $0xFFFFFFFF  }
0xa7: {  	s28 =	simm.s32 $_size_execute0_lowered;
	s3 =	sadd.s32 s3, s5;
	[dreg:$0x0] =	wrdreg $0x0  }
0xa8: {  	s5 =	sshll.u32 s28, $0x1;
	[dreg:$0x2] =	wrdreg s3  }
0xa9: {  	[dreg:$0x3] =	wrdreg s5  }
0xaa: {  	[dreg:$0x4] =	wrdreg $0xC0  }
0xab: {  	_ =	task [dreg:s7], $0x5FFFF  }
0xac: {  	[dreg:$0x1] =	wrdreg $0xFFFFFFFF  }
0xad: {  	[dreg:$0x0] =	wrdreg $0x60  }
0xae: {  	[dreg:$0x2] =	wrdreg s24  }
0xaf: {  	[dreg:$0x3] =	wrdreg s2  }
0xb0: {  	[dreg:$0x4] =	wrdreg $0x2B000  }
0xb1: {  	[dreg:$0x5] =	wrdreg $0x9  }
0xb2: {  	_ =	task.clear_ibuf [dreg:s7], $0x6FFFF;
	_ =	strace $0x90000046  }
0xb3: {  	s29 =	simm.s32 $0x9;
	_ =	strace $0x80000048  }
0xb4: {  	_ =	swait.ge [sflag:s29], $0x1  }
0xb5: {  	[sflag:s29] =	ssyncadd.s32 $0xFFFFFFFF  }
0xb6: {  	_ =	strace $0x90000048  }
0xb7: {  	_ =	sfence  }
0xb8: {  	s30 =	sld [smem:$0x0];
	_ =	sdelay $0x2  }
0xb9: {  	s31 =	sshll.u32 s1, $0xD;
	s1 =	sshrl.u32 s1, $0x2  }
0xba: {  	s3 =	sand.u32 $0x4000, s31;
	s1 =	sadd.s32 s1, s30  }
0xbb: {  	s0 =	sor.u32 s3, s0;
	s1 =	sshll.u32 s1, $0x11  }
0xbc: {  	s0 =	sor.u32 s1, s0  }
0xbd: {  	s0 =	sadd.s32 $0x8F2B, s0  }
0xbe: {  	[sflag:s0] =	ssyncadd.remote.s32 $0x1  }
0xbf: {  	_ =	sfence.sel $0xFFFF  }
0xc0: {  	[dreg:$0x0] =	wrdreg $0xFFFFFFFF;
	(pc) =	sbr.abs _section_cstart, $3  }
0xc1: {  	[dreg:$0x1] =	wrdreg $0xFFFFFFFF  }
0xc2: {  	_ =	task.clear_ibuf [dreg:s7], $0x2FFFF;
	_ =	strace $0x9FFFFFFF  }
0xc3: {  	(tm) =	ssettm $0x7FFFFFFF  }
tec
execute0_lowered:
.L_overlay_start_1:
0x0: {  	(tag) =	ssettag $0x1  }
0x1: {  	s4 =	rddreg [dreg:$0x0];
	s1 =	srdreg.scid  }
0x2: {  	s0 =	stileid.u32;
	s6 =	rddreg [dreg:$0x1]  }
0x3: {  	s2 =	rddreg [dreg:$0x2];
	s3 =	simm.s32 $0x0;
	s11 =	simm.s32 $0x2800  }
0x4: {  	s14 =	simm.s32 $0x20;
	s15 =	simm.s32 $0x10;
	s16 =	simm.s32 $0x0  }
0x5: {  	s5 =	sand.u32 $0x1, s1;
	s1 =	rddreg [dreg:$0x3];
	s8 =	smul.u32 $0xA00, s0  }
0x6: {  	s28 =	sshll.u32 s0, $0x1;
	[smem:$0x7FF] =	sst s3;
	s10 =	smul.u32 $0x500, s0  }
0x7: {  	s12 =	sshll.u32 s0, $0x6;
	s7 =	sor.u32 s5, s28;
	_ =	strace $0x80000047  }
0x8: {  	s9 =	ssub.s32 $0x2, s5;
	s5 =	sshll.u32 s5, $0x7;
	s12 =	sor.u32 $0x1C01, s12  }
0x9: {  	s7 =	smul.u32 $0x500, s7;
	s29 =	sshrl.u32 s9, $0x1;
	s8 =	sshrl.u32 s8, $0x2  }
0xa: {  	s30 =	sor.u32 s5, s10;
	s10 =	simm.s32 $0x80;
	s5 =	sadd.s32 s8, s2  }
0xb: {  	s31 =	sshrl.u32 s30, $0x3;
	s8 =	simm.s32 $0x1;
	s4 =	sadd.s32 s7, s4  }
0xc: {  	s7 =	ssub.s32 s9, s29;
	s6 =	sadd.s32 s6, s31;
	s9 =	simm.s32 $0x2880  }
0xd: {  	v0 =	vimm.f32 $1.000000000e+00;
	v1 =	vimm.f32 $0.0e+00;
	s13 =	sshrl.u32 s5, $0x3;
	s4 =	sadd.s32 $0x2800, s4;
	s7 =	smax.u32 s7, $0x1  }
.LBB2_1:
0xe: {  	[tilespmem:s3], [sflag:$0x1] =	stream.linear.gather [hbm4b:s4+s3], $0x2800, $0x38;
	[tilespmem:$0x2D80] =	vst v63  }
0xf: {  	_ =	swait.ge [sflag:s8], $0x2800  }
0x10: {  	[sflag:s8] =	ssyncset.done $0x0  }
0x11: {  	[sflag:s8] =	ssyncadd.s32 $0xFFFFD800  }
0x12: {  	[tilespmem:$0x2800] =	vst v0  }
0x13: {  	[tilespmem:$0x2810] =	vst v0  }
0x14: {  	[tilespmem:$0x2820] =	vst v0  }
0x15: {  	[tilespmem:$0x2830] =	vst v0  }
0x16: {  	[tilespmem:$0x2840] =	vst v0  }
0x17: {  	[tilespmem:$0x2850] =	vst v0  }
0x18: {  	[tilespmem:$0x2860] =	vst v0  }
0x19: {  	[tilespmem:$0x2870] =	vst v0  }
0x1a: {  	[tilespmem:$0x2880] =	vst v1  }
0x1b: {  	[tilespmem:$0x2890] =	vst v1  }
0x1c: {  	[tilespmem:$0x28A0] =	vst v1  }
0x1d: {  	[tilespmem:$0x28B0] =	vst v1  }
0x1e: {  	[tilespmem:$0x28C0] =	vst v1  }
0x1f: {  	[tilespmem:$0x28D0] =	vst v1  }
0x20: {  	[tilespmem:$0x28E0] =	vst v1  }
0x21: {  	[tilespmem:$0x28F0] =	vst v1  }
0x22: {  	[tilespmem:$0x2900] =	vst v1  }
0x23: {  	[tilespmem:$0x2910] =	vst v1  }
0x24: {  	[tilespmem:$0x2920] =	vst v1  }
0x25: {  	[tilespmem:$0x2930] =	vst v1  }
0x26: {  	[tilespmem:$0x2940] =	vst v1  }
0x27: {  	[tilespmem:$0x2950] =	vst v1  }
0x28: {  	[tilespmem:$0x2960] =	vst v1  }
0x29: {  	[tilespmem:$0x2970] =	vst v1  }
0x2a: {  	[tilespmem:$0x2980] =	vst v1  }
0x2b: {  	[tilespmem:$0x2990] =	vst v1  }
0x2c: {  	[tilespmem:$0x29A0] =	vst v1  }
0x2d: {  	[tilespmem:$0x29B0] =	vst v1  }
0x2e: {  	[tilespmem:$0x29C0] =	vst v1  }
0x2f: {  	[tilespmem:$0x29D0] =	vst v1  }
0x30: {  	[tilespmem:$0x29E0] =	vst v1  }
0x31: {  	[tilespmem:$0x29F0] =	vst v1  }
0x32: {  	[tilespmem:$0x2A00] =	vst v1  }
0x33: {  	[tilespmem:$0x2A10] =	vst v1  }
0x34: {  	[tilespmem:$0x2A20] =	vst v1  }
0x35: {  	[tilespmem:$0x2A30] =	vst v1  }
0x36: {  	[tilespmem:$0x2A40] =	vst v1  }
0x37: {  	[tilespmem:$0x2A50] =	vst v1  }
0x38: {  	[tilespmem:$0x2A60] =	vst v1  }
0x39: {  	[tilespmem:$0x2A70] =	vst v1  }
0x3a: {  	[tilespmem:$0x2A80] =	vst v1  }
0x3b: {  	[tilespmem:$0x2A90] =	vst v1  }
0x3c: {  	[tilespmem:$0x2AA0] =	vst v1  }
0x3d: {  	[tilespmem:$0x2AB0] =	vst v1  }
0x3e: {  	[tilespmem:$0x2AC0] =	vst v1  }
0x3f: {  	[tilespmem:$0x2AD0] =	vst v1  }
0x40: {  	[tilespmem:$0x2AE0] =	vst v1  }
0x41: {  	[tilespmem:$0x2AF0] =	vst v1  }
0x42: {  	[spmem:s5] =	stream.linear.scatter [tilespmem:s9], [sflag:$0x1], $0x280, $0x38;
	[tilespmem:$0x2D80] =	vst v63  }
0x43: {  	_ =	swait.ge [sflag:s8], $0x280  }
0x44: {  	[sflag:s8] =	ssyncset.done $0x0  }
0x45: {  	[sflag:s8] =	ssyncadd.s32 $0xFFFFFD80  }
0x46: {  	s17 =	simm.s32 $0x0;
	[bflag:$0x0] =	sbarrier.arrive $0xFFFF  }
0x47: {  	[spmem:s2] =	stream.indirect.scatter.add.f32 [tilespmem:s11], [sflag:$0x1], $0x1, s17, s10, $0xb8;
	[tilespmem:$0x2D80] =	vst v63  }
0x48: {  	_ =	swait.ge [sflag:s8], $0x80  }
0x49: {  	s17 =	simm.s32 $0x200;
	[sflag:s8] =	ssyncset.done $0x0  }
.LBB2_2:
0x4a: {  	s18 =	sshra.s32 s17, $0x2;
	[sflag:s8] =	ssyncadd.s32 $0xFFFFFF80;
	p0 =	sne.s32 s17, $0x9E00  }
0x4b: {  	[spmem:s2] =	stream.indirect.scatter.add.f32 [tilespmem:s11], [sflag:$0x1], $0x1, s18, s10, $0xb8;
	[tilespmem:$0x2D80] =	vst v63  }
.Ltmp0:
0x4c: {  	_ = 	snop;
	(pc) =	sbr.rel @p0 .LBB2_2-.Ltmp0, $4  }
0x4d: {  	_ = 	snop  }
0x4e: {  	s17 =	sadd.s32 $0x200, s17  }
0x4f: {  	_ =	swait.ge [sflag:s8], $0x80  }
0x50: {  	[sflag:s8] =	ssyncset.done $0x0  }
0x51: {  	s16 =	sadd.s32 $0x1, s16  }
0x52: {  	[sflag:s8] =	ssyncadd.s32 $0xFFFFFF80;
	p0 =	sne.s32 s16, s7  }
.Ltmp1:
0x53: {  	[bflag:$0x0] =	sbarrier.arrive $0xFFFF;
	(pc) =	sbr.rel @p0 .LBB2_1-.Ltmp1, $4  }
0x54: {  	[hbm:s6@s14], [sflag:s12] =	dma.strided [spmem:s13@s15], $0x50, s8, $0x10   }
0x55: {  	_ =	swait.ge [sflag:s8], $0x50  }
0x56: {  	[sflag:s8] =	ssyncset.done $0x0  }
0x57: {  	[sflag:s8] =	ssyncadd.s32 $0xFFFFFFB0  }
0x58: {  	_ =	sfence.sel $0x180000  }
0x59: {  	[bflag:$0x0] =	sbarrier.arrive $0xFFFF  }
0x5a: {  	p0 =	sne.s32 s0, $0x0;
	_ =	strace $0x90000047  }
0x5b: {  	s0 =	sadd.s32 @!p0 $0x100000, s1;
	[bflag:$0x2] =	sbarrier.arrive $0xFFFF  }
0x5c: {  	[sflag:s0] =	ssyncadd.tile.s32 @!p0 $0x1;
	_ =	shalt  }
.Lfunc_end2:
_tile_overlayer_lowered:
.L_overlay_start_2:
0x5d: {  	(tag) =	ssettag $0x2  }
0x5e: {  	s0 =	rddreg [dreg:$0x0];
	s2 =	stileid.u32  }
0x5f: {  	s1 =	rddreg [dreg:$0x1];
	p0 =	sne.s32 s2, $0x0  }
0x60: {  	s3 =	rddreg [dreg:$0x2];
	[bflag:$0x3] =	sbarrier.arrive $0xFFFF;
	s2 =	simm.s32 @!p0 $0x1C01  }
0x61: {  	[timem:s3], [sflag:s2] =	dma.local @!p0 [hbm:s0], s1  }
0x62: {  	s0 =	simm.s32 @!p0 $0x1  }
0x63: {  	_ =	swait.ge @!p0 [sflag:s0], s1  }
0x64: {  	s1 =	ssub.s32 @!p0 $0x0, s1;
	[sflag:s0] =	ssyncset.done @!p0 $0x0  }
0x65: {  	[sflag:s0] =	ssyncadd.s32 @!p0 s1  }
0x66: {  	[bflag:$0x3] =	sbarrier.arrive $0xFFFF  }
0x67: {  	_ =	shalt  }

</sc_bundles>
